<compile_context>
chip_gen: v7x
topology: tpu7x:2x2x1
jax: 0.10.2.dev20260603
libtpu: 0.0.44.dev20260713+nightly
codegen_flags: <defaults>
</compile_context>

<pallas_src>
import functools

import jax
import jax.numpy as jnp
from jax import lax
from jax.experimental import pallas as pl
from jax.experimental.pallas import tpu as pltpu
from jax.experimental.pallas import tpu_sc as plsc

N_NODES = 10000
N_PAD = 10240
D = 256
DH = 128
E_PAD = 163840
EB = 80
NC, NS = 2, 16
ACC_ROWS = 10368
DEG_SIZE = 10496
RB = 1024
GR = N_PAD // RB


def _elu(v):
    return jnp.where(v > 0, v, jnp.exp(jnp.minimum(v, 0.0)) - 1.0)


def _deg_body(dst_hbm, deg_out, idx_v, ones_v, zb_v, deg_sp):
    c = lax.axis_index("c")
    t = lax.axis_index("s")

    def fill_z(i, _):
        zb_v[pl.ds(i * 16, 16)] = jnp.zeros((16,), jnp.float32)
        return 0

    lax.fori_loop(0, 656 // 16, fill_z, 0)

    def fill_o(i, _):
        ones_v[pl.ds(i * 16, 16)] = jnp.ones((16,), jnp.float32)
        return 0

    lax.fori_loop(0, EB // 16, fill_o, 0)

    pltpu.sync_copy(zb_v, deg_sp.at[pl.ds(t * 656, 656)])
    plsc.subcore_barrier()

    base = (c * NS + t) * (E_PAD // (NC * NS))

    def body(i, _):
        pltpu.sync_copy(dst_hbm.at[pl.ds(base + i * EB, EB)], idx_v)
        pltpu.sync_copy(ones_v, deg_sp.at[idx_v], add=True)
        return 0

    lax.fori_loop(0, (E_PAD // (NC * NS)) // EB, body, 0)
    plsc.subcore_barrier()
    pltpu.sync_copy(deg_sp.at[pl.ds(t * 656, 656)], zb_v)
    pltpu.sync_copy(zb_v, deg_out.at[pl.ds(c * DEG_SIZE + t * 656, 656)])


_deg_kernel = pl.kernel(
    _deg_body,
    out_type=jax.ShapeDtypeStruct((NC * DEG_SIZE,), jnp.float32),
    mesh=plsc.VectorSubcoreMesh(core_axis_name="c", subcore_axis_name="s"),
    scratch_types=[
        pltpu.VMEM((EB,), jnp.int32),
        pltpu.VMEM((EB,), jnp.float32),
        pltpu.VMEM((656,), jnp.float32),
        pltpu.VMEM_SHARED((DEG_SIZE,), jnp.float32),
    ],
)


NB = (E_PAD // NS) // EB


def _agg_body(s_hbm, srcx_hbm, dst_hbm, acc_out, *refs):
    c = lax.axis_index("c")
    t = lax.axis_index("s")
    sb = list(refs[0:4])
    db = list(refs[4:8])
    rb = list(refs[8:12])
    acc_sp = refs[12]
    gsem = list(refs[13:17])
    ssem = list(refs[17:21])
    isem = list(refs[21:25])
    sbase = (c * NS + t) * (E_PAD // NS)
    dbase = t * (E_PAD // NS)

    def start_idx(i, q):
        pltpu.async_copy(srcx_hbm.at[pl.ds(sbase + i * EB, EB)], sb[q], isem[q])
        pltpu.async_copy(dst_hbm.at[pl.ds(dbase + i * EB, EB)], db[q], isem[q])

    def wait_idx(q):
        pltpu.make_async_copy(srcx_hbm.at[pl.ds(sbase, EB)], sb[q], isem[q]).wait()
        pltpu.make_async_copy(dst_hbm.at[pl.ds(dbase, EB)], db[q], isem[q]).wait()

    def start_g(b, q):
        pltpu.async_copy(s_hbm.at[sb[q]], rb[b], gsem[b])

    def wait_g(b, q):
        pltpu.make_async_copy(s_hbm.at[sb[q]], rb[b], gsem[b]).wait()

    def start_s(b, q):
        pltpu.async_copy(rb[b], acc_sp.at[db[q]], ssem[b], add=True)

    def wait_s(b, q):
        pltpu.make_async_copy(rb[b], acc_sp.at[db[q]], ssem[b]).wait()

    def fill_z(i, _):
        for j in range(DH // 16):
            rb[0][i, pl.ds(j * 16, 16)] = jnp.zeros((16,), jnp.float32)
        return 0

    lax.fori_loop(0, EB, fill_z, 0)
    for k in range(8):
        pltpu.sync_copy(rb[0], acc_sp.at[pl.ds(t * 648 + k * EB, EB)])
    pltpu.sync_copy(rb[0].at[pl.ds(0, 8)], acc_sp.at[pl.ds(t * 648 + 640, 8)])
    plsc.subcore_barrier()

    start_idx(0, 0)
    start_idx(1, 1)
    start_idx(2, 2)
    wait_idx(0)
    start_g(0, 0)
    wait_idx(1)
    start_g(1, 1)

    def step(i, b):
        wait_g(b, b)
        start_s(b, b)

        @pl.when(i + 2 < NB)
        def _():
            wait_idx((b + 2) % 4)
            start_g((b + 2) % 4, (b + 2) % 4)

        @pl.when(i + 3 < NB)
        def _():
            @pl.when(i >= 1)
            def _():
                wait_s((b + 3) % 4, (b + 3) % 4)
            start_idx(i + 3, (b + 3) % 4)

    def body(k, _):
        for b in range(4):
            step(4 * k + b, b)
        return 0

    lax.fori_loop(0, NB // 4, body, 0)
    for b in range(4):
        wait_s(b, b)
    plsc.subcore_barrier()
    pltpu.sync_copy(acc_sp.at[pl.ds(t * 640, 640)],
                    acc_out.at[pl.ds(c * N_PAD + t * 640, 640)])


_agg_kernel = pl.kernel(
    _agg_body,
    out_type=jax.ShapeDtypeStruct((NC * N_PAD, DH), jnp.float32),
    mesh=plsc.VectorSubcoreMesh(core_axis_name="c", subcore_axis_name="s"),
    scratch_types=(
        [pltpu.VMEM((EB,), jnp.int32) for _ in range(8)]
        + [pltpu.VMEM((EB, DH), jnp.float32) for _ in range(4)]
        + [pltpu.VMEM_SHARED((ACC_ROWS, DH), jnp.float32)]
        + [pltpu.SemaphoreType.DMA for _ in range(12)]
    ),
)


def _k1_body(x_ref, w_ref, degp_ref, s_ref, dinv_ref):
    deg = degp_ref[0, :] + degp_ref[1, :] + 1.0
    dinv = lax.rsqrt(deg)
    z = jnp.dot(x_ref[...], w_ref[...], preferred_element_type=jnp.float32)
    s_ref[...] = z * dinv[:, None]
    dinv_ref[...] = dinv[None, :]


def _k1(x_p, W1, degp):
    return pl.pallas_call(
        _k1_body,
        grid=(GR, 2),
        in_specs=[
            pl.BlockSpec((RB, D), lambda i, j: (i, 0)),
            pl.BlockSpec((D, DH), lambda i, j: (0, j)),
            pl.BlockSpec((2, RB), lambda i, j: (0, i)),
        ],
        out_specs=[
            pl.BlockSpec((RB, DH), lambda i, j: (j * GR + i, 0)),
            pl.BlockSpec((1, RB), lambda i, j: (0, i)),
        ],
        out_shape=[
            jax.ShapeDtypeStruct((NC * N_PAD, DH), jnp.float32),
            jax.ShapeDtypeStruct((1, N_PAD), jnp.float32),
        ],
    )(x_p, W1, degp)


def _k2_body(accA, accB, sA, sB, dinv_ref, b_ref, w_ref, out_ref):
    di = dinv_ref[0, :]
    hA = _elu(di[:, None] * (accA[...] + sA[...]) + b_ref[0, 0:DH][None, :])
    hB = _elu(di[:, None] * (accB[...] + sB[...]) + b_ref[0, DH:D][None, :])
    h = jnp.concatenate([hA, hB], axis=1)
    z = jnp.dot(h, w_ref[...], preferred_element_type=jnp.float32)
    out_ref[...] = z * di[:, None]


def _k2(acc1, s1, dinv, b1, W2):
    blk = pl.BlockSpec((RB, DH), lambda i, j: (i, 0))
    blkB = pl.BlockSpec((RB, DH), lambda i, j: (GR + i, 0))
    return pl.pallas_call(
        _k2_body,
        grid=(GR, 2),
        in_specs=[
            blk, blkB, blk, blkB,
            pl.BlockSpec((1, RB), lambda i, j: (0, i)),
            pl.BlockSpec((1, D), lambda i, j: (0, 0)),
            pl.BlockSpec((D, DH), lambda i, j: (0, j)),
        ],
        out_specs=pl.BlockSpec((RB, DH), lambda i, j: (j * GR + i, 0)),
        out_shape=jax.ShapeDtypeStruct((NC * N_PAD, DH), jnp.float32),
    )(acc1, acc1, s1, s1, dinv, b1, W2)


def _k3_body(accA, accB, sA, sB, dinv_ref, b_ref, out_ref):
    di = dinv_ref[0, :]
    hA = _elu(di[:, None] * (accA[...] + sA[...]) + b_ref[0, 0:DH][None, :])
    hB = _elu(di[:, None] * (accB[...] + sB[...]) + b_ref[0, DH:D][None, :])
    out_ref[...] = jnp.concatenate([hA, hB], axis=1)


def _k3(acc2, s2, dinv, b2):
    blk = pl.BlockSpec((RB, DH), lambda i: (i, 0))
    blkB = pl.BlockSpec((RB, DH), lambda i: (GR + i, 0))
    return pl.pallas_call(
        _k3_body,
        grid=(GR,),
        in_specs=[
            blk, blkB, blk, blkB,
            pl.BlockSpec((1, RB), lambda i: (0, i)),
            pl.BlockSpec((1, D), lambda i: (0, 0)),
        ],
        out_specs=pl.BlockSpec((RB, D), lambda i: (i, 0)),
        out_shape=jax.ShapeDtypeStruct((N_PAD, D), jnp.float32),
    )(acc2, acc2, s2, s2, dinv, b2)


@jax.jit
def _run(x, src, dst, W1, b1, W2, b2):
    n_e = src.shape[0]
    pe = E_PAD - n_e
    src_p = jnp.concatenate([src, jnp.zeros((pe,), jnp.int32)])
    dst_p = jnp.concatenate([dst, jnp.full((pe,), N_PAD, jnp.int32)])
    srcx = jnp.concatenate([src_p, src_p + N_PAD])
    x_p = jnp.pad(x, ((0, N_PAD - x.shape[0]), (0, 0)))

    degp = _deg_kernel(dst_p).reshape(NC, DEG_SIZE)[:, :N_PAD]
    s1, dinv = _k1(x_p, W1, degp)
    acc1 = _agg_kernel(s1, srcx, dst_p)
    s2 = _k2(acc1, s1, dinv, b1[None, :], W2)
    acc2 = _agg_kernel(s2, srcx, dst_p)
    out = _k3(acc2, s2, dinv, b2[None, :])
    return out[:N_NODES]


def kernel(x, edge_index, W1, b1, W2, b2):
    src = edge_index[0].astype(jnp.int32)
    dst = edge_index[1].astype(jnp.int32)
    return _run(x, src, dst, W1, b1, W2, b2)

# --- scband reference (transcript-rebuilt; emitter-appended) ---
"""Pipeline reference for scband-dav-5403068858578 (READ-ONLY COPY).

The authoritative reference and input builder live on the scoring server;
editing this copy changes nothing except your own understanding.
"""

import jax, jax.numpy as jnp
import numpy as np

N_NODES = 10000
N_EDGES = 160000
D_IN = 256
D_HID = 256
D_OUT = 256


def setup_inputs(seed: int = 0) -> dict:
    key = jax.random.key(seed)
    k1, k2, k3, k4, k5, k6 = jax.random.split(key, 6)
    x = jax.random.normal(k1, (N_NODES, D_IN), dtype=jnp.float32)
    edge_index = jax.random.randint(k2, (2, N_EDGES), 0, N_NODES, dtype=jnp.int64)
    # GCNConv weights (glorot) and biases for the 2-layer encoder
    s1 = float(np.sqrt(6.0 / (D_IN + D_HID)))
    s2 = float(np.sqrt(6.0 / (D_HID + D_OUT)))
    W1 = jax.random.uniform(k3, (D_IN, D_HID), minval=-s1, maxval=s1, dtype=jnp.float32)
    b1 = jnp.zeros((D_HID,), dtype=jnp.float32)
    W2 = jax.random.uniform(k4, (D_HID, D_OUT), minval=-s2, maxval=s2, dtype=jnp.float32)
    b2 = jnp.zeros((D_OUT,), dtype=jnp.float32)
    return {"x": x, "edge_index": edge_index, "W1": W1, "b1": b1, "W2": W2, "b2": b2}


def _gcn_conv(h, src, dst, W, b, n):
    # PyG GCNConv with SparseTensor adj: gcn_norm adds self-loops and applies
    # symmetric D^{-1/2} A D^{-1/2} normalization; then linear transform + aggregate.
    loop = jnp.arange(n, dtype=src.dtype)
    src2 = jnp.concatenate([src, loop])
    dst2 = jnp.concatenate([dst, loop])
    deg = jnp.zeros((n,), dtype=jnp.float32).at[dst2].add(1.0)
    dinv = jnp.where(deg > 0, 1.0 / jnp.sqrt(deg), 0.0)
    norm = dinv[src2] * dinv[dst2]
    hW = h @ W
    msg = jnp.take(hW, src2, axis=0) * norm[:, None]
    out = jnp.zeros((n, W.shape[1]), dtype=h.dtype).at[dst2].add(msg)
    return out + b


def reference(x, edge_index, W1, b1, W2, b2):
    # GNN_encoder_1.forward (eval mode: dropout=identity, norm=False -> Identity BN)
    n = x.shape[0]
    src = edge_index[0]
    dst = edge_index[1]
    h = _gcn_conv(x, src, dst, W1, b1, n)
    h = jax.nn.elu(h)
    h = _gcn_conv(h, src, dst, W2, b2, n)
    h = jax.nn.elu(h)
    return h

if __name__ == "__main__":
    import jax
    _d = setup_inputs()
    print(jax.jit(kernel)(*tuple(_d.values())))

</pallas_src>

<mosaic_0001>
#map = affine_map<(d0, d1) -> (0)>
module attributes {stable_mosaic.version = 14 : i64} {
  func.func @_deg_body(%arg0: i32, %arg1: i32, %arg2: memref<163840xi32, #tpu.memory_space<hbm>>, %arg3: memref<20992xf32, #tpu.memory_space<hbm>>, %arg4: memref<80xi32, #tpu.memory_space<vmem>>, %arg5: memref<80xf32, #tpu.memory_space<vmem>>, %arg6: memref<656xf32, #tpu.memory_space<vmem>>, %arg7: memref<10496xf32, #tpu.memory_space<vmem_shared>>) attributes {dimension_semantics = [#tpu.dimension_semantics<core_parallel>, #tpu.dimension_semantics<subcore_parallel>], iteration_bounds = array<i64: 2, 16>, scalar_prefetch = 0 : i64, scratch_operands = 4 : i64, tpu.core_type = #tpu.core_type<sc_vector_subcore>, window_params = [{transform_indices = #map}, {transform_indices = #map}]} {
    %scan3A = arith.constant 0 : i32
    %scan3A_0 = arith.constant 0 : i32
    %scan3A_1 = arith.constant 41 : i32
    %scan3A_2 = arith.addi %scan3A_0, %scan3A_1 : i32
    %scan3A_3 = arith.constant 1 : i32
    %scan3A_4 = scf.for %scan3A_33 = %scan3A_0 to %scan3A_2 step %scan3A_3 iter_args(%scan3A_34 = %scan3A) -> (i32)  : i32 {
      %broadcast_in_dim3A = arith.constant 0.000000e+00 : f32
      %broadcast_in_dim3A_35 = vector.broadcast %broadcast_in_dim3A : f32 to vector<16xf32>
      %mul3A_36 = arith.constant 16 : i32
      %mul3A_37 = arith.muli %scan3A_33, %mul3A_36 : i32
      %swap3A = arith.index_cast %mul3A_37 : i32 to index
      %swap3A_38 = tpu.vector_load %arg6[%swap3A] {strides = array<i32>} : memref<656xf32, #tpu.memory_space<vmem>>, vector<16xf32>,
      %swap3A_39 = vector.shape_cast %swap3A_38 : vector<16xf32> to vector<16xf32>
      %swap3A_40 = vector.shape_cast %broadcast_in_dim3A_35 : vector<16xf32> to vector<16xf32>
      tpu.vector_store %arg6[%swap3A], %swap3A_40 {strides = array<i32>} : memref<656xf32, #tpu.memory_space<vmem>>, vector<16xf32>,
      %scan3A_41 = arith.constant 0 : i32
      scf.yield %scan3A_41 : i32
    }
    %scan3A_5 = arith.constant 41 : i32
    %scan3A_6 = arith.constant 0 : i32
    %scan3A_7 = arith.constant 0 : i32
    %scan3A_8 = arith.constant 5 : i32
    %scan3A_9 = arith.addi %scan3A_7, %scan3A_8 : i32
    %scan3A_10 = arith.constant 1 : i32
    %scan3A_11 = scf.for %scan3A_33 = %scan3A_7 to %scan3A_9 step %scan3A_10 iter_args(%scan3A_34 = %scan3A_6) -> (i32)  : i32 {
      %broadcast_in_dim3A = arith.constant 1.000000e+00 : f32
      %broadcast_in_dim3A_35 = vector.broadcast %broadcast_in_dim3A : f32 to vector<16xf32>
      %mul3A_36 = arith.constant 16 : i32
      %mul3A_37 = arith.muli %scan3A_33, %mul3A_36 : i32
      %swap3A = arith.index_cast %mul3A_37 : i32 to index
      %swap3A_38 = tpu.vector_load %arg5[%swap3A] {strides = array<i32>} : memref<80xf32, #tpu.memory_space<vmem>>, vector<16xf32>,
      %swap3A_39 = vector.shape_cast %swap3A_38 : vector<16xf32> to vector<16xf32>
      %swap3A_40 = vector.shape_cast %broadcast_in_dim3A_35 : vector<16xf32> to vector<16xf32>
      tpu.vector_store %arg5[%swap3A], %swap3A_40 {strides = array<i32>} : memref<80xf32, #tpu.memory_space<vmem>>, vector<16xf32>,
      %scan3A_41 = arith.constant 0 : i32
      scf.yield %scan3A_41 : i32
    }
    %scan3A_12 = arith.constant 5 : i32
    %mul3A = arith.constant 656 : i32
    %mul3A_13 = arith.muli %arg1, %mul3A : i32
    "tpu.region"() ({
      %run_scoped3A = tpu.sem_alloc : memref<!tpu.dma_semaphore, #tpu.memory_space<semaphore_mem>>
      %dma_start3A = tpu.memref_slice %arg7[%mul3A_13] : memref<10496xf32, #tpu.memory_space<vmem_shared>> -> memref<656xf32, #tpu.memory_space<vmem_shared>>
      %dma_start3A_33 = tpu.memref_slice %arg7[%mul3A_13] : memref<10496xf32, #tpu.memory_space<vmem_shared>> -> memref<656xf32, #tpu.memory_space<vmem_shared>>
      tpu.enqueue_dma source(%arg6 : memref<656xf32, #tpu.memory_space<vmem>>) target(%dma_start3A_33 : memref<656xf32, #tpu.memory_space<vmem_shared>>) target_semaphore(%run_scoped3A : memref<!tpu.dma_semaphore, #tpu.memory_space<semaphore_mem>>)
      %dma_wait3A = tpu.memref_slice %arg7[%mul3A_13] : memref<10496xf32, #tpu.memory_space<vmem_shared>> -> memref<656xf32, #tpu.memory_space<vmem_shared>>
      %dma_wait3A_34 = tpu.memref_slice %arg7[%mul3A_13] : memref<10496xf32, #tpu.memory_space<vmem_shared>> -> memref<656xf32, #tpu.memory_space<vmem_shared>>
      tpu.wait_dma2 semaphore(%run_scoped3A : memref<!tpu.dma_semaphore, #tpu.memory_space<semaphore_mem>>) src(%arg6 : memref<656xf32, #tpu.memory_space<vmem>>) dst(%dma_wait3A_34 : memref<656xf32, #tpu.memory_space<vmem_shared>>)
      tpu.yield
    }) : () -> ()
    %barrier3A = arith.constant 0 : index
    tpu.barrier barrier_id(%barrier3A)
    %mul3A_14 = arith.constant 16 : i32
    %mul3A_15 = arith.muli %arg0, %mul3A_14 : i32
    %add3A = arith.addi %mul3A_15, %arg1 : i32
    %mul3A_16 = arith.constant 5120 : i32
    %mul3A_17 = arith.muli %add3A, %mul3A_16 : i32
    %scan3A_18 = arith.constant 0 : i32
    %scan3A_19 = arith.constant 0 : i32
    %scan3A_20 = arith.constant 64 : i32
    %scan3A_21 = arith.addi %scan3A_19, %scan3A_20 : i32
    %scan3A_22 = arith.constant 1 : i32
    %scan3A_23 = scf.for %scan3A_33 = %scan3A_19 to %scan3A_21 step %scan3A_22 iter_args(%scan3A_34 = %scan3A_18) -> (i32)  : i32 {
      %mul3A_35 = arith.constant 80 : i32
      %mul3A_36 = arith.muli %scan3A_33, %mul3A_35 : i32
      %add3A_37 = arith.addi %mul3A_17, %mul3A_36 : i32
      "tpu.region"() ({
        %run_scoped3A = tpu.sem_alloc : memref<!tpu.dma_semaphore, #tpu.memory_space<semaphore_mem>>
        %dma_start3A = tpu.memref_slice %arg2[%add3A_37] : memref<163840xi32, #tpu.memory_space<hbm>> -> memref<80xi32, #tpu.memory_space<hbm>>
        %dma_start3A_39 = tpu.memref_slice %arg2[%add3A_37] : memref<163840xi32, #tpu.memory_space<hbm>> -> memref<80xi32, #tpu.memory_space<hbm>>
        tpu.enqueue_dma source(%dma_start3A_39 : memref<80xi32, #tpu.memory_space<hbm>>) target(%arg4 : memref<80xi32, #tpu.memory_space<vmem>>) target_semaphore(%run_scoped3A : memref<!tpu.dma_semaphore, #tpu.memory_space<semaphore_mem>>)
        %dma_wait3A = tpu.memref_slice %arg2[%add3A_37] : memref<163840xi32, #tpu.memory_space<hbm>> -> memref<80xi32, #tpu.memory_space<hbm>>
        %dma_wait3A_40 = tpu.memref_slice %arg2[%add3A_37] : memref<163840xi32, #tpu.memory_space<hbm>> -> memref<80xi32, #tpu.memory_space<hbm>>
        tpu.wait_dma2 semaphore(%run_scoped3A : memref<!tpu.dma_semaphore, #tpu.memory_space<semaphore_mem>>) src(%dma_wait3A_40 : memref<80xi32, #tpu.memory_space<hbm>>) dst(%arg4 : memref<80xi32, #tpu.memory_space<vmem>>)
        tpu.yield
      }) : () -> ()
      "tpu.region"() ({
        %run_scoped3A = tpu.sem_alloc : memref<!tpu.dma_semaphore, #tpu.memory_space<semaphore_mem>>
        %dma_start3A = arith.constant 0 : i32
        %dma_start3A_39 = tpu.memref_slice %arg7[%dma_start3A] : memref<10496xf32, #tpu.memory_space<vmem_shared>> -> memref<10496xf32, #tpu.memory_space<vmem_shared>>
        tpu.enqueue_indirect_dma source(%arg5 : memref<80xf32, #tpu.memory_space<vmem>>) target(%dma_start3A_39 : memref<10496xf32, #tpu.memory_space<vmem_shared>>) offsets(%arg4 : memref<80xi32, #tpu.memory_space<vmem>>) semaphore(%run_scoped3A : memref<!tpu.dma_semaphore, #tpu.memory_space<semaphore_mem>>) {add = true}
        %dma_wait3A = arith.constant 0 : i32
        %dma_wait3A_40 = tpu.memref_slice %arg7[%dma_wait3A] : memref<10496xf32, #tpu.memory_space<vmem_shared>> -> memref<10496xf32, #tpu.memory_space<vmem_shared>>
        tpu.wait_indirect_dma semaphore(%run_scoped3A : memref<!tpu.dma_semaphore, #tpu.memory_space<semaphore_mem>>) src(%arg5 : memref<80xf32, #tpu.memory_space<vmem>>) dst(%dma_wait3A_40 : memref<10496xf32, #tpu.memory_space<vmem_shared>>)
        tpu.yield
      }) : () -> ()
      %scan3A_38 = arith.constant 0 : i32
      scf.yield %scan3A_38 : i32
    }
    %scan3A_24 = arith.constant 64 : i32
    %barrier3A_25 = arith.constant 0 : index
    tpu.barrier barrier_id(%barrier3A_25)
    %mul3A_26 = arith.constant 656 : i32
    %mul3A_27 = arith.muli %arg1, %mul3A_26 : i32
    "tpu.region"() ({
      %run_scoped3A = tpu.sem_alloc : memref<!tpu.dma_semaphore, #tpu.memory_space<semaphore_mem>>
      %dma_start3A = tpu.memref_slice %arg7[%mul3A_27] : memref<10496xf32, #tpu.memory_space<vmem_shared>> -> memref<656xf32, #tpu.memory_space<vmem_shared>>
      %dma_start3A_33 = tpu.memref_slice %arg7[%mul3A_27] : memref<10496xf32, #tpu.memory_space<vmem_shared>> -> memref<656xf32, #tpu.memory_space<vmem_shared>>
      tpu.enqueue_dma source(%dma_start3A_33 : memref<656xf32, #tpu.memory_space<vmem_shared>>) target(%arg6 : memref<656xf32, #tpu.memory_space<vmem>>) target_semaphore(%run_scoped3A : memref<!tpu.dma_semaphore, #tpu.memory_space<semaphore_mem>>)
      %dma_wait3A = tpu.memref_slice %arg7[%mul3A_27] : memref<10496xf32, #tpu.memory_space<vmem_shared>> -> memref<656xf32, #tpu.memory_space<vmem_shared>>
      %dma_wait3A_34 = tpu.memref_slice %arg7[%mul3A_27] : memref<10496xf32, #tpu.memory_space<vmem_shared>> -> memref<656xf32, #tpu.memory_space<vmem_shared>>
      tpu.wait_dma2 semaphore(%run_scoped3A : memref<!tpu.dma_semaphore, #tpu.memory_space<semaphore_mem>>) src(%dma_wait3A_34 : memref<656xf32, #tpu.memory_space<vmem_shared>>) dst(%arg6 : memref<656xf32, #tpu.memory_space<vmem>>)
      tpu.yield
    }) : () -> ()
    %mul3A_28 = arith.constant 10496 : i32
    %mul3A_29 = arith.muli %arg0, %mul3A_28 : i32
    %mul3A_30 = arith.constant 656 : i32
    %mul3A_31 = arith.muli %arg1, %mul3A_30 : i32
    %add3A_32 = arith.addi %mul3A_29, %mul3A_31 : i32
    "tpu.region"() ({
      %run_scoped3A = tpu.sem_alloc : memref<!tpu.dma_semaphore, #tpu.memory_space<semaphore_mem>>
      %dma_start3A = tpu.memref_slice %arg3[%add3A_32] : memref<20992xf32, #tpu.memory_space<hbm>> -> memref<656xf32, #tpu.memory_space<hbm>>
      %dma_start3A_33 = tpu.memref_slice %arg3[%add3A_32] : memref<20992xf32, #tpu.memory_space<hbm>> -> memref<656xf32, #tpu.memory_space<hbm>>
      tpu.enqueue_dma source(%arg6 : memref<656xf32, #tpu.memory_space<vmem>>) target(%dma_start3A_33 : memref<656xf32, #tpu.memory_space<hbm>>) target_semaphore(%run_scoped3A : memref<!tpu.dma_semaphore, #tpu.memory_space<semaphore_mem>>)
      %dma_wait3A = tpu.memref_slice %arg3[%add3A_32] : memref<20992xf32, #tpu.memory_space<hbm>> -> memref<656xf32, #tpu.memory_space<hbm>>
      %dma_wait3A_34 = tpu.memref_slice %arg3[%add3A_32] : memref<20992xf32, #tpu.memory_space<hbm>> -> memref<656xf32, #tpu.memory_space<hbm>>
      tpu.wait_dma2 semaphore(%run_scoped3A : memref<!tpu.dma_semaphore, #tpu.memory_space<semaphore_mem>>) src(%arg6 : memref<656xf32, #tpu.memory_space<vmem>>) dst(%dma_wait3A_34 : memref<656xf32, #tpu.memory_space<hbm>>)
      tpu.yield
    }) : () -> ()
    return
  }
}

#map = affine_map<(d0, d1) -> (0, 0)>
#map1 = affine_map<(d0, d1) -> (0)>
module attributes {stable_mosaic.version = 14 : i64} {
  func.func @_agg_body(%arg0: i32, %arg1: i32, %arg2: memref<20480x128xf32, #tpu.memory_space<hbm>>, %arg3: memref<327680xi32, #tpu.memory_space<hbm>>, %arg4: memref<163840xi32, #tpu.memory_space<hbm>>, %arg5: memref<20480x128xf32, #tpu.memory_space<hbm>>, %arg6: memref<80xi32, #tpu.memory_space<vmem>>, %arg7: memref<80xi32, #tpu.memory_space<vmem>>, %arg8: memref<80xi32, #tpu.memory_space<vmem>>, %arg9: memref<80xi32, #tpu.memory_space<vmem>>, %arg10: memref<80xi32, #tpu.memory_space<vmem>>, %arg11: memref<80xi32, #tpu.memory_space<vmem>>, %arg12: memref<80xi32, #tpu.memory_space<vmem>>, %arg13: memref<80xi32, #tpu.memory_space<vmem>>, %arg14: memref<80x128xf32, #tpu.memory_space<vmem>>, %arg15: memref<80x128xf32, #tpu.memory_space<vmem>>, %arg16: memref<80x128xf32, #tpu.memory_space<vmem>>, %arg17: memref<80x128xf32, #tpu.memory_space<vmem>>, %arg18: memref<10368x128xf32, #tpu.memory_space<vmem_shared>>, %arg19: memref<!tpu.dma_semaphore, #tpu.memory_space<semaphore_mem>>, %arg20: memref<!tpu.dma_semaphore, #tpu.memory_space<semaphore_mem>>, %arg21: memref<!tpu.dma_semaphore, #tpu.memory_space<semaphore_mem>>, %arg22: memref<!tpu.dma_semaphore, #tpu.memory_space<semaphore_mem>>, %arg23: memref<!tpu.dma_semaphore, #tpu.memory_space<semaphore_mem>>, %arg24: memref<!tpu.dma_semaphore, #tpu.memory_space<semaphore_mem>>, %arg25: memref<!tpu.dma_semaphore, #tpu.memory_space<semaphore_mem>>, %arg26: memref<!tpu.dma_semaphore, #tpu.memory_space<semaphore_mem>>, %arg27: memref<!tpu.dma_semaphore, #tpu.memory_space<semaphore_mem>>, %arg28: memref<!tpu.dma_semaphore, #tpu.memory_space<semaphore_mem>>, %arg29: memref<!tpu.dma_semaphore, #tpu.memory_space<semaphore_mem>>, %arg30: memref<!tpu.dma_semaphore, #tpu.memory_space<semaphore_mem>>) attributes {dimension_semantics = [#tpu.dimension_semantics<core_parallel>, #tpu.dimension_semantics<subcore_parallel>], iteration_bounds = array<i64: 2, 16>, scalar_prefetch = 0 : i64, scratch_operands = 25 : i64, tpu.core_type = #tpu.core_type<sc_vector_subcore>, window_params = [{transform_indices = #map}, {transform_indices = #map1}, {transform_indices = #map1}, {transform_indices = #map}]} {
    %mul3A = arith.constant 16 : i32
    %mul3A_0 = arith.muli %arg0, %mul3A : i32
    %add3A = arith.addi %mul3A_0, %arg1 : i32
    %mul3A_1 = arith.constant 10240 : i32
    %mul3A_2 = arith.muli %add3A, %mul3A_1 : i32
    %mul3A_3 = arith.constant 10240 : i32
    %mul3A_4 = arith.muli %arg1, %mul3A_3 : i32
    %scan3A = arith.constant 0 : i32
    %scan3A_5 = arith.constant 0 : i32
    %scan3A_6 = arith.constant 80 : i32
    %scan3A_7 = arith.addi %scan3A_5, %scan3A_6 : i32
    %scan3A_8 = arith.constant 1 : i32
    %scan3A_9 = scf.for %scan3A_110 = %scan3A_5 to %scan3A_7 step %scan3A_8 iter_args(%scan3A_111 = %scan3A) -> (i32)  : i32 {
      %broadcast_in_dim3A = arith.constant 0.000000e+00 : f32
      %broadcast_in_dim3A_112 = vector.broadcast %broadcast_in_dim3A : f32 to vector<16xf32>
      %swap3A = arith.index_cast %scan3A_110 : i32 to index
      %swap3A_113 = arith.constant 0 : index
      %swap3A_114 = tpu.vector_load %arg14[%swap3A, %swap3A_113] {strides = array<i32>} : memref<80x128xf32, #tpu.memory_space<vmem>>, vector<1x16xf32>,
      %swap3A_115 = vector.shape_cast %swap3A_114 : vector<1x16xf32> to vector<16xf32>
      %swap3A_116 = vector.shape_cast %broadcast_in_dim3A_112 : vector<16xf32> to vector<1x16xf32>
      tpu.vector_store %arg14[%swap3A, %swap3A_113], %swap3A_116 {strides = array<i32>} : memref<80x128xf32, #tpu.memory_space<vmem>>, vector<1x16xf32>,
      %broadcast_in_dim3A_117 = arith.constant 0.000000e+00 : f32
      %broadcast_in_dim3A_118 = vector.broadcast %broadcast_in_dim3A_117 : f32 to vector<16xf32>
      %swap3A_119 = arith.index_cast %scan3A_110 : i32 to index
      %swap3A_120 = arith.constant 16 : index
      %swap3A_121 = tpu.vector_load %arg14[%swap3A_119, %swap3A_120] {strides = array<i32>} : memref<80x128xf32, #tpu.memory_space<vmem>>, vector<1x16xf32>,
      %swap3A_122 = vector.shape_cast %swap3A_121 : vector<1x16xf32> to vector<16xf32>
      %swap3A_123 = vector.shape_cast %broadcast_in_dim3A_118 : vector<16xf32> to vector<1x16xf32>
      tpu.vector_store %arg14[%swap3A_119, %swap3A_120], %swap3A_123 {strides = array<i32>} : memref<80x128xf32, #tpu.memory_space<vmem>>, vector<1x16xf32>,
      %broadcast_in_dim3A_124 = arith.constant 0.000000e+00 : f32
      %broadcast_in_dim3A_125 = vector.broadcast %broadcast_in_dim3A_124 : f32 to vector<16xf32>
      %swap3A_126 = arith.index_cast %scan3A_110 : i32 to index
      %swap3A_127 = arith.constant 32 : index
      %swap3A_128 = tpu.vector_load %arg14[%swap3A_126, %swap3A_127] {strides = array<i32>} : memref<80x128xf32, #tpu.memory_space<vmem>>, vector<1x16xf32>,
      %swap3A_129 = vector.shape_cast %swap3A_128 : vector<1x16xf32> to vector<16xf32>
      %swap3A_130 = vector.shape_cast %broadcast_in_dim3A_125 : vector<16xf32> to vector<1x16xf32>
      tpu.vector_store %arg14[%swap3A_126, %swap3A_127], %swap3A_130 {strides = array<i32>} : memref<80x128xf32, #tpu.memory_space<vmem>>, vector<1x16xf32>,
      %broadcast_in_dim3A_131 = arith.constant 0.000000e+00 : f32
      %broadcast_in_dim3A_132 = vector.broadcast %broadcast_in_dim3A_131 : f32 to vector<16xf32>
      %swap3A_133 = arith.index_cast %scan3A_110 : i32 to index
      %swap3A_134 = arith.constant 48 : index
      %swap3A_135 = tpu.vector_load %arg14[%swap3A_133, %swap3A_134] {strides = array<i32>} : memref<80x128xf32, #tpu.memory_space<vmem>>, vector<1x16xf32>,
      %swap3A_136 = vector.shape_cast %swap3A_135 : vector<1x16xf32> to vector<16xf32>
      %swap3A_137 = vector.shape_cast %broadcast_in_dim3A_132 : vector<16xf32> to vector<1x16xf32>
      tpu.vector_store %arg14[%swap3A_133, %swap3A_134], %swap3A_137 {strides = array<i32>} : memref<80x128xf32, #tpu.memory_space<vmem>>, vector<1x16xf32>,
      %broadcast_in_dim3A_138 = arith.constant 0.000000e+00 : f32
      %broadcast_in_dim3A_139 = vector.broadcast %broadcast_in_dim3A_138 : f32 to vector<16xf32>
      %swap3A_140 = arith.index_cast %scan3A_110 : i32 to index
      %swap3A_141 = arith.constant 64 : index
      %swap3A_142 = tpu.vector_load %arg14[%swap3A_140, %swap3A_141] {strides = array<i32>} : memref<80x128xf32, #tpu.memory_space<vmem>>, vector<1x16xf32>,
      %swap3A_143 = vector.shape_cast %swap3A_142 : vector<1x16xf32> to vector<16xf32>
      %swap3A_144 = vector.shape_cast %broadcast_in_dim3A_139 : vector<16xf32> to vector<1x16xf32>
      tpu.vector_store %arg14[%swap3A_140, %swap3A_141], %swap3A_144 {strides = array<i32>} : memref<80x128xf32, #tpu.memory_space<vmem>>, vector<1x16xf32>,
      %broadcast_in_dim3A_145 = arith.constant 0.000000e+00 : f32
      %broadcast_in_dim3A_146 = vector.broadcast %broadcast_in_dim3A_145 : f32 to vector<16xf32>
      %swap3A_147 = arith.index_cast %scan3A_110 : i32 to index
      %swap3A_148 = arith.constant 80 : index
      %swap3A_149 = tpu.vector_load %arg14[%swap3A_147, %swap3A_148] {strides = array<i32>} : memref<80x128xf32, #tpu.memory_space<vmem>>, vector<1x16xf32>,
      %swap3A_150 = vector.shape_cast %swap3A_149 : vector<1x16xf32> to vector<16xf32>
      %swap3A_151 = vector.shape_cast %broadcast_in_dim3A_146 : vector<16xf32> to vector<1x16xf32>
      tpu.vector_store %arg14[%swap3A_147, %swap3A_148], %swap3A_151 {strides = array<i32>} : memref<80x128xf32, #tpu.memory_space<vmem>>, vector<1x16xf32>,
      %broadcast_in_dim3A_152 = arith.constant 0.000000e+00 : f32
      %broadcast_in_dim3A_153 = vector.broadcast %broadcast_in_dim3A_152 : f32 to vector<16xf32>
      %swap3A_154 = arith.index_cast %scan3A_110 : i32 to index
      %swap3A_155 = arith.constant 96 : index
      %swap3A_156 = tpu.vector_load %arg14[%swap3A_154, %swap3A_155] {strides = array<i32>} : memref<80x128xf32, #tpu.memory_space<vmem>>, vector<1x16xf32>,
      %swap3A_157 = vector.shape_cast %swap3A_156 : vector<1x16xf32> to vector<16xf32>
      %swap3A_158 = vector.shape_cast %broadcast_in_dim3A_153 : vector<16xf32> to vector<1x16xf32>
      tpu.vector_store %arg14[%swap3A_154, %swap3A_155], %swap3A_158 {strides = array<i32>} : memref<80x128xf32, #tpu.memory_space<vmem>>, vector<1x16xf32>,
      %broadcast_in_dim3A_159 = arith.constant 0.000000e+00 : f32
      %broadcast_in_dim3A_160 = vector.broadcast %broadcast_in_dim3A_159 : f32 to vector<16xf32>
      %swap3A_161 = arith.index_cast %scan3A_110 : i32 to index
      %swap3A_162 = arith.constant 112 : index
      %swap3A_163 = tpu.vector_load %arg14[%swap3A_161, %swap3A_162] {strides = array<i32>} : memref<80x128xf32, #tpu.memory_space<vmem>>, vector<1x16xf32>,
      %swap3A_164 = vector.shape_cast %swap3A_163 : vector<1x16xf32> to vector<16xf32>
      %swap3A_165 = vector.shape_cast %broadcast_in_dim3A_160 : vector<16xf32> to vector<1x16xf32>
      tpu.vector_store %arg14[%swap3A_161, %swap3A_162], %swap3A_165 {strides = array<i32>} : memref<80x128xf32, #tpu.memory_space<vmem>>, vector<1x16xf32>,
      %scan3A_166 = arith.constant 0 : i32
      scf.yield %scan3A_166 : i32
    }
    %scan3A_10 = arith.constant 80 : i32
    %mul3A_11 = arith.constant 648 : i32
    %mul3A_12 = arith.muli %arg1, %mul3A_11 : i32
    %add3A_13 = arith.constant 0 : i32
    %add3A_14 = arith.addi %mul3A_12, %add3A_13 : i32
    "tpu.region"() ({
      %run_scoped3A = tpu.sem_alloc : memref<!tpu.dma_semaphore, #tpu.memory_space<semaphore_mem>>
      %dma_start3A_110 = arith.constant 0 : i32
      %dma_start3A_111 = tpu.memref_slice %arg18[%add3A_14, %dma_start3A_110] : memref<10368x128xf32, #tpu.memory_space<vmem_shared>> -> memref<80x128xf32, #tpu.memory_space<vmem_shared>>
      %dma_start3A_112 = arith.constant 0 : i32
      %dma_start3A_113 = tpu.memref_slice %arg18[%add3A_14, %dma_start3A_112] : memref<10368x128xf32, #tpu.memory_space<vmem_shared>> -> memref<80x128xf32, #tpu.memory_space<vmem_shared>>
      tpu.enqueue_dma source(%arg14 : memref<80x128xf32, #tpu.memory_space<vmem>>) target(%dma_start3A_113 : memref<80x128xf32, #tpu.memory_space<vmem_shared>>) target_semaphore(%run_scoped3A : memref<!tpu.dma_semaphore, #tpu.memory_space<semaphore_mem>>)
      %dma_wait3A_114 = arith.constant 0 : i32
      %dma_wait3A_115 = tpu.memref_slice %arg18[%add3A_14, %dma_wait3A_114] : memref<10368x128xf32, #tpu.memory_space<vmem_shared>> -> memref<80x128xf32, #tpu.memory_space<vmem_shared>>
      %dma_wait3A_116 = arith.constant 0 : i32
      %dma_wait3A_117 = tpu.memref_slice %arg18[%add3A_14, %dma_wait3A_116] : memref<10368x128xf32, #tpu.memory_space<vmem_shared>> -> memref<80x128xf32, #tpu.memory_space<vmem_shared>>
      tpu.wait_dma2 semaphore(%run_scoped3A : memref<!tpu.dma_semaphore, #tpu.memory_space<semaphore_mem>>) src(%arg14 : memref<80x128xf32, #tpu.memory_space<vmem>>) dst(%dma_wait3A_117 : memref<80x128xf32, #tpu.memory_space<vmem_shared>>)
      tpu.yield
    }) : () -> ()
    %mul3A_15 = arith.constant 648 : i32
    %mul3A_16 = arith.muli %arg1, %mul3A_15 : i32
    %add3A_17 = arith.constant 80 : i32
    %add3A_18 = arith.addi %mul3A_16, %add3A_17 : i32
    "tpu.region"() ({
      %run_scoped3A = tpu.sem_alloc : memref<!tpu.dma_semaphore, #tpu.memory_space<semaphore_mem>>
      %dma_start3A_110 = arith.constant 0 : i32
      %dma_start3A_111 = tpu.memref_slice %arg18[%add3A_18, %dma_start3A_110] : memref<10368x128xf32, #tpu.memory_space<vmem_shared>> -> memref<80x128xf32, #tpu.memory_space<vmem_shared>>
      %dma_start3A_112 = arith.constant 0 : i32
      %dma_start3A_113 = tpu.memref_slice %arg18[%add3A_18, %dma_start3A_112] : memref<10368x128xf32, #tpu.memory_space<vmem_shared>> -> memref<80x128xf32, #tpu.memory_space<vmem_shared>>
      tpu.enqueue_dma source(%arg14 : memref<80x128xf32, #tpu.memory_space<vmem>>) target(%dma_start3A_113 : memref<80x128xf32, #tpu.memory_space<vmem_shared>>) target_semaphore(%run_scoped3A : memref<!tpu.dma_semaphore, #tpu.memory_space<semaphore_mem>>)
      %dma_wait3A_114 = arith.constant 0 : i32
      %dma_wait3A_115 = tpu.memref_slice %arg18[%add3A_18, %dma_wait3A_114] : memref<10368x128xf32, #tpu.memory_space<vmem_shared>> -> memref<80x128xf32, #tpu.memory_space<vmem_shared>>
      %dma_wait3A_116 = arith.constant 0 : i32
      %dma_wait3A_117 = tpu.memref_slice %arg18[%add3A_18, %dma_wait3A_116] : memref<10368x128xf32, #tpu.memory_space<vmem_shared>> -> memref<80x128xf32, #tpu.memory_space<vmem_shared>>
      tpu.wait_dma2 semaphore(%run_scoped3A : memref<!tpu.dma_semaphore, #tpu.memory_space<semaphore_mem>>) src(%arg14 : memref<80x128xf32, #tpu.memory_space<vmem>>) dst(%dma_wait3A_117 : memref<80x128xf32, #tpu.memory_space<vmem_shared>>)
      tpu.yield
    }) : () -> ()
    %mul3A_19 = arith.constant 648 : i32
    %mul3A_20 = arith.muli %arg1, %mul3A_19 : i32
    %add3A_21 = arith.constant 160 : i32
    %add3A_22 = arith.addi %mul3A_20, %add3A_21 : i32
    "tpu.region"() ({
      %run_scoped3A = tpu.sem_alloc : memref<!tpu.dma_semaphore, #tpu.memory_space<semaphore_mem>>
      %dma_start3A_110 = arith.constant 0 : i32
      %dma_start3A_111 = tpu.memref_slice %arg18[%add3A_22, %dma_start3A_110] : memref<10368x128xf32, #tpu.memory_space<vmem_shared>> -> memref<80x128xf32, #tpu.memory_space<vmem_shared>>
      %dma_start3A_112 = arith.constant 0 : i32
      %dma_start3A_113 = tpu.memref_slice %arg18[%add3A_22, %dma_start3A_112] : memref<10368x128xf32, #tpu.memory_space<vmem_shared>> -> memref<80x128xf32, #tpu.memory_space<vmem_shared>>
      tpu.enqueue_dma source(%arg14 : memref<80x128xf32, #tpu.memory_space<vmem>>) target(%dma_start3A_113 : memref<80x128xf32, #tpu.memory_space<vmem_shared>>) target_semaphore(%run_scoped3A : memref<!tpu.dma_semaphore, #tpu.memory_space<semaphore_mem>>)
      %dma_wait3A_114 = arith.constant 0 : i32
      %dma_wait3A_115 = tpu.memref_slice %arg18[%add3A_22, %dma_wait3A_114] : memref<10368x128xf32, #tpu.memory_space<vmem_shared>> -> memref<80x128xf32, #tpu.memory_space<vmem_shared>>
      %dma_wait3A_116 = arith.constant 0 : i32
      %dma_wait3A_117 = tpu.memref_slice %arg18[%add3A_22, %dma_wait3A_116] : memref<10368x128xf32, #tpu.memory_space<vmem_shared>> -> memref<80x128xf32, #tpu.memory_space<vmem_shared>>
      tpu.wait_dma2 semaphore(%run_scoped3A : memref<!tpu.dma_semaphore, #tpu.memory_space<semaphore_mem>>) src(%arg14 : memref<80x128xf32, #tpu.memory_space<vmem>>) dst(%dma_wait3A_117 : memref<80x128xf32, #tpu.memory_space<vmem_shared>>)
      tpu.yield
    }) : () -> ()
    %mul3A_23 = arith.constant 648 : i32
    %mul3A_24 = arith.muli %arg1, %mul3A_23 : i32
    %add3A_25 = arith.constant 240 : i32
    %add3A_26 = arith.addi %mul3A_24, %add3A_25 : i32
    "tpu.region"() ({
      %run_scoped3A = tpu.sem_alloc : memref<!tpu.dma_semaphore, #tpu.memory_space<semaphore_mem>>
      %dma_start3A_110 = arith.constant 0 : i32
      %dma_start3A_111 = tpu.memref_slice %arg18[%add3A_26, %dma_start3A_110] : memref<10368x128xf32, #tpu.memory_space<vmem_shared>> -> memref<80x128xf32, #tpu.memory_space<vmem_shared>>
      %dma_start3A_112 = arith.constant 0 : i32
      %dma_start3A_113 = tpu.memref_slice %arg18[%add3A_26, %dma_start3A_112] : memref<10368x128xf32, #tpu.memory_space<vmem_shared>> -> memref<80x128xf32, #tpu.memory_space<vmem_shared>>
      tpu.enqueue_dma source(%arg14 : memref<80x128xf32, #tpu.memory_space<vmem>>) target(%dma_start3A_113 : memref<80x128xf32, #tpu.memory_space<vmem_shared>>) target_semaphore(%run_scoped3A : memref<!tpu.dma_semaphore, #tpu.memory_space<semaphore_mem>>)
      %dma_wait3A_114 = arith.constant 0 : i32
      %dma_wait3A_115 = tpu.memref_slice %arg18[%add3A_26, %dma_wait3A_114] : memref<10368x128xf32, #tpu.memory_space<vmem_shared>> -> memref<80x128xf32, #tpu.memory_space<vmem_shared>>
      %dma_wait3A_116 = arith.constant 0 : i32
      %dma_wait3A_117 = tpu.memref_slice %arg18[%add3A_26, %dma_wait3A_116] : memref<10368x128xf32, #tpu.memory_space<vmem_shared>> -> memref<80x128xf32, #tpu.memory_space<vmem_shared>>
      tpu.wait_dma2 semaphore(%run_scoped3A : memref<!tpu.dma_semaphore, #tpu.memory_space<semaphore_mem>>) src(%arg14 : memref<80x128xf32, #tpu.memory_space<vmem>>) dst(%dma_wait3A_117 : memref<80x128xf32, #tpu.memory_space<vmem_shared>>)
      tpu.yield
    }) : () -> ()
    %mul3A_27 = arith.constant 648 : i32
    %mul3A_28 = arith.muli %arg1, %mul3A_27 : i32
    %add3A_29 = arith.constant 320 : i32
    %add3A_30 = arith.addi %mul3A_28, %add3A_29 : i32
    "tpu.region"() ({
      %run_scoped3A = tpu.sem_alloc : memref<!tpu.dma_semaphore, #tpu.memory_space<semaphore_mem>>
      %dma_start3A_110 = arith.constant 0 : i32
      %dma_start3A_111 = tpu.memref_slice %arg18[%add3A_30, %dma_start3A_110] : memref<10368x128xf32, #tpu.memory_space<vmem_shared>> -> memref<80x128xf32, #tpu.memory_space<vmem_shared>>
      %dma_start3A_112 = arith.constant 0 : i32
      %dma_start3A_113 = tpu.memref_slice %arg18[%add3A_30, %dma_start3A_112] : memref<10368x128xf32, #tpu.memory_space<vmem_shared>> -> memref<80x128xf32, #tpu.memory_space<vmem_shared>>
      tpu.enqueue_dma source(%arg14 : memref<80x128xf32, #tpu.memory_space<vmem>>) target(%dma_start3A_113 : memref<80x128xf32, #tpu.memory_space<vmem_shared>>) target_semaphore(%run_scoped3A : memref<!tpu.dma_semaphore, #tpu.memory_space<semaphore_mem>>)
      %dma_wait3A_114 = arith.constant 0 : i32
      %dma_wait3A_115 = tpu.memref_slice %arg18[%add3A_30, %dma_wait3A_114] : memref<10368x128xf32, #tpu.memory_space<vmem_shared>> -> memref<80x128xf32, #tpu.memory_space<vmem_shared>>
      %dma_wait3A_116 = arith.constant 0 : i32
      %dma_wait3A_117 = tpu.memref_slice %arg18[%add3A_30, %dma_wait3A_116] : memref<10368x128xf32, #tpu.memory_space<vmem_shared>> -> memref<80x128xf32, #tpu.memory_space<vmem_shared>>
      tpu.wait_dma2 semaphore(%run_scoped3A : memref<!tpu.dma_semaphore, #tpu.memory_space<semaphore_mem>>) src(%arg14 : memref<80x128xf32, #tpu.memory_space<vmem>>) dst(%dma_wait3A_117 : memref<80x128xf32, #tpu.memory_space<vmem_shared>>)
      tpu.yield
    }) : () -> ()
    %mul3A_31 = arith.constant 648 : i32
    %mul3A_32 = arith.muli %arg1, %mul3A_31 : i32
    %add3A_33 = arith.constant 400 : i32
    %add3A_34 = arith.addi %mul3A_32, %add3A_33 : i32
    "tpu.region"() ({
      %run_scoped3A = tpu.sem_alloc : memref<!tpu.dma_semaphore, #tpu.memory_space<semaphore_mem>>
      %dma_start3A_110 = arith.constant 0 : i32
      %dma_start3A_111 = tpu.memref_slice %arg18[%add3A_34, %dma_start3A_110] : memref<10368x128xf32, #tpu.memory_space<vmem_shared>> -> memref<80x128xf32, #tpu.memory_space<vmem_shared>>
      %dma_start3A_112 = arith.constant 0 : i32
      %dma_start3A_113 = tpu.memref_slice %arg18[%add3A_34, %dma_start3A_112] : memref<10368x128xf32, #tpu.memory_space<vmem_shared>> -> memref<80x128xf32, #tpu.memory_space<vmem_shared>>
      tpu.enqueue_dma source(%arg14 : memref<80x128xf32, #tpu.memory_space<vmem>>) target(%dma_start3A_113 : memref<80x128xf32, #tpu.memory_space<vmem_shared>>) target_semaphore(%run_scoped3A : memref<!tpu.dma_semaphore, #tpu.memory_space<semaphore_mem>>)
      %dma_wait3A_114 = arith.constant 0 : i32
      %dma_wait3A_115 = tpu.memref_slice %arg18[%add3A_34, %dma_wait3A_114] : memref<10368x128xf32, #tpu.memory_space<vmem_shared>> -> memref<80x128xf32, #tpu.memory_space<vmem_shared>>
      %dma_wait3A_116 = arith.constant 0 : i32
      %dma_wait3A_117 = tpu.memref_slice %arg18[%add3A_34, %dma_wait3A_116] : memref<10368x128xf32, #tpu.memory_space<vmem_shared>> -> memref<80x128xf32, #tpu.memory_space<vmem_shared>>
      tpu.wait_dma2 semaphore(%run_scoped3A : memref<!tpu.dma_semaphore, #tpu.memory_space<semaphore_mem>>) src(%arg14 : memref<80x128xf32, #tpu.memory_space<vmem>>) dst(%dma_wait3A_117 : memref<80x128xf32, #tpu.memory_space<vmem_shared>>)
      tpu.yield
    }) : () -> ()
    %mul3A_35 = arith.constant 648 : i32
    %mul3A_36 = arith.muli %arg1, %mul3A_35 : i32
    %add3A_37 = arith.constant 480 : i32
    %add3A_38 = arith.addi %mul3A_36, %add3A_37 : i32
    "tpu.region"() ({
      %run_scoped3A = tpu.sem_alloc : memref<!tpu.dma_semaphore, #tpu.memory_space<semaphore_mem>>
      %dma_start3A_110 = arith.constant 0 : i32
      %dma_start3A_111 = tpu.memref_slice %arg18[%add3A_38, %dma_start3A_110] : memref<10368x128xf32, #tpu.memory_space<vmem_shared>> -> memref<80x128xf32, #tpu.memory_space<vmem_shared>>
      %dma_start3A_112 = arith.constant 0 : i32
      %dma_start3A_113 = tpu.memref_slice %arg18[%add3A_38, %dma_start3A_112] : memref<10368x128xf32, #tpu.memory_space<vmem_shared>> -> memref<80x128xf32, #tpu.memory_space<vmem_shared>>
      tpu.enqueue_dma source(%arg14 : memref<80x128xf32, #tpu.memory_space<vmem>>) target(%dma_start3A_113 : memref<80x128xf32, #tpu.memory_space<vmem_shared>>) target_semaphore(%run_scoped3A : memref<!tpu.dma_semaphore, #tpu.memory_space<semaphore_mem>>)
      %dma_wait3A_114 = arith.constant 0 : i32
      %dma_wait3A_115 = tpu.memref_slice %arg18[%add3A_38, %dma_wait3A_114] : memref<10368x128xf32, #tpu.memory_space<vmem_shared>> -> memref<80x128xf32, #tpu.memory_space<vmem_shared>>
      %dma_wait3A_116 = arith.constant 0 : i32
      %dma_wait3A_117 = tpu.memref_slice %arg18[%add3A_38, %dma_wait3A_116] : memref<10368x128xf32, #tpu.memory_space<vmem_shared>> -> memref<80x128xf32, #tpu.memory_space<vmem_shared>>
      tpu.wait_dma2 semaphore(%run_scoped3A : memref<!tpu.dma_semaphore, #tpu.memory_space<semaphore_mem>>) src(%arg14 : memref<80x128xf32, #tpu.memory_space<vmem>>) dst(%dma_wait3A_117 : memref<80x128xf32, #tpu.memory_space<vmem_shared>>)
      tpu.yield
    }) : () -> ()
    %mul3A_39 = arith.constant 648 : i32
    %mul3A_40 = arith.muli %arg1, %mul3A_39 : i32
    %add3A_41 = arith.constant 560 : i32
    %add3A_42 = arith.addi %mul3A_40, %add3A_41 : i32
    "tpu.region"() ({
      %run_scoped3A = tpu.sem_alloc : memref<!tpu.dma_semaphore, #tpu.memory_space<semaphore_mem>>
      %dma_start3A_110 = arith.constant 0 : i32
      %dma_start3A_111 = tpu.memref_slice %arg18[%add3A_42, %dma_start3A_110] : memref<10368x128xf32, #tpu.memory_space<vmem_shared>> -> memref<80x128xf32, #tpu.memory_space<vmem_shared>>
      %dma_start3A_112 = arith.constant 0 : i32
      %dma_start3A_113 = tpu.memref_slice %arg18[%add3A_42, %dma_start3A_112] : memref<10368x128xf32, #tpu.memory_space<vmem_shared>> -> memref<80x128xf32, #tpu.memory_space<vmem_shared>>
      tpu.enqueue_dma source(%arg14 : memref<80x128xf32, #tpu.memory_space<vmem>>) target(%dma_start3A_113 : memref<80x128xf32, #tpu.memory_space<vmem_shared>>) target_semaphore(%run_scoped3A : memref<!tpu.dma_semaphore, #tpu.memory_space<semaphore_mem>>)
      %dma_wait3A_114 = arith.constant 0 : i32
      %dma_wait3A_115 = tpu.memref_slice %arg18[%add3A_42, %dma_wait3A_114] : memref<10368x128xf32, #tpu.memory_space<vmem_shared>> -> memref<80x128xf32, #tpu.memory_space<vmem_shared>>
      %dma_wait3A_116 = arith.constant 0 : i32
      %dma_wait3A_117 = tpu.memref_slice %arg18[%add3A_42, %dma_wait3A_116] : memref<10368x128xf32, #tpu.memory_space<vmem_shared>> -> memref<80x128xf32, #tpu.memory_space<vmem_shared>>
      tpu.wait_dma2 semaphore(%run_scoped3A : memref<!tpu.dma_semaphore, #tpu.memory_space<semaphore_mem>>) src(%arg14 : memref<80x128xf32, #tpu.memory_space<vmem>>) dst(%dma_wait3A_117 : memref<80x128xf32, #tpu.memory_space<vmem_shared>>)
      tpu.yield
    }) : () -> ()
    %mul3A_43 = arith.constant 648 : i32
    %mul3A_44 = arith.muli %arg1, %mul3A_43 : i32
    %add3A_45 = arith.constant 640 : i32
    %add3A_46 = arith.addi %mul3A_44, %add3A_45 : i32
    "tpu.region"() ({
      %run_scoped3A = tpu.sem_alloc : memref<!tpu.dma_semaphore, #tpu.memory_space<semaphore_mem>>
      %dma_start3A_110 = arith.constant 0 : i32
      %dma_start3A_111 = arith.constant 0 : i32
      %dma_start3A_112 = tpu.memref_slice %arg14[%dma_start3A_110, %dma_start3A_111] : memref<80x128xf32, #tpu.memory_space<vmem>> -> memref<8x128xf32, #tpu.memory_space<vmem>>
      %dma_start3A_113 = arith.constant 0 : i32
      %dma_start3A_114 = tpu.memref_slice %arg18[%add3A_46, %dma_start3A_113] : memref<10368x128xf32, #tpu.memory_space<vmem_shared>> -> memref<8x128xf32, #tpu.memory_space<vmem_shared>>
      %dma_start3A_115 = arith.constant 0 : i32
      %dma_start3A_116 = tpu.memref_slice %arg18[%add3A_46, %dma_start3A_115] : memref<10368x128xf32, #tpu.memory_space<vmem_shared>> -> memref<8x128xf32, #tpu.memory_space<vmem_shared>>
      %dma_start3A_117 = arith.constant 0 : i32
      %dma_start3A_118 = arith.constant 0 : i32
      %dma_start3A_119 = tpu.memref_slice %arg14[%dma_start3A_117, %dma_start3A_118] : memref<80x128xf32, #tpu.memory_space<vmem>> -> memref<8x128xf32, #tpu.memory_space<vmem>>
      tpu.enqueue_dma source(%dma_start3A_119 : memref<8x128xf32, #tpu.memory_space<vmem>>) target(%dma_start3A_116 : memref<8x128xf32, #tpu.memory_space<vmem_shared>>) target_semaphore(%run_scoped3A : memref<!tpu.dma_semaphore, #tpu.memory_space<semaphore_mem>>)
      %dma_wait3A_120 = arith.constant 0 : i32
      %dma_wait3A_121 = arith.constant 0 : i32
      %dma_wait3A_122 = tpu.memref_slice %arg14[%dma_wait3A_120, %dma_wait3A_121] : memref<80x128xf32, #tpu.memory_space<vmem>> -> memref<8x128xf32, #tpu.memory_space<vmem>>
      %dma_wait3A_123 = arith.constant 0 : i32
      %dma_wait3A_124 = tpu.memref_slice %arg18[%add3A_46, %dma_wait3A_123] : memref<10368x128xf32, #tpu.memory_space<vmem_shared>> -> memref<8x128xf32, #tpu.memory_space<vmem_shared>>
      %dma_wait3A_125 = arith.constant 0 : i32
      %dma_wait3A_126 = tpu.memref_slice %arg18[%add3A_46, %dma_wait3A_125] : memref<10368x128xf32, #tpu.memory_space<vmem_shared>> -> memref<8x128xf32, #tpu.memory_space<vmem_shared>>
      %dma_wait3A_127 = arith.constant 0 : i32
      %dma_wait3A_128 = arith.constant 0 : i32
      %dma_wait3A_129 = tpu.memref_slice %arg14[%dma_wait3A_127, %dma_wait3A_128] : memref<80x128xf32, #tpu.memory_space<vmem>> -> memref<8x128xf32, #tpu.memory_space<vmem>>
      tpu.wait_dma2 semaphore(%run_scoped3A : memref<!tpu.dma_semaphore, #tpu.memory_space<semaphore_mem>>) src(%dma_wait3A_129 : memref<8x128xf32, #tpu.memory_space<vmem>>) dst(%dma_wait3A_126 : memref<8x128xf32, #tpu.memory_space<vmem_shared>>)
      tpu.yield
    }) : () -> ()
    %barrier3A = arith.constant 0 : index
    tpu.barrier barrier_id(%barrier3A)
    %add3A_47 = arith.constant 0 : i32
    %add3A_48 = arith.addi %mul3A_2, %add3A_47 : i32
    %dma_start3A = tpu.memref_slice %arg3[%add3A_48] : memref<327680xi32, #tpu.memory_space<hbm>> -> memref<80xi32, #tpu.memory_space<hbm>>
    %dma_start3A_49 = tpu.memref_slice %arg3[%add3A_48] : memref<327680xi32, #tpu.memory_space<hbm>> -> memref<80xi32, #tpu.memory_space<hbm>>
    tpu.enqueue_dma source(%dma_start3A_49 : memref<80xi32, #tpu.memory_space<hbm>>) target(%arg6 : memref<80xi32, #tpu.memory_space<vmem>>) target_semaphore(%arg27 : memref<!tpu.dma_semaphore, #tpu.memory_space<semaphore_mem>>)
    %add3A_50 = arith.constant 0 : i32
    %add3A_51 = arith.addi %mul3A_4, %add3A_50 : i32
    %dma_start3A_52 = tpu.memref_slice %arg4[%add3A_51] : memref<163840xi32, #tpu.memory_space<hbm>> -> memref<80xi32, #tpu.memory_space<hbm>>
    %dma_start3A_53 = tpu.memref_slice %arg4[%add3A_51] : memref<163840xi32, #tpu.memory_space<hbm>> -> memref<80xi32, #tpu.memory_space<hbm>>
    tpu.enqueue_dma source(%dma_start3A_53 : memref<80xi32, #tpu.memory_space<hbm>>) target(%arg10 : memref<80xi32, #tpu.memory_space<vmem>>) target_semaphore(%arg27 : memref<!tpu.dma_semaphore, #tpu.memory_space<semaphore_mem>>)
    %add3A_54 = arith.constant 80 : i32
    %add3A_55 = arith.addi %mul3A_2, %add3A_54 : i32
    %dma_start3A_56 = tpu.memref_slice %arg3[%add3A_55] : memref<327680xi32, #tpu.memory_space<hbm>> -> memref<80xi32, #tpu.memory_space<hbm>>
    %dma_start3A_57 = tpu.memref_slice %arg3[%add3A_55] : memref<327680xi32, #tpu.memory_space<hbm>> -> memref<80xi32, #tpu.memory_space<hbm>>
    tpu.enqueue_dma source(%dma_start3A_57 : memref<80xi32, #tpu.memory_space<hbm>>) target(%arg7 : memref<80xi32, #tpu.memory_space<vmem>>) target_semaphore(%arg28 : memref<!tpu.dma_semaphore, #tpu.memory_space<semaphore_mem>>)
    %add3A_58 = arith.constant 80 : i32
    %add3A_59 = arith.addi %mul3A_4, %add3A_58 : i32
    %dma_start3A_60 = tpu.memref_slice %arg4[%add3A_59] : memref<163840xi32, #tpu.memory_space<hbm>> -> memref<80xi32, #tpu.memory_space<hbm>>
    %dma_start3A_61 = tpu.memref_slice %arg4[%add3A_59] : memref<163840xi32, #tpu.memory_space<hbm>> -> memref<80xi32, #tpu.memory_space<hbm>>
    tpu.enqueue_dma source(%dma_start3A_61 : memref<80xi32, #tpu.memory_space<hbm>>) target(%arg11 : memref<80xi32, #tpu.memory_space<vmem>>) target_semaphore(%arg28 : memref<!tpu.dma_semaphore, #tpu.memory_space<semaphore_mem>>)
    %add3A_62 = arith.constant 160 : i32
    %add3A_63 = arith.addi %mul3A_2, %add3A_62 : i32
    %dma_start3A_64 = tpu.memref_slice %arg3[%add3A_63] : memref<327680xi32, #tpu.memory_space<hbm>> -> memref<80xi32, #tpu.memory_space<hbm>>
    %dma_start3A_65 = tpu.memref_slice %arg3[%add3A_63] : memref<327680xi32, #tpu.memory_space<hbm>> -> memref<80xi32, #tpu.memory_space<hbm>>
    tpu.enqueue_dma source(%dma_start3A_65 : memref<80xi32, #tpu.memory_space<hbm>>) target(%arg8 : memref<80xi32, #tpu.memory_space<vmem>>) target_semaphore(%arg29 : memref<!tpu.dma_semaphore, #tpu.memory_space<semaphore_mem>>)
    %add3A_66 = arith.constant 160 : i32
    %add3A_67 = arith.addi %mul3A_4, %add3A_66 : i32
    %dma_start3A_68 = tpu.memref_slice %arg4[%add3A_67] : memref<163840xi32, #tpu.memory_space<hbm>> -> memref<80xi32, #tpu.memory_space<hbm>>
    %dma_start3A_69 = tpu.memref_slice %arg4[%add3A_67] : memref<163840xi32, #tpu.memory_space<hbm>> -> memref<80xi32, #tpu.memory_space<hbm>>
    tpu.enqueue_dma source(%dma_start3A_69 : memref<80xi32, #tpu.memory_space<hbm>>) target(%arg12 : memref<80xi32, #tpu.memory_space<vmem>>) target_semaphore(%arg29 : memref<!tpu.dma_semaphore, #tpu.memory_space<semaphore_mem>>)
    %dma_wait3A = tpu.memref_slice %arg3[%mul3A_2] : memref<327680xi32, #tpu.memory_space<hbm>> -> memref<80xi32, #tpu.memory_space<hbm>>
    %dma_wait3A_70 = tpu.memref_slice %arg3[%mul3A_2] : memref<327680xi32, #tpu.memory_space<hbm>> -> memref<80xi32, #tpu.memory_space<hbm>>
    tpu.wait_dma2 semaphore(%arg27 : memref<!tpu.dma_semaphore, #tpu.memory_space<semaphore_mem>>) src(%dma_wait3A_70 : memref<80xi32, #tpu.memory_space<hbm>>) dst(%arg6 : memref<80xi32, #tpu.memory_space<vmem>>)
    %dma_wait3A_71 = tpu.memref_slice %arg4[%mul3A_4] : memref<163840xi32, #tpu.memory_space<hbm>> -> memref<80xi32, #tpu.memory_space<hbm>>
    %dma_wait3A_72 = tpu.memref_slice %arg4[%mul3A_4] : memref<163840xi32, #tpu.memory_space<hbm>> -> memref<80xi32, #tpu.memory_space<hbm>>
    tpu.wait_dma2 semaphore(%arg27 : memref<!tpu.dma_semaphore, #tpu.memory_space<semaphore_mem>>) src(%dma_wait3A_72 : memref<80xi32, #tpu.memory_space<hbm>>) dst(%arg10 : memref<80xi32, #tpu.memory_space<vmem>>)
    %dma_start3A_73 = arith.constant 0 : i32
    %dma_start3A_74 = arith.constant 0 : i32
    %dma_start3A_75 = tpu.memref_slice %arg2[%dma_start3A_73, %dma_start3A_74] : memref<20480x128xf32, #tpu.memory_space<hbm>> -> memref<20480x128xf32, #tpu.memory_space<hbm>>
    tpu.enqueue_indirect_dma source(%dma_start3A_75 : memref<20480x128xf32, #tpu.memory_space<hbm>>) target(%arg14 : memref<80x128xf32, #tpu.memory_space<vmem>>) offsets(%arg6 : memref<80xi32, #tpu.memory_space<vmem>>) semaphore(%arg19 : memref<!tpu.dma_semaphore, #tpu.memory_space<semaphore_mem>>)
    %dma_wait3A_76 = tpu.memref_slice %arg3[%mul3A_2] : memref<327680xi32, #tpu.memory_space<hbm>> -> memref<80xi32, #tpu.memory_space<hbm>>
    %dma_wait3A_77 = tpu.memref_slice %arg3[%mul3A_2] : memref<327680xi32, #tpu.memory_space<hbm>> -> memref<80xi32, #tpu.memory_space<hbm>>
    tpu.wait_dma2 semaphore(%arg28 : memref<!tpu.dma_semaphore, #tpu.memory_space<semaphore_mem>>) src(%dma_wait3A_77 : memref<80xi32, #tpu.memory_space<hbm>>) dst(%arg7 : memref<80xi32, #tpu.memory_space<vmem>>)
    %dma_wait3A_78 = tpu.memref_slice %arg4[%mul3A_4] : memref<163840xi32, #tpu.memory_space<hbm>> -> memref<80xi32, #tpu.memory_space<hbm>>
    %dma_wait3A_79 = tpu.memref_slice %arg4[%mul3A_4] : memref<163840xi32, #tpu.memory_space<hbm>> -> memref<80xi32, #tpu.memory_space<hbm>>
    tpu.wait_dma2 semaphore(%arg28 : memref<!tpu.dma_semaphore, #tpu.memory_space<semaphore_mem>>) src(%dma_wait3A_79 : memref<80xi32, #tpu.memory_space<hbm>>) dst(%arg11 : memref<80xi32, #tpu.memory_space<vmem>>)
    %dma_start3A_80 = arith.constant 0 : i32
    %dma_start3A_81 = arith.constant 0 : i32
    %dma_start3A_82 = tpu.memref_slice %arg2[%dma_start3A_80, %dma_start3A_81] : memref<20480x128xf32, #tpu.memory_space<hbm>> -> memref<20480x128xf32, #tpu.memory_space<hbm>>
    tpu.enqueue_indirect_dma source(%dma_start3A_82 : memref<20480x128xf32, #tpu.memory_space<hbm>>) target(%arg15 : memref<80x128xf32, #tpu.memory_space<vmem>>) offsets(%arg7 : memref<80xi32, #tpu.memory_space<vmem>>) semaphore(%arg20 : memref<!tpu.dma_semaphore, #tpu.memory_space<semaphore_mem>>)
    %scan3A_83 = arith.constant 0 : i32
    %scan3A_84 = arith.constant 0 : i32
    %scan3A_85 = arith.constant 32 : i32
    %scan3A_86 = arith.addi %scan3A_84, %scan3A_85 : i32
    %scan3A_87 = arith.constant 1 : i32
    %scan3A_88 = scf.for %scan3A_110 = %scan3A_84 to %scan3A_86 step %scan3A_87 iter_args(%scan3A_111 = %scan3A_83) -> (i32)  : i32 {
      %mul3A_112 = arith.constant 4 : i32
      %mul3A_113 = arith.muli %mul3A_112, %scan3A_110 : i32
      %add3A_114 = arith.constant 0 : i32
      %add3A_115 = arith.addi %mul3A_113, %add3A_114 : i32
      %dma_wait3A_116 = arith.constant 0 : i32
      %dma_wait3A_117 = arith.constant 0 : i32
      %dma_wait3A_118 = tpu.memref_slice %arg2[%dma_wait3A_116, %dma_wait3A_117] : memref<20480x128xf32, #tpu.memory_space<hbm>> -> memref<20480x128xf32, #tpu.memory_space<hbm>>
      tpu.wait_indirect_dma semaphore(%arg19 : memref<!tpu.dma_semaphore, #tpu.memory_space<semaphore_mem>>) src(%dma_wait3A_118 : memref<20480x128xf32, #tpu.memory_space<hbm>>) dst(%arg14 : memref<80x128xf32, #tpu.memory_space<vmem>>)
      %dma_start3A_119 = arith.constant 0 : i32
      %dma_start3A_120 = arith.constant 0 : i32
      %dma_start3A_121 = tpu.memref_slice %arg18[%dma_start3A_119, %dma_start3A_120] : memref<10368x128xf32, #tpu.memory_space<vmem_shared>> -> memref<10368x128xf32, #tpu.memory_space<vmem_shared>>
      tpu.enqueue_indirect_dma source(%arg14 : memref<80x128xf32, #tpu.memory_space<vmem>>) target(%dma_start3A_121 : memref<10368x128xf32, #tpu.memory_space<vmem_shared>>) offsets(%arg10 : memref<80xi32, #tpu.memory_space<vmem>>) semaphore(%arg23 : memref<!tpu.dma_semaphore, #tpu.memory_space<semaphore_mem>>) {add = true}
      %add3A_122 = arith.constant 2 : i32
      %add3A_123 = arith.addi %add3A_115, %add3A_122 : i32
      %lt3A = arith.constant 128 : i32
      %lt3A_124 = arith.cmpi slt, %add3A_123, %lt3A : i32
      %convert_element_type3A = arith.extui %lt3A_124 : i1 to i32
      %cond3A = arith.constant 0 : i32
      %cond3A_125 = arith.cmpi ne, %convert_element_type3A, %cond3A : i32
      scf.if %cond3A_125 {
        %dma_wait3A_206 = tpu.memref_slice %arg3[%mul3A_2] : memref<327680xi32, #tpu.memory_space<hbm>> -> memref<80xi32, #tpu.memory_space<hbm>>
        %dma_wait3A_207 = tpu.memref_slice %arg3[%mul3A_2] : memref<327680xi32, #tpu.memory_space<hbm>> -> memref<80xi32, #tpu.memory_space<hbm>>
        tpu.wait_dma2 semaphore(%arg29 : memref<!tpu.dma_semaphore, #tpu.memory_space<semaphore_mem>>) src(%dma_wait3A_207 : memref<80xi32, #tpu.memory_space<hbm>>) dst(%arg8 : memref<80xi32, #tpu.memory_space<vmem>>)
        %dma_wait3A_208 = tpu.memref_slice %arg4[%mul3A_4] : memref<163840xi32, #tpu.memory_space<hbm>> -> memref<80xi32, #tpu.memory_space<hbm>>
        %dma_wait3A_209 = tpu.memref_slice %arg4[%mul3A_4] : memref<163840xi32, #tpu.memory_space<hbm>> -> memref<80xi32, #tpu.memory_space<hbm>>
        tpu.wait_dma2 semaphore(%arg29 : memref<!tpu.dma_semaphore, #tpu.memory_space<semaphore_mem>>) src(%dma_wait3A_209 : memref<80xi32, #tpu.memory_space<hbm>>) dst(%arg12 : memref<80xi32, #tpu.memory_space<vmem>>)
        %dma_start3A_210 = arith.constant 0 : i32
        %dma_start3A_211 = arith.constant 0 : i32
        %dma_start3A_212 = tpu.memref_slice %arg2[%dma_start3A_210, %dma_start3A_211] : memref<20480x128xf32, #tpu.memory_space<hbm>> -> memref<20480x128xf32, #tpu.memory_space<hbm>>
        tpu.enqueue_indirect_dma source(%dma_start3A_212 : memref<20480x128xf32, #tpu.memory_space<hbm>>) target(%arg16 : memref<80x128xf32, #tpu.memory_space<vmem>>) offsets(%arg8 : memref<80xi32, #tpu.memory_space<vmem>>) semaphore(%arg21 : memref<!tpu.dma_semaphore, #tpu.memory_space<semaphore_mem>>)
      } else {
      }
      %add3A_126 = arith.constant 3 : i32
      %add3A_127 = arith.addi %add3A_115, %add3A_126 : i32
      %lt3A_128 = arith.constant 128 : i32
      %lt3A_129 = arith.cmpi slt, %add3A_127, %lt3A_128 : i32
      %convert_element_type3A_130 = arith.extui %lt3A_129 : i1 to i32
      %cond3A_131 = arith.constant 0 : i32
      %cond3A_132 = arith.cmpi ne, %convert_element_type3A_130, %cond3A_131 : i32
      scf.if %cond3A_132 {
        %ge3A = arith.constant 1 : i32
        %ge3A_206 = arith.cmpi sge, %add3A_115, %ge3A : i32
        %convert_element_type3A_207 = arith.extui %ge3A_206 : i1 to i32
        %cond3A_208 = arith.constant 0 : i32
        %cond3A_209 = arith.cmpi ne, %convert_element_type3A_207, %cond3A_208 : i32
        scf.if %cond3A_209 {
          %dma_wait3A_222 = arith.constant 0 : i32
          %dma_wait3A_223 = arith.constant 0 : i32
          %dma_wait3A_224 = tpu.memref_slice %arg18[%dma_wait3A_222, %dma_wait3A_223] : memref<10368x128xf32, #tpu.memory_space<vmem_shared>> -> memref<10368x128xf32, #tpu.memory_space<vmem_shared>>
          tpu.wait_indirect_dma semaphore(%arg26 : memref<!tpu.dma_semaphore, #tpu.memory_space<semaphore_mem>>) src(%arg17 : memref<80x128xf32, #tpu.memory_space<vmem>>) dst(%dma_wait3A_224 : memref<10368x128xf32, #tpu.memory_space<vmem_shared>>)
        } else {
        }
        %add3A_210 = arith.constant 3 : i32
        %add3A_211 = arith.addi %add3A_115, %add3A_210 : i32
        %mul3A_212 = arith.constant 80 : i32
        %mul3A_213 = arith.muli %add3A_211, %mul3A_212 : i32
        %add3A_214 = arith.addi %mul3A_2, %mul3A_213 : i32
        %dma_start3A_215 = tpu.memref_slice %arg3[%add3A_214] : memref<327680xi32, #tpu.memory_space<hbm>> -> memref<80xi32, #tpu.memory_space<hbm>>
        %dma_start3A_216 = tpu.memref_slice %arg3[%add3A_214] : memref<327680xi32, #tpu.memory_space<hbm>> -> memref<80xi32, #tpu.memory_space<hbm>>
        tpu.enqueue_dma source(%dma_start3A_216 : memref<80xi32, #tpu.memory_space<hbm>>) target(%arg9 : memref<80xi32, #tpu.memory_space<vmem>>) target_semaphore(%arg30 : memref<!tpu.dma_semaphore, #tpu.memory_space<semaphore_mem>>)
        %mul3A_217 = arith.constant 80 : i32
        %mul3A_218 = arith.muli %add3A_211, %mul3A_217 : i32
        %add3A_219 = arith.addi %mul3A_4, %mul3A_218 : i32
        %dma_start3A_220 = tpu.memref_slice %arg4[%add3A_219] : memref<163840xi32, #tpu.memory_space<hbm>> -> memref<80xi32, #tpu.memory_space<hbm>>
        %dma_start3A_221 = tpu.memref_slice %arg4[%add3A_219] : memref<163840xi32, #tpu.memory_space<hbm>> -> memref<80xi32, #tpu.memory_space<hbm>>
        tpu.enqueue_dma source(%dma_start3A_221 : memref<80xi32, #tpu.memory_space<hbm>>) target(%arg13 : memref<80xi32, #tpu.memory_space<vmem>>) target_semaphore(%arg30 : memref<!tpu.dma_semaphore, #tpu.memory_space<semaphore_mem>>)
      } else {
      }
      %mul3A_133 = arith.constant 4 : i32
      %mul3A_134 = arith.muli %mul3A_133, %scan3A_110 : i32
      %add3A_135 = arith.constant 1 : i32
      %add3A_136 = arith.addi %mul3A_134, %add3A_135 : i32
      %dma_wait3A_137 = arith.constant 0 : i32
      %dma_wait3A_138 = arith.constant 0 : i32
      %dma_wait3A_139 = tpu.memref_slice %arg2[%dma_wait3A_137, %dma_wait3A_138] : memref<20480x128xf32, #tpu.memory_space<hbm>> -> memref<20480x128xf32, #tpu.memory_space<hbm>>
      tpu.wait_indirect_dma semaphore(%arg20 : memref<!tpu.dma_semaphore, #tpu.memory_space<semaphore_mem>>) src(%dma_wait3A_139 : memref<20480x128xf32, #tpu.memory_space<hbm>>) dst(%arg15 : memref<80x128xf32, #tpu.memory_space<vmem>>)
      %dma_start3A_140 = arith.constant 0 : i32
      %dma_start3A_141 = arith.constant 0 : i32
      %dma_start3A_142 = tpu.memref_slice %arg18[%dma_start3A_140, %dma_start3A_141] : memref<10368x128xf32, #tpu.memory_space<vmem_shared>> -> memref<10368x128xf32, #tpu.memory_space<vmem_shared>>
      tpu.enqueue_indirect_dma source(%arg15 : memref<80x128xf32, #tpu.memory_space<vmem>>) target(%dma_start3A_142 : memref<10368x128xf32, #tpu.memory_space<vmem_shared>>) offsets(%arg11 : memref<80xi32, #tpu.memory_space<vmem>>) semaphore(%arg24 : memref<!tpu.dma_semaphore, #tpu.memory_space<semaphore_mem>>) {add = true}
      %add3A_143 = arith.constant 2 : i32
      %add3A_144 = arith.addi %add3A_136, %add3A_143 : i32
      %lt3A_145 = arith.constant 128 : i32
      %lt3A_146 = arith.cmpi slt, %add3A_144, %lt3A_145 : i32
      %convert_element_type3A_147 = arith.extui %lt3A_146 : i1 to i32
      %cond3A_148 = arith.constant 0 : i32
      %cond3A_149 = arith.cmpi ne, %convert_element_type3A_147, %cond3A_148 : i32
      scf.if %cond3A_149 {
        %dma_wait3A_206 = tpu.memref_slice %arg3[%mul3A_2] : memref<327680xi32, #tpu.memory_space<hbm>> -> memref<80xi32, #tpu.memory_space<hbm>>
        %dma_wait3A_207 = tpu.memref_slice %arg3[%mul3A_2] : memref<327680xi32, #tpu.memory_space<hbm>> -> memref<80xi32, #tpu.memory_space<hbm>>
        tpu.wait_dma2 semaphore(%arg30 : memref<!tpu.dma_semaphore, #tpu.memory_space<semaphore_mem>>) src(%dma_wait3A_207 : memref<80xi32, #tpu.memory_space<hbm>>) dst(%arg9 : memref<80xi32, #tpu.memory_space<vmem>>)
        %dma_wait3A_208 = tpu.memref_slice %arg4[%mul3A_4] : memref<163840xi32, #tpu.memory_space<hbm>> -> memref<80xi32, #tpu.memory_space<hbm>>
        %dma_wait3A_209 = tpu.memref_slice %arg4[%mul3A_4] : memref<163840xi32, #tpu.memory_space<hbm>> -> memref<80xi32, #tpu.memory_space<hbm>>
        tpu.wait_dma2 semaphore(%arg30 : memref<!tpu.dma_semaphore, #tpu.memory_space<semaphore_mem>>) src(%dma_wait3A_209 : memref<80xi32, #tpu.memory_space<hbm>>) dst(%arg13 : memref<80xi32, #tpu.memory_space<vmem>>)
        %dma_start3A_210 = arith.constant 0 : i32
        %dma_start3A_211 = arith.constant 0 : i32
        %dma_start3A_212 = tpu.memref_slice %arg2[%dma_start3A_210, %dma_start3A_211] : memref<20480x128xf32, #tpu.memory_space<hbm>> -> memref<20480x128xf32, #tpu.memory_space<hbm>>
        tpu.enqueue_indirect_dma source(%dma_start3A_212 : memref<20480x128xf32, #tpu.memory_space<hbm>>) target(%arg17 : memref<80x128xf32, #tpu.memory_space<vmem>>) offsets(%arg9 : memref<80xi32, #tpu.memory_space<vmem>>) semaphore(%arg22 : memref<!tpu.dma_semaphore, #tpu.memory_space<semaphore_mem>>)
      } else {
      }
      %add3A_150 = arith.constant 3 : i32
      %add3A_151 = arith.addi %add3A_136, %add3A_150 : i32
      %lt3A_152 = arith.constant 128 : i32
      %lt3A_153 = arith.cmpi slt, %add3A_151, %lt3A_152 : i32
      %convert_element_type3A_154 = arith.extui %lt3A_153 : i1 to i32
      %cond3A_155 = arith.constant 0 : i32
      %cond3A_156 = arith.cmpi ne, %convert_element_type3A_154, %cond3A_155 : i32
      scf.if %cond3A_156 {
        %ge3A = arith.constant 1 : i32
        %ge3A_206 = arith.cmpi sge, %add3A_136, %ge3A : i32
        %convert_element_type3A_207 = arith.extui %ge3A_206 : i1 to i32
        %cond3A_208 = arith.constant 0 : i32
        %cond3A_209 = arith.cmpi ne, %convert_element_type3A_207, %cond3A_208 : i32
        scf.if %cond3A_209 {
          %dma_wait3A_222 = arith.constant 0 : i32
          %dma_wait3A_223 = arith.constant 0 : i32
          %dma_wait3A_224 = tpu.memref_slice %arg18[%dma_wait3A_222, %dma_wait3A_223] : memref<10368x128xf32, #tpu.memory_space<vmem_shared>> -> memref<10368x128xf32, #tpu.memory_space<vmem_shared>>
          tpu.wait_indirect_dma semaphore(%arg23 : memref<!tpu.dma_semaphore, #tpu.memory_space<semaphore_mem>>) src(%arg14 : memref<80x128xf32, #tpu.memory_space<vmem>>) dst(%dma_wait3A_224 : memref<10368x128xf32, #tpu.memory_space<vmem_shared>>)
        } else {
        }
        %add3A_210 = arith.constant 3 : i32
        %add3A_211 = arith.addi %add3A_136, %add3A_210 : i32
        %mul3A_212 = arith.constant 80 : i32
        %mul3A_213 = arith.muli %add3A_211, %mul3A_212 : i32
        %add3A_214 = arith.addi %mul3A_2, %mul3A_213 : i32
        %dma_start3A_215 = tpu.memref_slice %arg3[%add3A_214] : memref<327680xi32, #tpu.memory_space<hbm>> -> memref<80xi32, #tpu.memory_space<hbm>>
        %dma_start3A_216 = tpu.memref_slice %arg3[%add3A_214] : memref<327680xi32, #tpu.memory_space<hbm>> -> memref<80xi32, #tpu.memory_space<hbm>>
        tpu.enqueue_dma source(%dma_start3A_216 : memref<80xi32, #tpu.memory_space<hbm>>) target(%arg6 : memref<80xi32, #tpu.memory_space<vmem>>) target_semaphore(%arg27 : memref<!tpu.dma_semaphore, #tpu.memory_space<semaphore_mem>>)
        %mul3A_217 = arith.constant 80 : i32
        %mul3A_218 = arith.muli %add3A_211, %mul3A_217 : i32
        %add3A_219 = arith.addi %mul3A_4, %mul3A_218 : i32
        %dma_start3A_220 = tpu.memref_slice %arg4[%add3A_219] : memref<163840xi32, #tpu.memory_space<hbm>> -> memref<80xi32, #tpu.memory_space<hbm>>
        %dma_start3A_221 = tpu.memref_slice %arg4[%add3A_219] : memref<163840xi32, #tpu.memory_space<hbm>> -> memref<80xi32, #tpu.memory_space<hbm>>
        tpu.enqueue_dma source(%dma_start3A_221 : memref<80xi32, #tpu.memory_space<hbm>>) target(%arg10 : memref<80xi32, #tpu.memory_space<vmem>>) target_semaphore(%arg27 : memref<!tpu.dma_semaphore, #tpu.memory_space<semaphore_mem>>)
      } else {
      }
      %mul3A_157 = arith.constant 4 : i32
      %mul3A_158 = arith.muli %mul3A_157, %scan3A_110 : i32
      %add3A_159 = arith.constant 2 : i32
      %add3A_160 = arith.addi %mul3A_158, %add3A_159 : i32
      %dma_wait3A_161 = arith.constant 0 : i32
      %dma_wait3A_162 = arith.constant 0 : i32
      %dma_wait3A_163 = tpu.memref_slice %arg2[%dma_wait3A_161, %dma_wait3A_162] : memref<20480x128xf32, #tpu.memory_space<hbm>> -> memref<20480x128xf32, #tpu.memory_space<hbm>>
      tpu.wait_indirect_dma semaphore(%arg21 : memref<!tpu.dma_semaphore, #tpu.memory_space<semaphore_mem>>) src(%dma_wait3A_163 : memref<20480x128xf32, #tpu.memory_space<hbm>>) dst(%arg16 : memref<80x128xf32, #tpu.memory_space<vmem>>)
      %dma_start3A_164 = arith.constant 0 : i32
      %dma_start3A_165 = arith.constant 0 : i32
      %dma_start3A_166 = tpu.memref_slice %arg18[%dma_start3A_164, %dma_start3A_165] : memref<10368x128xf32, #tpu.memory_space<vmem_shared>> -> memref<10368x128xf32, #tpu.memory_space<vmem_shared>>
      tpu.enqueue_indirect_dma source(%arg16 : memref<80x128xf32, #tpu.memory_space<vmem>>) target(%dma_start3A_166 : memref<10368x128xf32, #tpu.memory_space<vmem_shared>>) offsets(%arg12 : memref<80xi32, #tpu.memory_space<vmem>>) semaphore(%arg25 : memref<!tpu.dma_semaphore, #tpu.memory_space<semaphore_mem>>) {add = true}
      %add3A_167 = arith.constant 2 : i32
      %add3A_168 = arith.addi %add3A_160, %add3A_167 : i32
      %lt3A_169 = arith.constant 128 : i32
      %lt3A_170 = arith.cmpi slt, %add3A_168, %lt3A_169 : i32
      %convert_element_type3A_171 = arith.extui %lt3A_170 : i1 to i32
      %cond3A_172 = arith.constant 0 : i32
      %cond3A_173 = arith.cmpi ne, %convert_element_type3A_171, %cond3A_172 : i32
      scf.if %cond3A_173 {
        %dma_wait3A_206 = tpu.memref_slice %arg3[%mul3A_2] : memref<327680xi32, #tpu.memory_space<hbm>> -> memref<80xi32, #tpu.memory_space<hbm>>
        %dma_wait3A_207 = tpu.memref_slice %arg3[%mul3A_2] : memref<327680xi32, #tpu.memory_space<hbm>> -> memref<80xi32, #tpu.memory_space<hbm>>
        tpu.wait_dma2 semaphore(%arg27 : memref<!tpu.dma_semaphore, #tpu.memory_space<semaphore_mem>>) src(%dma_wait3A_207 : memref<80xi32, #tpu.memory_space<hbm>>) dst(%arg6 : memref<80xi32, #tpu.memory_space<vmem>>)
        %dma_wait3A_208 = tpu.memref_slice %arg4[%mul3A_4] : memref<163840xi32, #tpu.memory_space<hbm>> -> memref<80xi32, #tpu.memory_space<hbm>>
        %dma_wait3A_209 = tpu.memref_slice %arg4[%mul3A_4] : memref<163840xi32, #tpu.memory_space<hbm>> -> memref<80xi32, #tpu.memory_space<hbm>>
        tpu.wait_dma2 semaphore(%arg27 : memref<!tpu.dma_semaphore, #tpu.memory_space<semaphore_mem>>) src(%dma_wait3A_209 : memref<80xi32, #tpu.memory_space<hbm>>) dst(%arg10 : memref<80xi32, #tpu.memory_space<vmem>>)
        %dma_start3A_210 = arith.constant 0 : i32
        %dma_start3A_211 = arith.constant 0 : i32
        %dma_start3A_212 = tpu.memref_slice %arg2[%dma_start3A_210, %dma_start3A_211] : memref<20480x128xf32, #tpu.memory_space<hbm>> -> memref<20480x128xf32, #tpu.memory_space<hbm>>
        tpu.enqueue_indirect_dma source(%dma_start3A_212 : memref<20480x128xf32, #tpu.memory_space<hbm>>) target(%arg14 : memref<80x128xf32, #tpu.memory_space<vmem>>) offsets(%arg6 : memref<80xi32, #tpu.memory_space<vmem>>) semaphore(%arg19 : memref<!tpu.dma_semaphore, #tpu.memory_space<semaphore_mem>>)
      } else {
      }
      %add3A_174 = arith.constant 3 : i32
      %add3A_175 = arith.addi %add3A_160, %add3A_174 : i32
      %lt3A_176 = arith.constant 128 : i32
      %lt3A_177 = arith.cmpi slt, %add3A_175, %lt3A_176 : i32
      %convert_element_type3A_178 = arith.extui %lt3A_177 : i1 to i32
      %cond3A_179 = arith.constant 0 : i32
      %cond3A_180 = arith.cmpi ne, %convert_element_type3A_178, %cond3A_179 : i32
      scf.if %cond3A_180 {
        %ge3A = arith.constant 1 : i32
        %ge3A_206 = arith.cmpi sge, %add3A_160, %ge3A : i32
        %convert_element_type3A_207 = arith.extui %ge3A_206 : i1 to i32
        %cond3A_208 = arith.constant 0 : i32
        %cond3A_209 = arith.cmpi ne, %convert_element_type3A_207, %cond3A_208 : i32
        scf.if %cond3A_209 {
          %dma_wait3A_222 = arith.constant 0 : i32
          %dma_wait3A_223 = arith.constant 0 : i32
          %dma_wait3A_224 = tpu.memref_slice %arg18[%dma_wait3A_222, %dma_wait3A_223] : memref<10368x128xf32, #tpu.memory_space<vmem_shared>> -> memref<10368x128xf32, #tpu.memory_space<vmem_shared>>
          tpu.wait_indirect_dma semaphore(%arg24 : memref<!tpu.dma_semaphore, #tpu.memory_space<semaphore_mem>>) src(%arg15 : memref<80x128xf32, #tpu.memory_space<vmem>>) dst(%dma_wait3A_224 : memref<10368x128xf32, #tpu.memory_space<vmem_shared>>)
        } else {
        }
        %add3A_210 = arith.constant 3 : i32
        %add3A_211 = arith.addi %add3A_160, %add3A_210 : i32
        %mul3A_212 = arith.constant 80 : i32
        %mul3A_213 = arith.muli %add3A_211, %mul3A_212 : i32
        %add3A_214 = arith.addi %mul3A_2, %mul3A_213 : i32
        %dma_start3A_215 = tpu.memref_slice %arg3[%add3A_214] : memref<327680xi32, #tpu.memory_space<hbm>> -> memref<80xi32, #tpu.memory_space<hbm>>
        %dma_start3A_216 = tpu.memref_slice %arg3[%add3A_214] : memref<327680xi32, #tpu.memory_space<hbm>> -> memref<80xi32, #tpu.memory_space<hbm>>
        tpu.enqueue_dma source(%dma_start3A_216 : memref<80xi32, #tpu.memory_space<hbm>>) target(%arg7 : memref<80xi32, #tpu.memory_space<vmem>>) target_semaphore(%arg28 : memref<!tpu.dma_semaphore, #tpu.memory_space<semaphore_mem>>)
        %mul3A_217 = arith.constant 80 : i32
        %mul3A_218 = arith.muli %add3A_211, %mul3A_217 : i32
        %add3A_219 = arith.addi %mul3A_4, %mul3A_218 : i32
        %dma_start3A_220 = tpu.memref_slice %arg4[%add3A_219] : memref<163840xi32, #tpu.memory_space<hbm>> -> memref<80xi32, #tpu.memory_space<hbm>>
        %dma_start3A_221 = tpu.memref_slice %arg4[%add3A_219] : memref<163840xi32, #tpu.memory_space<hbm>> -> memref<80xi32, #tpu.memory_space<hbm>>
        tpu.enqueue_dma source(%dma_start3A_221 : memref<80xi32, #tpu.memory_space<hbm>>) target(%arg11 : memref<80xi32, #tpu.memory_space<vmem>>) target_semaphore(%arg28 : memref<!tpu.dma_semaphore, #tpu.memory_space<semaphore_mem>>)
      } else {
      }
      %mul3A_181 = arith.constant 4 : i32
      %mul3A_182 = arith.muli %mul3A_181, %scan3A_110 : i32
      %add3A_183 = arith.constant 3 : i32
      %add3A_184 = arith.addi %mul3A_182, %add3A_183 : i32
      %dma_wait3A_185 = arith.constant 0 : i32
      %dma_wait3A_186 = arith.constant 0 : i32
      %dma_wait3A_187 = tpu.memref_slice %arg2[%dma_wait3A_185, %dma_wait3A_186] : memref<20480x128xf32, #tpu.memory_space<hbm>> -> memref<20480x128xf32, #tpu.memory_space<hbm>>
      tpu.wait_indirect_dma semaphore(%arg22 : memref<!tpu.dma_semaphore, #tpu.memory_space<semaphore_mem>>) src(%dma_wait3A_187 : memref<20480x128xf32, #tpu.memory_space<hbm>>) dst(%arg17 : memref<80x128xf32, #tpu.memory_space<vmem>>)
      %dma_start3A_188 = arith.constant 0 : i32
      %dma_start3A_189 = arith.constant 0 : i32
      %dma_start3A_190 = tpu.memref_slice %arg18[%dma_start3A_188, %dma_start3A_189] : memref<10368x128xf32, #tpu.memory_space<vmem_shared>> -> memref<10368x128xf32, #tpu.memory_space<vmem_shared>>
      tpu.enqueue_indirect_dma source(%arg17 : memref<80x128xf32, #tpu.memory_space<vmem>>) target(%dma_start3A_190 : memref<10368x128xf32, #tpu.memory_space<vmem_shared>>) offsets(%arg13 : memref<80xi32, #tpu.memory_space<vmem>>) semaphore(%arg26 : memref<!tpu.dma_semaphore, #tpu.memory_space<semaphore_mem>>) {add = true}
      %add3A_191 = arith.constant 2 : i32
      %add3A_192 = arith.addi %add3A_184, %add3A_191 : i32
      %lt3A_193 = arith.constant 128 : i32
      %lt3A_194 = arith.cmpi slt, %add3A_192, %lt3A_193 : i32
      %convert_element_type3A_195 = arith.extui %lt3A_194 : i1 to i32
      %cond3A_196 = arith.constant 0 : i32
      %cond3A_197 = arith.cmpi ne, %convert_element_type3A_195, %cond3A_196 : i32
      scf.if %cond3A_197 {
        %dma_wait3A_206 = tpu.memref_slice %arg3[%mul3A_2] : memref<327680xi32, #tpu.memory_space<hbm>> -> memref<80xi32, #tpu.memory_space<hbm>>
        %dma_wait3A_207 = tpu.memref_slice %arg3[%mul3A_2] : memref<327680xi32, #tpu.memory_space<hbm>> -> memref<80xi32, #tpu.memory_space<hbm>>
        tpu.wait_dma2 semaphore(%arg28 : memref<!tpu.dma_semaphore, #tpu.memory_space<semaphore_mem>>) src(%dma_wait3A_207 : memref<80xi32, #tpu.memory_space<hbm>>) dst(%arg7 : memref<80xi32, #tpu.memory_space<vmem>>)
        %dma_wait3A_208 = tpu.memref_slice %arg4[%mul3A_4] : memref<163840xi32, #tpu.memory_space<hbm>> -> memref<80xi32, #tpu.memory_space<hbm>>
        %dma_wait3A_209 = tpu.memref_slice %arg4[%mul3A_4] : memref<163840xi32, #tpu.memory_space<hbm>> -> memref<80xi32, #tpu.memory_space<hbm>>
        tpu.wait_dma2 semaphore(%arg28 : memref<!tpu.dma_semaphore, #tpu.memory_space<semaphore_mem>>) src(%dma_wait3A_209 : memref<80xi32, #tpu.memory_space<hbm>>) dst(%arg11 : memref<80xi32, #tpu.memory_space<vmem>>)
        %dma_start3A_210 = arith.constant 0 : i32
        %dma_start3A_211 = arith.constant 0 : i32
        %dma_start3A_212 = tpu.memref_slice %arg2[%dma_start3A_210, %dma_start3A_211] : memref<20480x128xf32, #tpu.memory_space<hbm>> -> memref<20480x128xf32, #tpu.memory_space<hbm>>
        tpu.enqueue_indirect_dma source(%dma_start3A_212 : memref<20480x128xf32, #tpu.memory_space<hbm>>) target(%arg15 : memref<80x128xf32, #tpu.memory_space<vmem>>) offsets(%arg7 : memref<80xi32, #tpu.memory_space<vmem>>) semaphore(%arg20 : memref<!tpu.dma_semaphore, #tpu.memory_space<semaphore_mem>>)
      } else {
      }
      %add3A_198 = arith.constant 3 : i32
      %add3A_199 = arith.addi %add3A_184, %add3A_198 : i32
      %lt3A_200 = arith.constant 128 : i32
      %lt3A_201 = arith.cmpi slt, %add3A_199, %lt3A_200 : i32
      %convert_element_type3A_202 = arith.extui %lt3A_201 : i1 to i32
      %cond3A_203 = arith.constant 0 : i32
      %cond3A_204 = arith.cmpi ne, %convert_element_type3A_202, %cond3A_203 : i32
      scf.if %cond3A_204 {
        %ge3A = arith.constant 1 : i32
        %ge3A_206 = arith.cmpi sge, %add3A_184, %ge3A : i32
        %convert_element_type3A_207 = arith.extui %ge3A_206 : i1 to i32
        %cond3A_208 = arith.constant 0 : i32
        %cond3A_209 = arith.cmpi ne, %convert_element_type3A_207, %cond3A_208 : i32
        scf.if %cond3A_209 {
          %dma_wait3A_222 = arith.constant 0 : i32
          %dma_wait3A_223 = arith.constant 0 : i32
          %dma_wait3A_224 = tpu.memref_slice %arg18[%dma_wait3A_222, %dma_wait3A_223] : memref<10368x128xf32, #tpu.memory_space<vmem_shared>> -> memref<10368x128xf32, #tpu.memory_space<vmem_shared>>
          tpu.wait_indirect_dma semaphore(%arg25 : memref<!tpu.dma_semaphore, #tpu.memory_space<semaphore_mem>>) src(%arg16 : memref<80x128xf32, #tpu.memory_space<vmem>>) dst(%dma_wait3A_224 : memref<10368x128xf32, #tpu.memory_space<vmem_shared>>)
        } else {
        }
        %add3A_210 = arith.constant 3 : i32
        %add3A_211 = arith.addi %add3A_184, %add3A_210 : i32
        %mul3A_212 = arith.constant 80 : i32
        %mul3A_213 = arith.muli %add3A_211, %mul3A_212 : i32
        %add3A_214 = arith.addi %mul3A_2, %mul3A_213 : i32
        %dma_start3A_215 = tpu.memref_slice %arg3[%add3A_214] : memref<327680xi32, #tpu.memory_space<hbm>> -> memref<80xi32, #tpu.memory_space<hbm>>
        %dma_start3A_216 = tpu.memref_slice %arg3[%add3A_214] : memref<327680xi32, #tpu.memory_space<hbm>> -> memref<80xi32, #tpu.memory_space<hbm>>
        tpu.enqueue_dma source(%dma_start3A_216 : memref<80xi32, #tpu.memory_space<hbm>>) target(%arg8 : memref<80xi32, #tpu.memory_space<vmem>>) target_semaphore(%arg29 : memref<!tpu.dma_semaphore, #tpu.memory_space<semaphore_mem>>)
        %mul3A_217 = arith.constant 80 : i32
        %mul3A_218 = arith.muli %add3A_211, %mul3A_217 : i32
        %add3A_219 = arith.addi %mul3A_4, %mul3A_218 : i32
        %dma_start3A_220 = tpu.memref_slice %arg4[%add3A_219] : memref<163840xi32, #tpu.memory_space<hbm>> -> memref<80xi32, #tpu.memory_space<hbm>>
        %dma_start3A_221 = tpu.memref_slice %arg4[%add3A_219] : memref<163840xi32, #tpu.memory_space<hbm>> -> memref<80xi32, #tpu.memory_space<hbm>>
        tpu.enqueue_dma source(%dma_start3A_221 : memref<80xi32, #tpu.memory_space<hbm>>) target(%arg12 : memref<80xi32, #tpu.memory_space<vmem>>) target_semaphore(%arg29 : memref<!tpu.dma_semaphore, #tpu.memory_space<semaphore_mem>>)
      } else {
      }
      %scan3A_205 = arith.constant 0 : i32
      scf.yield %scan3A_205 : i32
    }
    %scan3A_89 = arith.constant 32 : i32
    %dma_wait3A_90 = arith.constant 0 : i32
    %dma_wait3A_91 = arith.constant 0 : i32
    %dma_wait3A_92 = tpu.memref_slice %arg18[%dma_wait3A_90, %dma_wait3A_91] : memref<10368x128xf32, #tpu.memory_space<vmem_shared>> -> memref<10368x128xf32, #tpu.memory_space<vmem_shared>>
    tpu.wait_indirect_dma semaphore(%arg23 : memref<!tpu.dma_semaphore, #tpu.memory_space<semaphore_mem>>) src(%arg14 : memref<80x128xf32, #tpu.memory_space<vmem>>) dst(%dma_wait3A_92 : memref<10368x128xf32, #tpu.memory_space<vmem_shared>>)
    %dma_wait3A_93 = arith.constant 0 : i32
    %dma_wait3A_94 = arith.constant 0 : i32
    %dma_wait3A_95 = tpu.memref_slice %arg18[%dma_wait3A_93, %dma_wait3A_94] : memref<10368x128xf32, #tpu.memory_space<vmem_shared>> -> memref<10368x128xf32, #tpu.memory_space<vmem_shared>>
    tpu.wait_indirect_dma semaphore(%arg24 : memref<!tpu.dma_semaphore, #tpu.memory_space<semaphore_mem>>) src(%arg15 : memref<80x128xf32, #tpu.memory_space<vmem>>) dst(%dma_wait3A_95 : memref<10368x128xf32, #tpu.memory_space<vmem_shared>>)
    %dma_wait3A_96 = arith.constant 0 : i32
    %dma_wait3A_97 = arith.constant 0 : i32
    %dma_wait3A_98 = tpu.memref_slice %arg18[%dma_wait3A_96, %dma_wait3A_97] : memref<10368x128xf32, #tpu.memory_space<vmem_shared>> -> memref<10368x128xf32, #tpu.memory_space<vmem_shared>>
    tpu.wait_indirect_dma semaphore(%arg25 : memref<!tpu.dma_semaphore, #tpu.memory_space<semaphore_mem>>) src(%arg16 : memref<80x128xf32, #tpu.memory_space<vmem>>) dst(%dma_wait3A_98 : memref<10368x128xf32, #tpu.memory_space<vmem_shared>>)
    %dma_wait3A_99 = arith.constant 0 : i32
    %dma_wait3A_100 = arith.constant 0 : i32
    %dma_wait3A_101 = tpu.memref_slice %arg18[%dma_wait3A_99, %dma_wait3A_100] : memref<10368x128xf32, #tpu.memory_space<vmem_shared>> -> memref<10368x128xf32, #tpu.memory_space<vmem_shared>>
    tpu.wait_indirect_dma semaphore(%arg26 : memref<!tpu.dma_semaphore, #tpu.memory_space<semaphore_mem>>) src(%arg17 : memref<80x128xf32, #tpu.memory_space<vmem>>) dst(%dma_wait3A_101 : memref<10368x128xf32, #tpu.memory_space<vmem_shared>>)
    %barrier3A_102 = arith.constant 0 : index
    tpu.barrier barrier_id(%barrier3A_102)
    %mul3A_103 = arith.constant 640 : i32
    %mul3A_104 = arith.muli %arg1, %mul3A_103 : i32
    %mul3A_105 = arith.constant 10240 : i32
    %mul3A_106 = arith.muli %arg0, %mul3A_105 : i32
    %mul3A_107 = arith.constant 640 : i32
    %mul3A_108 = arith.muli %arg1, %mul3A_107 : i32
    %add3A_109 = arith.addi %mul3A_106, %mul3A_108 : i32
    "tpu.region"() ({
      %run_scoped3A = tpu.sem_alloc : memref<!tpu.dma_semaphore, #tpu.memory_space<semaphore_mem>>
      %dma_start3A_110 = arith.constant 0 : i32
      %dma_start3A_111 = tpu.memref_slice %arg5[%add3A_109, %dma_start3A_110] : memref<20480x128xf32, #tpu.memory_space<hbm>> -> memref<640x128xf32, #tpu.memory_space<hbm>>
      %dma_start3A_112 = arith.constant 0 : i32
      %dma_start3A_113 = tpu.memref_slice %arg18[%mul3A_104, %dma_start3A_112] : memref<10368x128xf32, #tpu.memory_space<vmem_shared>> -> memref<640x128xf32, #tpu.memory_space<vmem_shared>>
      tpu.enqueue_dma source(%dma_start3A_113 : memref<640x128xf32, #tpu.memory_space<vmem_shared>>) target(%dma_start3A_111 : memref<640x128xf32, #tpu.memory_space<hbm>>) target_semaphore(%run_scoped3A : memref<!tpu.dma_semaphore, #tpu.memory_space<semaphore_mem>>)
      %dma_wait3A_114 = arith.constant 0 : i32
      %dma_wait3A_115 = tpu.memref_slice %arg5[%add3A_109, %dma_wait3A_114] : memref<20480x128xf32, #tpu.memory_space<hbm>> -> memref<640x128xf32, #tpu.memory_space<hbm>>
      %dma_wait3A_116 = arith.constant 0 : i32
      %dma_wait3A_117 = tpu.memref_slice %arg18[%mul3A_104, %dma_wait3A_116] : memref<10368x128xf32, #tpu.memory_space<vmem_shared>> -> memref<640x128xf32, #tpu.memory_space<vmem_shared>>
      tpu.wait_dma2 semaphore(%run_scoped3A : memref<!tpu.dma_semaphore, #tpu.memory_space<semaphore_mem>>) src(%dma_wait3A_117 : memref<640x128xf32, #tpu.memory_space<vmem_shared>>) dst(%dma_wait3A_115 : memref<640x128xf32, #tpu.memory_space<hbm>>)
      tpu.yield
    }) : () -> ()
    return
  }
}

#map = affine_map<(d0, d1) -> (0, 0)>
#map1 = affine_map<(d0, d1) -> (0)>
module attributes {stable_mosaic.version = 14 : i64} {
  func.func @_agg_body(%arg0: i32, %arg1: i32, %arg2: memref<20480x128xf32, #tpu.memory_space<hbm>>, %arg3: memref<327680xi32, #tpu.memory_space<hbm>>, %arg4: memref<163840xi32, #tpu.memory_space<hbm>>, %arg5: memref<20480x128xf32, #tpu.memory_space<hbm>>, %arg6: memref<80xi32, #tpu.memory_space<vmem>>, %arg7: memref<80xi32, #tpu.memory_space<vmem>>, %arg8: memref<80xi32, #tpu.memory_space<vmem>>, %arg9: memref<80xi32, #tpu.memory_space<vmem>>, %arg10: memref<80xi32, #tpu.memory_space<vmem>>, %arg11: memref<80xi32, #tpu.memory_space<vmem>>, %arg12: memref<80xi32, #tpu.memory_space<vmem>>, %arg13: memref<80xi32, #tpu.memory_space<vmem>>, %arg14: memref<80x128xf32, #tpu.memory_space<vmem>>, %arg15: memref<80x128xf32, #tpu.memory_space<vmem>>, %arg16: memref<80x128xf32, #tpu.memory_space<vmem>>, %arg17: memref<80x128xf32, #tpu.memory_space<vmem>>, %arg18: memref<10368x128xf32, #tpu.memory_space<vmem_shared>>, %arg19: memref<!tpu.dma_semaphore, #tpu.memory_space<semaphore_mem>>, %arg20: memref<!tpu.dma_semaphore, #tpu.memory_space<semaphore_mem>>, %arg21: memref<!tpu.dma_semaphore, #tpu.memory_space<semaphore_mem>>, %arg22: memref<!tpu.dma_semaphore, #tpu.memory_space<semaphore_mem>>, %arg23: memref<!tpu.dma_semaphore, #tpu.memory_space<semaphore_mem>>, %arg24: memref<!tpu.dma_semaphore, #tpu.memory_space<semaphore_mem>>, %arg25: memref<!tpu.dma_semaphore, #tpu.memory_space<semaphore_mem>>, %arg26: memref<!tpu.dma_semaphore, #tpu.memory_space<semaphore_mem>>, %arg27: memref<!tpu.dma_semaphore, #tpu.memory_space<semaphore_mem>>, %arg28: memref<!tpu.dma_semaphore, #tpu.memory_space<semaphore_mem>>, %arg29: memref<!tpu.dma_semaphore, #tpu.memory_space<semaphore_mem>>, %arg30: memref<!tpu.dma_semaphore, #tpu.memory_space<semaphore_mem>>) attributes {dimension_semantics = [#tpu.dimension_semantics<core_parallel>, #tpu.dimension_semantics<subcore_parallel>], iteration_bounds = array<i64: 2, 16>, scalar_prefetch = 0 : i64, scratch_operands = 25 : i64, tpu.core_type = #tpu.core_type<sc_vector_subcore>, window_params = [{transform_indices = #map}, {transform_indices = #map1}, {transform_indices = #map1}, {transform_indices = #map}]} {
    %mul3A = arith.constant 16 : i32
    %mul3A_0 = arith.muli %arg0, %mul3A : i32
    %add3A = arith.addi %mul3A_0, %arg1 : i32
    %mul3A_1 = arith.constant 10240 : i32
    %mul3A_2 = arith.muli %add3A, %mul3A_1 : i32
    %mul3A_3 = arith.constant 10240 : i32
    %mul3A_4 = arith.muli %arg1, %mul3A_3 : i32
    %scan3A = arith.constant 0 : i32
    %scan3A_5 = arith.constant 0 : i32
    %scan3A_6 = arith.constant 80 : i32
    %scan3A_7 = arith.addi %scan3A_5, %scan3A_6 : i32
    %scan3A_8 = arith.constant 1 : i32
    %scan3A_9 = scf.for %scan3A_110 = %scan3A_5 to %scan3A_7 step %scan3A_8 iter_args(%scan3A_111 = %scan3A) -> (i32)  : i32 {
      %broadcast_in_dim3A = arith.constant 0.000000e+00 : f32
      %broadcast_in_dim3A_112 = vector.broadcast %broadcast_in_dim3A : f32 to vector<16xf32>
      %swap3A = arith.index_cast %scan3A_110 : i32 to index
      %swap3A_113 = arith.constant 0 : index
      %swap3A_114 = tpu.vector_load %arg14[%swap3A, %swap3A_113] {strides = array<i32>} : memref<80x128xf32, #tpu.memory_space<vmem>>, vector<1x16xf32>,
      %swap3A_115 = vector.shape_cast %swap3A_114 : vector<1x16xf32> to vector<16xf32>
      %swap3A_116 = vector.shape_cast %broadcast_in_dim3A_112 : vector<16xf32> to vector<1x16xf32>
      tpu.vector_store %arg14[%swap3A, %swap3A_113], %swap3A_116 {strides = array<i32>} : memref<80x128xf32, #tpu.memory_space<vmem>>, vector<1x16xf32>,
      %broadcast_in_dim3A_117 = arith.constant 0.000000e+00 : f32
      %broadcast_in_dim3A_118 = vector.broadcast %broadcast_in_dim3A_117 : f32 to vector<16xf32>
      %swap3A_119 = arith.index_cast %scan3A_110 : i32 to index
      %swap3A_120 = arith.constant 16 : index
      %swap3A_121 = tpu.vector_load %arg14[%swap3A_119, %swap3A_120] {strides = array<i32>} : memref<80x128xf32, #tpu.memory_space<vmem>>, vector<1x16xf32>,
      %swap3A_122 = vector.shape_cast %swap3A_121 : vector<1x16xf32> to vector<16xf32>
      %swap3A_123 = vector.shape_cast %broadcast_in_dim3A_118 : vector<16xf32> to vector<1x16xf32>
      tpu.vector_store %arg14[%swap3A_119, %swap3A_120], %swap3A_123 {strides = array<i32>} : memref<80x128xf32, #tpu.memory_space<vmem>>, vector<1x16xf32>,
      %broadcast_in_dim3A_124 = arith.constant 0.000000e+00 : f32
      %broadcast_in_dim3A_125 = vector.broadcast %broadcast_in_dim3A_124 : f32 to vector<16xf32>
      %swap3A_126 = arith.index_cast %scan3A_110 : i32 to index
      %swap3A_127 = arith.constant 32 : index
      %swap3A_128 = tpu.vector_load %arg14[%swap3A_126, %swap3A_127] {strides = array<i32>} : memref<80x128xf32, #tpu.memory_space<vmem>>, vector<1x16xf32>,
      %swap3A_129 = vector.shape_cast %swap3A_128 : vector<1x16xf32> to vector<16xf32>
      %swap3A_130 = vector.shape_cast %broadcast_in_dim3A_125 : vector<16xf32> to vector<1x16xf32>
      tpu.vector_store %arg14[%swap3A_126, %swap3A_127], %swap3A_130 {strides = array<i32>} : memref<80x128xf32, #tpu.memory_space<vmem>>, vector<1x16xf32>,
      %broadcast_in_dim3A_131 = arith.constant 0.000000e+00 : f32
      %broadcast_in_dim3A_132 = vector.broadcast %broadcast_in_dim3A_131 : f32 to vector<16xf32>
      %swap3A_133 = arith.index_cast %scan3A_110 : i32 to index
      %swap3A_134 = arith.constant 48 : index
      %swap3A_135 = tpu.vector_load %arg14[%swap3A_133, %swap3A_134] {strides = array<i32>} : memref<80x128xf32, #tpu.memory_space<vmem>>, vector<1x16xf32>,
      %swap3A_136 = vector.shape_cast %swap3A_135 : vector<1x16xf32> to vector<16xf32>
      %swap3A_137 = vector.shape_cast %broadcast_in_dim3A_132 : vector<16xf32> to vector<1x16xf32>
      tpu.vector_store %arg14[%swap3A_133, %swap3A_134], %swap3A_137 {strides = array<i32>} : memref<80x128xf32, #tpu.memory_space<vmem>>, vector<1x16xf32>,
      %broadcast_in_dim3A_138 = arith.constant 0.000000e+00 : f32
      %broadcast_in_dim3A_139 = vector.broadcast %broadcast_in_dim3A_138 : f32 to vector<16xf32>
      %swap3A_140 = arith.index_cast %scan3A_110 : i32 to index
      %swap3A_141 = arith.constant 64 : index
      %swap3A_142 = tpu.vector_load %arg14[%swap3A_140, %swap3A_141] {strides = array<i32>} : memref<80x128xf32, #tpu.memory_space<vmem>>, vector<1x16xf32>,
      %swap3A_143 = vector.shape_cast %swap3A_142 : vector<1x16xf32> to vector<16xf32>
      %swap3A_144 = vector.shape_cast %broadcast_in_dim3A_139 : vector<16xf32> to vector<1x16xf32>
      tpu.vector_store %arg14[%swap3A_140, %swap3A_141], %swap3A_144 {strides = array<i32>} : memref<80x128xf32, #tpu.memory_space<vmem>>, vector<1x16xf32>,
      %broadcast_in_dim3A_145 = arith.constant 0.000000e+00 : f32
      %broadcast_in_dim3A_146 = vector.broadcast %broadcast_in_dim3A_145 : f32 to vector<16xf32>
      %swap3A_147 = arith.index_cast %scan3A_110 : i32 to index
      %swap3A_148 = arith.constant 80 : index
      %swap3A_149 = tpu.vector_load %arg14[%swap3A_147, %swap3A_148] {strides = array<i32>} : memref<80x128xf32, #tpu.memory_space<vmem>>, vector<1x16xf32>,
      %swap3A_150 = vector.shape_cast %swap3A_149 : vector<1x16xf32> to vector<16xf32>
      %swap3A_151 = vector.shape_cast %broadcast_in_dim3A_146 : vector<16xf32> to vector<1x16xf32>
      tpu.vector_store %arg14[%swap3A_147, %swap3A_148], %swap3A_151 {strides = array<i32>} : memref<80x128xf32, #tpu.memory_space<vmem>>, vector<1x16xf32>,
      %broadcast_in_dim3A_152 = arith.constant 0.000000e+00 : f32
      %broadcast_in_dim3A_153 = vector.broadcast %broadcast_in_dim3A_152 : f32 to vector<16xf32>
      %swap3A_154 = arith.index_cast %scan3A_110 : i32 to index
      %swap3A_155 = arith.constant 96 : index
      %swap3A_156 = tpu.vector_load %arg14[%swap3A_154, %swap3A_155] {strides = array<i32>} : memref<80x128xf32, #tpu.memory_space<vmem>>, vector<1x16xf32>,
      %swap3A_157 = vector.shape_cast %swap3A_156 : vector<1x16xf32> to vector<16xf32>
      %swap3A_158 = vector.shape_cast %broadcast_in_dim3A_153 : vector<16xf32> to vector<1x16xf32>
      tpu.vector_store %arg14[%swap3A_154, %swap3A_155], %swap3A_158 {strides = array<i32>} : memref<80x128xf32, #tpu.memory_space<vmem>>, vector<1x16xf32>,
      %broadcast_in_dim3A_159 = arith.constant 0.000000e+00 : f32
      %broadcast_in_dim3A_160 = vector.broadcast %broadcast_in_dim3A_159 : f32 to vector<16xf32>
      %swap3A_161 = arith.index_cast %scan3A_110 : i32 to index
      %swap3A_162 = arith.constant 112 : index
      %swap3A_163 = tpu.vector_load %arg14[%swap3A_161, %swap3A_162] {strides = array<i32>} : memref<80x128xf32, #tpu.memory_space<vmem>>, vector<1x16xf32>,
      %swap3A_164 = vector.shape_cast %swap3A_163 : vector<1x16xf32> to vector<16xf32>
      %swap3A_165 = vector.shape_cast %broadcast_in_dim3A_160 : vector<16xf32> to vector<1x16xf32>
      tpu.vector_store %arg14[%swap3A_161, %swap3A_162], %swap3A_165 {strides = array<i32>} : memref<80x128xf32, #tpu.memory_space<vmem>>, vector<1x16xf32>,
      %scan3A_166 = arith.constant 0 : i32
      scf.yield %scan3A_166 : i32
    }
    %scan3A_10 = arith.constant 80 : i32
    %mul3A_11 = arith.constant 648 : i32
    %mul3A_12 = arith.muli %arg1, %mul3A_11 : i32
    %add3A_13 = arith.constant 0 : i32
    %add3A_14 = arith.addi %mul3A_12, %add3A_13 : i32
    "tpu.region"() ({
      %run_scoped3A = tpu.sem_alloc : memref<!tpu.dma_semaphore, #tpu.memory_space<semaphore_mem>>
      %dma_start3A_110 = arith.constant 0 : i32
      %dma_start3A_111 = tpu.memref_slice %arg18[%add3A_14, %dma_start3A_110] : memref<10368x128xf32, #tpu.memory_space<vmem_shared>> -> memref<80x128xf32, #tpu.memory_space<vmem_shared>>
      %dma_start3A_112 = arith.constant 0 : i32
      %dma_start3A_113 = tpu.memref_slice %arg18[%add3A_14, %dma_start3A_112] : memref<10368x128xf32, #tpu.memory_space<vmem_shared>> -> memref<80x128xf32, #tpu.memory_space<vmem_shared>>
      tpu.enqueue_dma source(%arg14 : memref<80x128xf32, #tpu.memory_space<vmem>>) target(%dma_start3A_113 : memref<80x128xf32, #tpu.memory_space<vmem_shared>>) target_semaphore(%run_scoped3A : memref<!tpu.dma_semaphore, #tpu.memory_space<semaphore_mem>>)
      %dma_wait3A_114 = arith.constant 0 : i32
      %dma_wait3A_115 = tpu.memref_slice %arg18[%add3A_14, %dma_wait3A_114] : memref<10368x128xf32, #tpu.memory_space<vmem_shared>> -> memref<80x128xf32, #tpu.memory_space<vmem_shared>>
      %dma_wait3A_116 = arith.constant 0 : i32
      %dma_wait3A_117 = tpu.memref_slice %arg18[%add3A_14, %dma_wait3A_116] : memref<10368x128xf32, #tpu.memory_space<vmem_shared>> -> memref<80x128xf32, #tpu.memory_space<vmem_shared>>
      tpu.wait_dma2 semaphore(%run_scoped3A : memref<!tpu.dma_semaphore, #tpu.memory_space<semaphore_mem>>) src(%arg14 : memref<80x128xf32, #tpu.memory_space<vmem>>) dst(%dma_wait3A_117 : memref<80x128xf32, #tpu.memory_space<vmem_shared>>)
      tpu.yield
    }) : () -> ()
    %mul3A_15 = arith.constant 648 : i32
    %mul3A_16 = arith.muli %arg1, %mul3A_15 : i32
    %add3A_17 = arith.constant 80 : i32
    %add3A_18 = arith.addi %mul3A_16, %add3A_17 : i32
    "tpu.region"() ({
      %run_scoped3A = tpu.sem_alloc : memref<!tpu.dma_semaphore, #tpu.memory_space<semaphore_mem>>
      %dma_start3A_110 = arith.constant 0 : i32
      %dma_start3A_111 = tpu.memref_slice %arg18[%add3A_18, %dma_start3A_110] : memref<10368x128xf32, #tpu.memory_space<vmem_shared>> -> memref<80x128xf32, #tpu.memory_space<vmem_shared>>
      %dma_start3A_112 = arith.constant 0 : i32
      %dma_start3A_113 = tpu.memref_slice %arg18[%add3A_18, %dma_start3A_112] : memref<10368x128xf32, #tpu.memory_space<vmem_shared>> -> memref<80x128xf32, #tpu.memory_space<vmem_shared>>
      tpu.enqueue_dma source(%arg14 : memref<80x128xf32, #tpu.memory_space<vmem>>) target(%dma_start3A_113 : memref<80x128xf32, #tpu.memory_space<vmem_shared>>) target_semaphore(%run_scoped3A : memref<!tpu.dma_semaphore, #tpu.memory_space<semaphore_mem>>)
      %dma_wait3A_114 = arith.constant 0 : i32
      %dma_wait3A_115 = tpu.memref_slice %arg18[%add3A_18, %dma_wait3A_114] : memref<10368x128xf32, #tpu.memory_space<vmem_shared>> -> memref<80x128xf32, #tpu.memory_space<vmem_shared>>
      %dma_wait3A_116 = arith.constant 0 : i32
      %dma_wait3A_117 = tpu.memref_slice %arg18[%add3A_18, %dma_wait3A_116] : memref<10368x128xf32, #tpu.memory_space<vmem_shared>> -> memref<80x128xf32, #tpu.memory_space<vmem_shared>>
      tpu.wait_dma2 semaphore(%run_scoped3A : memref<!tpu.dma_semaphore, #tpu.memory_space<semaphore_mem>>) src(%arg14 : memref<80x128xf32, #tpu.memory_space<vmem>>) dst(%dma_wait3A_117 : memref<80x128xf32, #tpu.memory_space<vmem_shared>>)
      tpu.yield
    }) : () -> ()
    %mul3A_19 = arith.constant 648 : i32
    %mul3A_20 = arith.muli %arg1, %mul3A_19 : i32
    %add3A_21 = arith.constant 160 : i32
    %add3A_22 = arith.addi %mul3A_20, %add3A_21 : i32
    "tpu.region"() ({
      %run_scoped3A = tpu.sem_alloc : memref<!tpu.dma_semaphore, #tpu.memory_space<semaphore_mem>>
      %dma_start3A_110 = arith.constant 0 : i32
      %dma_start3A_111 = tpu.memref_slice %arg18[%add3A_22, %dma_start3A_110] : memref<10368x128xf32, #tpu.memory_space<vmem_shared>> -> memref<80x128xf32, #tpu.memory_space<vmem_shared>>
      %dma_start3A_112 = arith.constant 0 : i32
      %dma_start3A_113 = tpu.memref_slice %arg18[%add3A_22, %dma_start3A_112] : memref<10368x128xf32, #tpu.memory_space<vmem_shared>> -> memref<80x128xf32, #tpu.memory_space<vmem_shared>>
      tpu.enqueue_dma source(%arg14 : memref<80x128xf32, #tpu.memory_space<vmem>>) target(%dma_start3A_113 : memref<80x128xf32, #tpu.memory_space<vmem_shared>>) target_semaphore(%run_scoped3A : memref<!tpu.dma_semaphore, #tpu.memory_space<semaphore_mem>>)
      %dma_wait3A_114 = arith.constant 0 : i32
      %dma_wait3A_115 = tpu.memref_slice %arg18[%add3A_22, %dma_wait3A_114] : memref<10368x128xf32, #tpu.memory_space<vmem_shared>> -> memref<80x128xf32, #tpu.memory_space<vmem_shared>>
      %dma_wait3A_116 = arith.constant 0 : i32
      %dma_wait3A_117 = tpu.memref_slice %arg18[%add3A_22, %dma_wait3A_116] : memref<10368x128xf32, #tpu.memory_space<vmem_shared>> -> memref<80x128xf32, #tpu.memory_space<vmem_shared>>
      tpu.wait_dma2 semaphore(%run_scoped3A : memref<!tpu.dma_semaphore, #tpu.memory_space<semaphore_mem>>) src(%arg14 : memref<80x128xf32, #tpu.memory_space<vmem>>) dst(%dma_wait3A_117 : memref<80x128xf32, #tpu.memory_space<vmem_shared>>)
      tpu.yield
    }) : () -> ()
    %mul3A_23 = arith.constant 648 : i32
    %mul3A_24 = arith.muli %arg1, %mul3A_23 : i32
    %add3A_25 = arith.constant 240 : i32
    %add3A_26 = arith.addi %mul3A_24, %add3A_25 : i32
    "tpu.region"() ({
      %run_scoped3A = tpu.sem_alloc : memref<!tpu.dma_semaphore, #tpu.memory_space<semaphore_mem>>
      %dma_start3A_110 = arith.constant 0 : i32
      %dma_start3A_111 = tpu.memref_slice %arg18[%add3A_26, %dma_start3A_110] : memref<10368x128xf32, #tpu.memory_space<vmem_shared>> -> memref<80x128xf32, #tpu.memory_space<vmem_shared>>
      %dma_start3A_112 = arith.constant 0 : i32
      %dma_start3A_113 = tpu.memref_slice %arg18[%add3A_26, %dma_start3A_112] : memref<10368x128xf32, #tpu.memory_space<vmem_shared>> -> memref<80x128xf32, #tpu.memory_space<vmem_shared>>
      tpu.enqueue_dma source(%arg14 : memref<80x128xf32, #tpu.memory_space<vmem>>) target(%dma_start3A_113 : memref<80x128xf32, #tpu.memory_space<vmem_shared>>) target_semaphore(%run_scoped3A : memref<!tpu.dma_semaphore, #tpu.memory_space<semaphore_mem>>)
      %dma_wait3A_114 = arith.constant 0 : i32
      %dma_wait3A_115 = tpu.memref_slice %arg18[%add3A_26, %dma_wait3A_114] : memref<10368x128xf32, #tpu.memory_space<vmem_shared>> -> memref<80x128xf32, #tpu.memory_space<vmem_shared>>
      %dma_wait3A_116 = arith.constant 0 : i32
      %dma_wait3A_117 = tpu.memref_slice %arg18[%add3A_26, %dma_wait3A_116] : memref<10368x128xf32, #tpu.memory_space<vmem_shared>> -> memref<80x128xf32, #tpu.memory_space<vmem_shared>>
      tpu.wait_dma2 semaphore(%run_scoped3A : memref<!tpu.dma_semaphore, #tpu.memory_space<semaphore_mem>>) src(%arg14 : memref<80x128xf32, #tpu.memory_space<vmem>>) dst(%dma_wait3A_117 : memref<80x128xf32, #tpu.memory_space<vmem_shared>>)
      tpu.yield
    }) : () -> ()
    %mul3A_27 = arith.constant 648 : i32
    %mul3A_28 = arith.muli %arg1, %mul3A_27 : i32
    %add3A_29 = arith.constant 320 : i32
    %add3A_30 = arith.addi %mul3A_28, %add3A_29 : i32
    "tpu.region"() ({
      %run_scoped3A = tpu.sem_alloc : memref<!tpu.dma_semaphore, #tpu.memory_space<semaphore_mem>>
      %dma_start3A_110 = arith.constant 0 : i32
      %dma_start3A_111 = tpu.memref_slice %arg18[%add3A_30, %dma_start3A_110] : memref<10368x128xf32, #tpu.memory_space<vmem_shared>> -> memref<80x128xf32, #tpu.memory_space<vmem_shared>>
      %dma_start3A_112 = arith.constant 0 : i32
      %dma_start3A_113 = tpu.memref_slice %arg18[%add3A_30, %dma_start3A_112] : memref<10368x128xf32, #tpu.memory_space<vmem_shared>> -> memref<80x128xf32, #tpu.memory_space<vmem_shared>>
      tpu.enqueue_dma source(%arg14 : memref<80x128xf32, #tpu.memory_space<vmem>>) target(%dma_start3A_113 : memref<80x128xf32, #tpu.memory_space<vmem_shared>>) target_semaphore(%run_scoped3A : memref<!tpu.dma_semaphore, #tpu.memory_space<semaphore_mem>>)
      %dma_wait3A_114 = arith.constant 0 : i32
      %dma_wait3A_115 = tpu.memref_slice %arg18[%add3A_30, %dma_wait3A_114] : memref<10368x128xf32, #tpu.memory_space<vmem_shared>> -> memref<80x128xf32, #tpu.memory_space<vmem_shared>>
      %dma_wait3A_116 = arith.constant 0 : i32
      %dma_wait3A_117 = tpu.memref_slice %arg18[%add3A_30, %dma_wait3A_116] : memref<10368x128xf32, #tpu.memory_space<vmem_shared>> -> memref<80x128xf32, #tpu.memory_space<vmem_shared>>
      tpu.wait_dma2 semaphore(%run_scoped3A : memref<!tpu.dma_semaphore, #tpu.memory_space<semaphore_mem>>) src(%arg14 : memref<80x128xf32, #tpu.memory_space<vmem>>) dst(%dma_wait3A_117 : memref<80x128xf32, #tpu.memory_space<vmem_shared>>)
      tpu.yield
    }) : () -> ()
    %mul3A_31 = arith.constant 648 : i32
    %mul3A_32 = arith.muli %arg1, %mul3A_31 : i32
    %add3A_33 = arith.constant 400 : i32
    %add3A_34 = arith.addi %mul3A_32, %add3A_33 : i32
    "tpu.region"() ({
      %run_scoped3A = tpu.sem_alloc : memref<!tpu.dma_semaphore, #tpu.memory_space<semaphore_mem>>
      %dma_start3A_110 = arith.constant 0 : i32
      %dma_start3A_111 = tpu.memref_slice %arg18[%add3A_34, %dma_start3A_110] : memref<10368x128xf32, #tpu.memory_space<vmem_shared>> -> memref<80x128xf32, #tpu.memory_space<vmem_shared>>
      %dma_start3A_112 = arith.constant 0 : i32
      %dma_start3A_113 = tpu.memref_slice %arg18[%add3A_34, %dma_start3A_112] : memref<10368x128xf32, #tpu.memory_space<vmem_shared>> -> memref<80x128xf32, #tpu.memory_space<vmem_shared>>
      tpu.enqueue_dma source(%arg14 : memref<80x128xf32, #tpu.memory_space<vmem>>) target(%dma_start3A_113 : memref<80x128xf32, #tpu.memory_space<vmem_shared>>) target_semaphore(%run_scoped3A : memref<!tpu.dma_semaphore, #tpu.memory_space<semaphore_mem>>)
      %dma_wait3A_114 = arith.constant 0 : i32
      %dma_wait3A_115 = tpu.memref_slice %arg18[%add3A_34, %dma_wait3A_114] : memref<10368x128xf32, #tpu.memory_space<vmem_shared>> -> memref<80x128xf32, #tpu.memory_space<vmem_shared>>
      %dma_wait3A_116 = arith.constant 0 : i32
      %dma_wait3A_117 = tpu.memref_slice %arg18[%add3A_34, %dma_wait3A_116] : memref<10368x128xf32, #tpu.memory_space<vmem_shared>> -> memref<80x128xf32, #tpu.memory_space<vmem_shared>>
      tpu.wait_dma2 semaphore(%run_scoped3A : memref<!tpu.dma_semaphore, #tpu.memory_space<semaphore_mem>>) src(%arg14 : memref<80x128xf32, #tpu.memory_space<vmem>>) dst(%dma_wait3A_117 : memref<80x128xf32, #tpu.memory_space<vmem_shared>>)
      tpu.yield
    }) : () -> ()
    %mul3A_35 = arith.constant 648 : i32
    %mul3A_36 = arith.muli %arg1, %mul3A_35 : i32
    %add3A_37 = arith.constant 480 : i32
    %add3A_38 = arith.addi %mul3A_36, %add3A_37 : i32
    "tpu.region"() ({
      %run_scoped3A = tpu.sem_alloc : memref<!tpu.dma_semaphore, #tpu.memory_space<semaphore_mem>>
      %dma_start3A_110 = arith.constant 0 : i32
      %dma_start3A_111 = tpu.memref_slice %arg18[%add3A_38, %dma_start3A_110] : memref<10368x128xf32, #tpu.memory_space<vmem_shared>> -> memref<80x128xf32, #tpu.memory_space<vmem_shared>>
      %dma_start3A_112 = arith.constant 0 : i32
      %dma_start3A_113 = tpu.memref_slice %arg18[%add3A_38, %dma_start3A_112] : memref<10368x128xf32, #tpu.memory_space<vmem_shared>> -> memref<80x128xf32, #tpu.memory_space<vmem_shared>>
      tpu.enqueue_dma source(%arg14 : memref<80x128xf32, #tpu.memory_space<vmem>>) target(%dma_start3A_113 : memref<80x128xf32, #tpu.memory_space<vmem_shared>>) target_semaphore(%run_scoped3A : memref<!tpu.dma_semaphore, #tpu.memory_space<semaphore_mem>>)
      %dma_wait3A_114 = arith.constant 0 : i32
      %dma_wait3A_115 = tpu.memref_slice %arg18[%add3A_38, %dma_wait3A_114] : memref<10368x128xf32, #tpu.memory_space<vmem_shared>> -> memref<80x128xf32, #tpu.memory_space<vmem_shared>>
      %dma_wait3A_116 = arith.constant 0 : i32
      %dma_wait3A_117 = tpu.memref_slice %arg18[%add3A_38, %dma_wait3A_116] : memref<10368x128xf32, #tpu.memory_space<vmem_shared>> -> memref<80x128xf32, #tpu.memory_space<vmem_shared>>
      tpu.wait_dma2 semaphore(%run_scoped3A : memref<!tpu.dma_semaphore, #tpu.memory_space<semaphore_mem>>) src(%arg14 : memref<80x128xf32, #tpu.memory_space<vmem>>) dst(%dma_wait3A_117 : memref<80x128xf32, #tpu.memory_space<vmem_shared>>)
      tpu.yield
    }) : () -> ()
    %mul3A_39 = arith.constant 648 : i32
    %mul3A_40 = arith.muli %arg1, %mul3A_39 : i32
    %add3A_41 = arith.constant 560 : i32
    %add3A_42 = arith.addi %mul3A_40, %add3A_41 : i32
    "tpu.region"() ({
      %run_scoped3A = tpu.sem_alloc : memref<!tpu.dma_semaphore, #tpu.memory_space<semaphore_mem>>
      %dma_start3A_110 = arith.constant 0 : i32
      %dma_start3A_111 = tpu.memref_slice %arg18[%add3A_42, %dma_start3A_110] : memref<10368x128xf32, #tpu.memory_space<vmem_shared>> -> memref<80x128xf32, #tpu.memory_space<vmem_shared>>
      %dma_start3A_112 = arith.constant 0 : i32
      %dma_start3A_113 = tpu.memref_slice %arg18[%add3A_42, %dma_start3A_112] : memref<10368x128xf32, #tpu.memory_space<vmem_shared>> -> memref<80x128xf32, #tpu.memory_space<vmem_shared>>
      tpu.enqueue_dma source(%arg14 : memref<80x128xf32, #tpu.memory_space<vmem>>) target(%dma_start3A_113 : memref<80x128xf32, #tpu.memory_space<vmem_shared>>) target_semaphore(%run_scoped3A : memref<!tpu.dma_semaphore, #tpu.memory_space<semaphore_mem>>)
      %dma_wait3A_114 = arith.constant 0 : i32
      %dma_wait3A_115 = tpu.memref_slice %arg18[%add3A_42, %dma_wait3A_114] : memref<10368x128xf32, #tpu.memory_space<vmem_shared>> -> memref<80x128xf32, #tpu.memory_space<vmem_shared>>
      %dma_wait3A_116 = arith.constant 0 : i32
      %dma_wait3A_117 = tpu.memref_slice %arg18[%add3A_42, %dma_wait3A_116] : memref<10368x128xf32, #tpu.memory_space<vmem_shared>> -> memref<80x128xf32, #tpu.memory_space<vmem_shared>>
      tpu.wait_dma2 semaphore(%run_scoped3A : memref<!tpu.dma_semaphore, #tpu.memory_space<semaphore_mem>>) src(%arg14 : memref<80x128xf32, #tpu.memory_space<vmem>>) dst(%dma_wait3A_117 : memref<80x128xf32, #tpu.memory_space<vmem_shared>>)
      tpu.yield
    }) : () -> ()
    %mul3A_43 = arith.constant 648 : i32
    %mul3A_44 = arith.muli %arg1, %mul3A_43 : i32
    %add3A_45 = arith.constant 640 : i32
    %add3A_46 = arith.addi %mul3A_44, %add3A_45 : i32
    "tpu.region"() ({
      %run_scoped3A = tpu.sem_alloc : memref<!tpu.dma_semaphore, #tpu.memory_space<semaphore_mem>>
      %dma_start3A_110 = arith.constant 0 : i32
      %dma_start3A_111 = arith.constant 0 : i32
      %dma_start3A_112 = tpu.memref_slice %arg14[%dma_start3A_110, %dma_start3A_111] : memref<80x128xf32, #tpu.memory_space<vmem>> -> memref<8x128xf32, #tpu.memory_space<vmem>>
      %dma_start3A_113 = arith.constant 0 : i32
      %dma_start3A_114 = tpu.memref_slice %arg18[%add3A_46, %dma_start3A_113] : memref<10368x128xf32, #tpu.memory_space<vmem_shared>> -> memref<8x128xf32, #tpu.memory_space<vmem_shared>>
      %dma_start3A_115 = arith.constant 0 : i32
      %dma_start3A_116 = tpu.memref_slice %arg18[%add3A_46, %dma_start3A_115] : memref<10368x128xf32, #tpu.memory_space<vmem_shared>> -> memref<8x128xf32, #tpu.memory_space<vmem_shared>>
      %dma_start3A_117 = arith.constant 0 : i32
      %dma_start3A_118 = arith.constant 0 : i32
      %dma_start3A_119 = tpu.memref_slice %arg14[%dma_start3A_117, %dma_start3A_118] : memref<80x128xf32, #tpu.memory_space<vmem>> -> memref<8x128xf32, #tpu.memory_space<vmem>>
      tpu.enqueue_dma source(%dma_start3A_119 : memref<8x128xf32, #tpu.memory_space<vmem>>) target(%dma_start3A_116 : memref<8x128xf32, #tpu.memory_space<vmem_shared>>) target_semaphore(%run_scoped3A : memref<!tpu.dma_semaphore, #tpu.memory_space<semaphore_mem>>)
      %dma_wait3A_120 = arith.constant 0 : i32
      %dma_wait3A_121 = arith.constant 0 : i32
      %dma_wait3A_122 = tpu.memref_slice %arg14[%dma_wait3A_120, %dma_wait3A_121] : memref<80x128xf32, #tpu.memory_space<vmem>> -> memref<8x128xf32, #tpu.memory_space<vmem>>
      %dma_wait3A_123 = arith.constant 0 : i32
      %dma_wait3A_124 = tpu.memref_slice %arg18[%add3A_46, %dma_wait3A_123] : memref<10368x128xf32, #tpu.memory_space<vmem_shared>> -> memref<8x128xf32, #tpu.memory_space<vmem_shared>>
      %dma_wait3A_125 = arith.constant 0 : i32
      %dma_wait3A_126 = tpu.memref_slice %arg18[%add3A_46, %dma_wait3A_125] : memref<10368x128xf32, #tpu.memory_space<vmem_shared>> -> memref<8x128xf32, #tpu.memory_space<vmem_shared>>
      %dma_wait3A_127 = arith.constant 0 : i32
      %dma_wait3A_128 = arith.constant 0 : i32
      %dma_wait3A_129 = tpu.memref_slice %arg14[%dma_wait3A_127, %dma_wait3A_128] : memref<80x128xf32, #tpu.memory_space<vmem>> -> memref<8x128xf32, #tpu.memory_space<vmem>>
      tpu.wait_dma2 semaphore(%run_scoped3A : memref<!tpu.dma_semaphore, #tpu.memory_space<semaphore_mem>>) src(%dma_wait3A_129 : memref<8x128xf32, #tpu.memory_space<vmem>>) dst(%dma_wait3A_126 : memref<8x128xf32, #tpu.memory_space<vmem_shared>>)
      tpu.yield
    }) : () -> ()
    %barrier3A = arith.constant 0 : index
    tpu.barrier barrier_id(%barrier3A)
    %add3A_47 = arith.constant 0 : i32
    %add3A_48 = arith.addi %mul3A_2, %add3A_47 : i32
    %dma_start3A = tpu.memref_slice %arg3[%add3A_48] : memref<327680xi32, #tpu.memory_space<hbm>> -> memref<80xi32, #tpu.memory_space<hbm>>
    %dma_start3A_49 = tpu.memref_slice %arg3[%add3A_48] : memref<327680xi32, #tpu.memory_space<hbm>> -> memref<80xi32, #tpu.memory_space<hbm>>
    tpu.enqueue_dma source(%dma_start3A_49 : memref<80xi32, #tpu.memory_space<hbm>>) target(%arg6 : memref<80xi32, #tpu.memory_space<vmem>>) target_semaphore(%arg27 : memref<!tpu.dma_semaphore, #tpu.memory_space<semaphore_mem>>)
    %add3A_50 = arith.constant 0 : i32
    %add3A_51 = arith.addi %mul3A_4, %add3A_50 : i32
    %dma_start3A_52 = tpu.memref_slice %arg4[%add3A_51] : memref<163840xi32, #tpu.memory_space<hbm>> -> memref<80xi32, #tpu.memory_space<hbm>>
    %dma_start3A_53 = tpu.memref_slice %arg4[%add3A_51] : memref<163840xi32, #tpu.memory_space<hbm>> -> memref<80xi32, #tpu.memory_space<hbm>>
    tpu.enqueue_dma source(%dma_start3A_53 : memref<80xi32, #tpu.memory_space<hbm>>) target(%arg10 : memref<80xi32, #tpu.memory_space<vmem>>) target_semaphore(%arg27 : memref<!tpu.dma_semaphore, #tpu.memory_space<semaphore_mem>>)
    %add3A_54 = arith.constant 80 : i32
    %add3A_55 = arith.addi %mul3A_2, %add3A_54 : i32
    %dma_start3A_56 = tpu.memref_slice %arg3[%add3A_55] : memref<327680xi32, #tpu.memory_space<hbm>> -> memref<80xi32, #tpu.memory_space<hbm>>
    %dma_start3A_57 = tpu.memref_slice %arg3[%add3A_55] : memref<327680xi32, #tpu.memory_space<hbm>> -> memref<80xi32, #tpu.memory_space<hbm>>
    tpu.enqueue_dma source(%dma_start3A_57 : memref<80xi32, #tpu.memory_space<hbm>>) target(%arg7 : memref<80xi32, #tpu.memory_space<vmem>>) target_semaphore(%arg28 : memref<!tpu.dma_semaphore, #tpu.memory_space<semaphore_mem>>)
    %add3A_58 = arith.constant 80 : i32
    %add3A_59 = arith.addi %mul3A_4, %add3A_58 : i32
    %dma_start3A_60 = tpu.memref_slice %arg4[%add3A_59] : memref<163840xi32, #tpu.memory_space<hbm>> -> memref<80xi32, #tpu.memory_space<hbm>>
    %dma_start3A_61 = tpu.memref_slice %arg4[%add3A_59] : memref<163840xi32, #tpu.memory_space<hbm>> -> memref<80xi32, #tpu.memory_space<hbm>>
    tpu.enqueue_dma source(%dma_start3A_61 : memref<80xi32, #tpu.memory_space<hbm>>) target(%arg11 : memref<80xi32, #tpu.memory_space<vmem>>) target_semaphore(%arg28 : memref<!tpu.dma_semaphore, #tpu.memory_space<semaphore_mem>>)
    %add3A_62 = arith.constant 160 : i32
    %add3A_63 = arith.addi %mul3A_2, %add3A_62 : i32
    %dma_start3A_64 = tpu.memref_slice %arg3[%add3A_63] : memref<327680xi32, #tpu.memory_space<hbm>> -> memref<80xi32, #tpu.memory_space<hbm>>
    %dma_start3A_65 = tpu.memref_slice %arg3[%add3A_63] : memref<327680xi32, #tpu.memory_space<hbm>> -> memref<80xi32, #tpu.memory_space<hbm>>
    tpu.enqueue_dma source(%dma_start3A_65 : memref<80xi32, #tpu.memory_space<hbm>>) target(%arg8 : memref<80xi32, #tpu.memory_space<vmem>>) target_semaphore(%arg29 : memref<!tpu.dma_semaphore, #tpu.memory_space<semaphore_mem>>)
    %add3A_66 = arith.constant 160 : i32
    %add3A_67 = arith.addi %mul3A_4, %add3A_66 : i32
    %dma_start3A_68 = tpu.memref_slice %arg4[%add3A_67] : memref<163840xi32, #tpu.memory_space<hbm>> -> memref<80xi32, #tpu.memory_space<hbm>>
    %dma_start3A_69 = tpu.memref_slice %arg4[%add3A_67] : memref<163840xi32, #tpu.memory_space<hbm>> -> memref<80xi32, #tpu.memory_space<hbm>>
    tpu.enqueue_dma source(%dma_start3A_69 : memref<80xi32, #tpu.memory_space<hbm>>) target(%arg12 : memref<80xi32, #tpu.memory_space<vmem>>) target_semaphore(%arg29 : memref<!tpu.dma_semaphore, #tpu.memory_space<semaphore_mem>>)
    %dma_wait3A = tpu.memref_slice %arg3[%mul3A_2] : memref<327680xi32, #tpu.memory_space<hbm>> -> memref<80xi32, #tpu.memory_space<hbm>>
    %dma_wait3A_70 = tpu.memref_slice %arg3[%mul3A_2] : memref<327680xi32, #tpu.memory_space<hbm>> -> memref<80xi32, #tpu.memory_space<hbm>>
    tpu.wait_dma2 semaphore(%arg27 : memref<!tpu.dma_semaphore, #tpu.memory_space<semaphore_mem>>) src(%dma_wait3A_70 : memref<80xi32, #tpu.memory_space<hbm>>) dst(%arg6 : memref<80xi32, #tpu.memory_space<vmem>>)
    %dma_wait3A_71 = tpu.memref_slice %arg4[%mul3A_4] : memref<163840xi32, #tpu.memory_space<hbm>> -> memref<80xi32, #tpu.memory_space<hbm>>
    %dma_wait3A_72 = tpu.memref_slice %arg4[%mul3A_4] : memref<163840xi32, #tpu.memory_space<hbm>> -> memref<80xi32, #tpu.memory_space<hbm>>
    tpu.wait_dma2 semaphore(%arg27 : memref<!tpu.dma_semaphore, #tpu.memory_space<semaphore_mem>>) src(%dma_wait3A_72 : memref<80xi32, #tpu.memory_space<hbm>>) dst(%arg10 : memref<80xi32, #tpu.memory_space<vmem>>)
    %dma_start3A_73 = arith.constant 0 : i32
    %dma_start3A_74 = arith.constant 0 : i32
    %dma_start3A_75 = tpu.memref_slice %arg2[%dma_start3A_73, %dma_start3A_74] : memref<20480x128xf32, #tpu.memory_space<hbm>> -> memref<20480x128xf32, #tpu.memory_space<hbm>>
    tpu.enqueue_indirect_dma source(%dma_start3A_75 : memref<20480x128xf32, #tpu.memory_space<hbm>>) target(%arg14 : memref<80x128xf32, #tpu.memory_space<vmem>>) offsets(%arg6 : memref<80xi32, #tpu.memory_space<vmem>>) semaphore(%arg19 : memref<!tpu.dma_semaphore, #tpu.memory_space<semaphore_mem>>)
    %dma_wait3A_76 = tpu.memref_slice %arg3[%mul3A_2] : memref<327680xi32, #tpu.memory_space<hbm>> -> memref<80xi32, #tpu.memory_space<hbm>>
    %dma_wait3A_77 = tpu.memref_slice %arg3[%mul3A_2] : memref<327680xi32, #tpu.memory_space<hbm>> -> memref<80xi32, #tpu.memory_space<hbm>>
    tpu.wait_dma2 semaphore(%arg28 : memref<!tpu.dma_semaphore, #tpu.memory_space<semaphore_mem>>) src(%dma_wait3A_77 : memref<80xi32, #tpu.memory_space<hbm>>) dst(%arg7 : memref<80xi32, #tpu.memory_space<vmem>>)
    %dma_wait3A_78 = tpu.memref_slice %arg4[%mul3A_4] : memref<163840xi32, #tpu.memory_space<hbm>> -> memref<80xi32, #tpu.memory_space<hbm>>
    %dma_wait3A_79 = tpu.memref_slice %arg4[%mul3A_4] : memref<163840xi32, #tpu.memory_space<hbm>> -> memref<80xi32, #tpu.memory_space<hbm>>
    tpu.wait_dma2 semaphore(%arg28 : memref<!tpu.dma_semaphore, #tpu.memory_space<semaphore_mem>>) src(%dma_wait3A_79 : memref<80xi32, #tpu.memory_space<hbm>>) dst(%arg11 : memref<80xi32, #tpu.memory_space<vmem>>)
    %dma_start3A_80 = arith.constant 0 : i32
    %dma_start3A_81 = arith.constant 0 : i32
    %dma_start3A_82 = tpu.memref_slice %arg2[%dma_start3A_80, %dma_start3A_81] : memref<20480x128xf32, #tpu.memory_space<hbm>> -> memref<20480x128xf32, #tpu.memory_space<hbm>>
    tpu.enqueue_indirect_dma source(%dma_start3A_82 : memref<20480x128xf32, #tpu.memory_space<hbm>>) target(%arg15 : memref<80x128xf32, #tpu.memory_space<vmem>>) offsets(%arg7 : memref<80xi32, #tpu.memory_space<vmem>>) semaphore(%arg20 : memref<!tpu.dma_semaphore, #tpu.memory_space<semaphore_mem>>)
    %scan3A_83 = arith.constant 0 : i32
    %scan3A_84 = arith.constant 0 : i32
    %scan3A_85 = arith.constant 32 : i32
    %scan3A_86 = arith.addi %scan3A_84, %scan3A_85 : i32
    %scan3A_87 = arith.constant 1 : i32
    %scan3A_88 = scf.for %scan3A_110 = %scan3A_84 to %scan3A_86 step %scan3A_87 iter_args(%scan3A_111 = %scan3A_83) -> (i32)  : i32 {
      %mul3A_112 = arith.constant 4 : i32
      %mul3A_113 = arith.muli %mul3A_112, %scan3A_110 : i32
      %add3A_114 = arith.constant 0 : i32
      %add3A_115 = arith.addi %mul3A_113, %add3A_114 : i32
      %dma_wait3A_116 = arith.constant 0 : i32
      %dma_wait3A_117 = arith.constant 0 : i32
      %dma_wait3A_118 = tpu.memref_slice %arg2[%dma_wait3A_116, %dma_wait3A_117] : memref<20480x128xf32, #tpu.memory_space<hbm>> -> memref<20480x128xf32, #tpu.memory_space<hbm>>
      tpu.wait_indirect_dma semaphore(%arg19 : memref<!tpu.dma_semaphore, #tpu.memory_space<semaphore_mem>>) src(%dma_wait3A_118 : memref<20480x128xf32, #tpu.memory_space<hbm>>) dst(%arg14 : memref<80x128xf32, #tpu.memory_space<vmem>>)
      %dma_start3A_119 = arith.constant 0 : i32
      %dma_start3A_120 = arith.constant 0 : i32
      %dma_start3A_121 = tpu.memref_slice %arg18[%dma_start3A_119, %dma_start3A_120] : memref<10368x128xf32, #tpu.memory_space<vmem_shared>> -> memref<10368x128xf32, #tpu.memory_space<vmem_shared>>
      tpu.enqueue_indirect_dma source(%arg14 : memref<80x128xf32, #tpu.memory_space<vmem>>) target(%dma_start3A_121 : memref<10368x128xf32, #tpu.memory_space<vmem_shared>>) offsets(%arg10 : memref<80xi32, #tpu.memory_space<vmem>>) semaphore(%arg23 : memref<!tpu.dma_semaphore, #tpu.memory_space<semaphore_mem>>) {add = true}
      %add3A_122 = arith.constant 2 : i32
      %add3A_123 = arith.addi %add3A_115, %add3A_122 : i32
      %lt3A = arith.constant 128 : i32
      %lt3A_124 = arith.cmpi slt, %add3A_123, %lt3A : i32
      %convert_element_type3A = arith.extui %lt3A_124 : i1 to i32
      %cond3A = arith.constant 0 : i32
      %cond3A_125 = arith.cmpi ne, %convert_element_type3A, %cond3A : i32
      scf.if %cond3A_125 {
        %dma_wait3A_206 = tpu.memref_slice %arg3[%mul3A_2] : memref<327680xi32, #tpu.memory_space<hbm>> -> memref<80xi32, #tpu.memory_space<hbm>>
        %dma_wait3A_207 = tpu.memref_slice %arg3[%mul3A_2] : memref<327680xi32, #tpu.memory_space<hbm>> -> memref<80xi32, #tpu.memory_space<hbm>>
        tpu.wait_dma2 semaphore(%arg29 : memref<!tpu.dma_semaphore, #tpu.memory_space<semaphore_mem>>) src(%dma_wait3A_207 : memref<80xi32, #tpu.memory_space<hbm>>) dst(%arg8 : memref<80xi32, #tpu.memory_space<vmem>>)
        %dma_wait3A_208 = tpu.memref_slice %arg4[%mul3A_4] : memref<163840xi32, #tpu.memory_space<hbm>> -> memref<80xi32, #tpu.memory_space<hbm>>
        %dma_wait3A_209 = tpu.memref_slice %arg4[%mul3A_4] : memref<163840xi32, #tpu.memory_space<hbm>> -> memref<80xi32, #tpu.memory_space<hbm>>
        tpu.wait_dma2 semaphore(%arg29 : memref<!tpu.dma_semaphore, #tpu.memory_space<semaphore_mem>>) src(%dma_wait3A_209 : memref<80xi32, #tpu.memory_space<hbm>>) dst(%arg12 : memref<80xi32, #tpu.memory_space<vmem>>)
        %dma_start3A_210 = arith.constant 0 : i32
        %dma_start3A_211 = arith.constant 0 : i32
        %dma_start3A_212 = tpu.memref_slice %arg2[%dma_start3A_210, %dma_start3A_211] : memref<20480x128xf32, #tpu.memory_space<hbm>> -> memref<20480x128xf32, #tpu.memory_space<hbm>>
        tpu.enqueue_indirect_dma source(%dma_start3A_212 : memref<20480x128xf32, #tpu.memory_space<hbm>>) target(%arg16 : memref<80x128xf32, #tpu.memory_space<vmem>>) offsets(%arg8 : memref<80xi32, #tpu.memory_space<vmem>>) semaphore(%arg21 : memref<!tpu.dma_semaphore, #tpu.memory_space<semaphore_mem>>)
      } else {
      }
      %add3A_126 = arith.constant 3 : i32
      %add3A_127 = arith.addi %add3A_115, %add3A_126 : i32
      %lt3A_128 = arith.constant 128 : i32
      %lt3A_129 = arith.cmpi slt, %add3A_127, %lt3A_128 : i32
      %convert_element_type3A_130 = arith.extui %lt3A_129 : i1 to i32
      %cond3A_131 = arith.constant 0 : i32
      %cond3A_132 = arith.cmpi ne, %convert_element_type3A_130, %cond3A_131 : i32
      scf.if %cond3A_132 {
        %ge3A = arith.constant 1 : i32
        %ge3A_206 = arith.cmpi sge, %add3A_115, %ge3A : i32
        %convert_element_type3A_207 = arith.extui %ge3A_206 : i1 to i32
        %cond3A_208 = arith.constant 0 : i32
        %cond3A_209 = arith.cmpi ne, %convert_element_type3A_207, %cond3A_208 : i32
        scf.if %cond3A_209 {
          %dma_wait3A_222 = arith.constant 0 : i32
          %dma_wait3A_223 = arith.constant 0 : i32
          %dma_wait3A_224 = tpu.memref_slice %arg18[%dma_wait3A_222, %dma_wait3A_223] : memref<10368x128xf32, #tpu.memory_space<vmem_shared>> -> memref<10368x128xf32, #tpu.memory_space<vmem_shared>>
          tpu.wait_indirect_dma semaphore(%arg26 : memref<!tpu.dma_semaphore, #tpu.memory_space<semaphore_mem>>) src(%arg17 : memref<80x128xf32, #tpu.memory_space<vmem>>) dst(%dma_wait3A_224 : memref<10368x128xf32, #tpu.memory_space<vmem_shared>>)
        } else {
        }
        %add3A_210 = arith.constant 3 : i32
        %add3A_211 = arith.addi %add3A_115, %add3A_210 : i32
        %mul3A_212 = arith.constant 80 : i32
        %mul3A_213 = arith.muli %add3A_211, %mul3A_212 : i32
        %add3A_214 = arith.addi %mul3A_2, %mul3A_213 : i32
        %dma_start3A_215 = tpu.memref_slice %arg3[%add3A_214] : memref<327680xi32, #tpu.memory_space<hbm>> -> memref<80xi32, #tpu.memory_space<hbm>>
        %dma_start3A_216 = tpu.memref_slice %arg3[%add3A_214] : memref<327680xi32, #tpu.memory_space<hbm>> -> memref<80xi32, #tpu.memory_space<hbm>>
        tpu.enqueue_dma source(%dma_start3A_216 : memref<80xi32, #tpu.memory_space<hbm>>) target(%arg9 : memref<80xi32, #tpu.memory_space<vmem>>) target_semaphore(%arg30 : memref<!tpu.dma_semaphore, #tpu.memory_space<semaphore_mem>>)
        %mul3A_217 = arith.constant 80 : i32
        %mul3A_218 = arith.muli %add3A_211, %mul3A_217 : i32
        %add3A_219 = arith.addi %mul3A_4, %mul3A_218 : i32
        %dma_start3A_220 = tpu.memref_slice %arg4[%add3A_219] : memref<163840xi32, #tpu.memory_space<hbm>> -> memref<80xi32, #tpu.memory_space<hbm>>
        %dma_start3A_221 = tpu.memref_slice %arg4[%add3A_219] : memref<163840xi32, #tpu.memory_space<hbm>> -> memref<80xi32, #tpu.memory_space<hbm>>
        tpu.enqueue_dma source(%dma_start3A_221 : memref<80xi32, #tpu.memory_space<hbm>>) target(%arg13 : memref<80xi32, #tpu.memory_space<vmem>>) target_semaphore(%arg30 : memref<!tpu.dma_semaphore, #tpu.memory_space<semaphore_mem>>)
      } else {
      }
      %mul3A_133 = arith.constant 4 : i32
      %mul3A_134 = arith.muli %mul3A_133, %scan3A_110 : i32
      %add3A_135 = arith.constant 1 : i32
      %add3A_136 = arith.addi %mul3A_134, %add3A_135 : i32
      %dma_wait3A_137 = arith.constant 0 : i32
      %dma_wait3A_138 = arith.constant 0 : i32
      %dma_wait3A_139 = tpu.memref_slice %arg2[%dma_wait3A_137, %dma_wait3A_138] : memref<20480x128xf32, #tpu.memory_space<hbm>> -> memref<20480x128xf32, #tpu.memory_space<hbm>>
      tpu.wait_indirect_dma semaphore(%arg20 : memref<!tpu.dma_semaphore, #tpu.memory_space<semaphore_mem>>) src(%dma_wait3A_139 : memref<20480x128xf32, #tpu.memory_space<hbm>>) dst(%arg15 : memref<80x128xf32, #tpu.memory_space<vmem>>)
      %dma_start3A_140 = arith.constant 0 : i32
      %dma_start3A_141 = arith.constant 0 : i32
      %dma_start3A_142 = tpu.memref_slice %arg18[%dma_start3A_140, %dma_start3A_141] : memref<10368x128xf32, #tpu.memory_space<vmem_shared>> -> memref<10368x128xf32, #tpu.memory_space<vmem_shared>>
      tpu.enqueue_indirect_dma source(%arg15 : memref<80x128xf32, #tpu.memory_space<vmem>>) target(%dma_start3A_142 : memref<10368x128xf32, #tpu.memory_space<vmem_shared>>) offsets(%arg11 : memref<80xi32, #tpu.memory_space<vmem>>) semaphore(%arg24 : memref<!tpu.dma_semaphore, #tpu.memory_space<semaphore_mem>>) {add = true}
      %add3A_143 = arith.constant 2 : i32
      %add3A_144 = arith.addi %add3A_136, %add3A_143 : i32
      %lt3A_145 = arith.constant 128 : i32
      %lt3A_146 = arith.cmpi slt, %add3A_144, %lt3A_145 : i32
      %convert_element_type3A_147 = arith.extui %lt3A_146 : i1 to i32
      %cond3A_148 = arith.constant 0 : i32
      %cond3A_149 = arith.cmpi ne, %convert_element_type3A_147, %cond3A_148 : i32
      scf.if %cond3A_149 {
        %dma_wait3A_206 = tpu.memref_slice %arg3[%mul3A_2] : memref<327680xi32, #tpu.memory_space<hbm>> -> memref<80xi32, #tpu.memory_space<hbm>>
        %dma_wait3A_207 = tpu.memref_slice %arg3[%mul3A_2] : memref<327680xi32, #tpu.memory_space<hbm>> -> memref<80xi32, #tpu.memory_space<hbm>>
        tpu.wait_dma2 semaphore(%arg30 : memref<!tpu.dma_semaphore, #tpu.memory_space<semaphore_mem>>) src(%dma_wait3A_207 : memref<80xi32, #tpu.memory_space<hbm>>) dst(%arg9 : memref<80xi32, #tpu.memory_space<vmem>>)
        %dma_wait3A_208 = tpu.memref_slice %arg4[%mul3A_4] : memref<163840xi32, #tpu.memory_space<hbm>> -> memref<80xi32, #tpu.memory_space<hbm>>
        %dma_wait3A_209 = tpu.memref_slice %arg4[%mul3A_4] : memref<163840xi32, #tpu.memory_space<hbm>> -> memref<80xi32, #tpu.memory_space<hbm>>
        tpu.wait_dma2 semaphore(%arg30 : memref<!tpu.dma_semaphore, #tpu.memory_space<semaphore_mem>>) src(%dma_wait3A_209 : memref<80xi32, #tpu.memory_space<hbm>>) dst(%arg13 : memref<80xi32, #tpu.memory_space<vmem>>)
        %dma_start3A_210 = arith.constant 0 : i32
        %dma_start3A_211 = arith.constant 0 : i32
        %dma_start3A_212 = tpu.memref_slice %arg2[%dma_start3A_210, %dma_start3A_211] : memref<20480x128xf32, #tpu.memory_space<hbm>> -> memref<20480x128xf32, #tpu.memory_space<hbm>>
        tpu.enqueue_indirect_dma source(%dma_start3A_212 : memref<20480x128xf32, #tpu.memory_space<hbm>>) target(%arg17 : memref<80x128xf32, #tpu.memory_space<vmem>>) offsets(%arg9 : memref<80xi32, #tpu.memory_space<vmem>>) semaphore(%arg22 : memref<!tpu.dma_semaphore, #tpu.memory_space<semaphore_mem>>)
      } else {
      }
      %add3A_150 = arith.constant 3 : i32
      %add3A_151 = arith.addi %add3A_136, %add3A_150 : i32
      %lt3A_152 = arith.constant 128 : i32
      %lt3A_153 = arith.cmpi slt, %add3A_151, %lt3A_152 : i32
      %convert_element_type3A_154 = arith.extui %lt3A_153 : i1 to i32
      %cond3A_155 = arith.constant 0 : i32
      %cond3A_156 = arith.cmpi ne, %convert_element_type3A_154, %cond3A_155 : i32
      scf.if %cond3A_156 {
        %ge3A = arith.constant 1 : i32
        %ge3A_206 = arith.cmpi sge, %add3A_136, %ge3A : i32
        %convert_element_type3A_207 = arith.extui %ge3A_206 : i1 to i32
        %cond3A_208 = arith.constant 0 : i32
        %cond3A_209 = arith.cmpi ne, %convert_element_type3A_207, %cond3A_208 : i32
        scf.if %cond3A_209 {
          %dma_wait3A_222 = arith.constant 0 : i32
          %dma_wait3A_223 = arith.constant 0 : i32
          %dma_wait3A_224 = tpu.memref_slice %arg18[%dma_wait3A_222, %dma_wait3A_223] : memref<10368x128xf32, #tpu.memory_space<vmem_shared>> -> memref<10368x128xf32, #tpu.memory_space<vmem_shared>>
          tpu.wait_indirect_dma semaphore(%arg23 : memref<!tpu.dma_semaphore, #tpu.memory_space<semaphore_mem>>) src(%arg14 : memref<80x128xf32, #tpu.memory_space<vmem>>) dst(%dma_wait3A_224 : memref<10368x128xf32, #tpu.memory_space<vmem_shared>>)
        } else {
        }
        %add3A_210 = arith.constant 3 : i32
        %add3A_211 = arith.addi %add3A_136, %add3A_210 : i32
        %mul3A_212 = arith.constant 80 : i32
        %mul3A_213 = arith.muli %add3A_211, %mul3A_212 : i32
        %add3A_214 = arith.addi %mul3A_2, %mul3A_213 : i32
        %dma_start3A_215 = tpu.memref_slice %arg3[%add3A_214] : memref<327680xi32, #tpu.memory_space<hbm>> -> memref<80xi32, #tpu.memory_space<hbm>>
        %dma_start3A_216 = tpu.memref_slice %arg3[%add3A_214] : memref<327680xi32, #tpu.memory_space<hbm>> -> memref<80xi32, #tpu.memory_space<hbm>>
        tpu.enqueue_dma source(%dma_start3A_216 : memref<80xi32, #tpu.memory_space<hbm>>) target(%arg6 : memref<80xi32, #tpu.memory_space<vmem>>) target_semaphore(%arg27 : memref<!tpu.dma_semaphore, #tpu.memory_space<semaphore_mem>>)
        %mul3A_217 = arith.constant 80 : i32
        %mul3A_218 = arith.muli %add3A_211, %mul3A_217 : i32
        %add3A_219 = arith.addi %mul3A_4, %mul3A_218 : i32
        %dma_start3A_220 = tpu.memref_slice %arg4[%add3A_219] : memref<163840xi32, #tpu.memory_space<hbm>> -> memref<80xi32, #tpu.memory_space<hbm>>
        %dma_start3A_221 = tpu.memref_slice %arg4[%add3A_219] : memref<163840xi32, #tpu.memory_space<hbm>> -> memref<80xi32, #tpu.memory_space<hbm>>
        tpu.enqueue_dma source(%dma_start3A_221 : memref<80xi32, #tpu.memory_space<hbm>>) target(%arg10 : memref<80xi32, #tpu.memory_space<vmem>>) target_semaphore(%arg27 : memref<!tpu.dma_semaphore, #tpu.memory_space<semaphore_mem>>)
      } else {
      }
      %mul3A_157 = arith.constant 4 : i32
      %mul3A_158 = arith.muli %mul3A_157, %scan3A_110 : i32
      %add3A_159 = arith.constant 2 : i32
      %add3A_160 = arith.addi %mul3A_158, %add3A_159 : i32
      %dma_wait3A_161 = arith.constant 0 : i32
      %dma_wait3A_162 = arith.constant 0 : i32
      %dma_wait3A_163 = tpu.memref_slice %arg2[%dma_wait3A_161, %dma_wait3A_162] : memref<20480x128xf32, #tpu.memory_space<hbm>> -> memref<20480x128xf32, #tpu.memory_space<hbm>>
      tpu.wait_indirect_dma semaphore(%arg21 : memref<!tpu.dma_semaphore, #tpu.memory_space<semaphore_mem>>) src(%dma_wait3A_163 : memref<20480x128xf32, #tpu.memory_space<hbm>>) dst(%arg16 : memref<80x128xf32, #tpu.memory_space<vmem>>)
      %dma_start3A_164 = arith.constant 0 : i32
      %dma_start3A_165 = arith.constant 0 : i32
      %dma_start3A_166 = tpu.memref_slice %arg18[%dma_start3A_164, %dma_start3A_165] : memref<10368x128xf32, #tpu.memory_space<vmem_shared>> -> memref<10368x128xf32, #tpu.memory_space<vmem_shared>>
      tpu.enqueue_indirect_dma source(%arg16 : memref<80x128xf32, #tpu.memory_space<vmem>>) target(%dma_start3A_166 : memref<10368x128xf32, #tpu.memory_space<vmem_shared>>) offsets(%arg12 : memref<80xi32, #tpu.memory_space<vmem>>) semaphore(%arg25 : memref<!tpu.dma_semaphore, #tpu.memory_space<semaphore_mem>>) {add = true}
      %add3A_167 = arith.constant 2 : i32
      %add3A_168 = arith.addi %add3A_160, %add3A_167 : i32
      %lt3A_169 = arith.constant 128 : i32
      %lt3A_170 = arith.cmpi slt, %add3A_168, %lt3A_169 : i32
      %convert_element_type3A_171 = arith.extui %lt3A_170 : i1 to i32
      %cond3A_172 = arith.constant 0 : i32
      %cond3A_173 = arith.cmpi ne, %convert_element_type3A_171, %cond3A_172 : i32
      scf.if %cond3A_173 {
        %dma_wait3A_206 = tpu.memref_slice %arg3[%mul3A_2] : memref<327680xi32, #tpu.memory_space<hbm>> -> memref<80xi32, #tpu.memory_space<hbm>>
        %dma_wait3A_207 = tpu.memref_slice %arg3[%mul3A_2] : memref<327680xi32, #tpu.memory_space<hbm>> -> memref<80xi32, #tpu.memory_space<hbm>>
        tpu.wait_dma2 semaphore(%arg27 : memref<!tpu.dma_semaphore, #tpu.memory_space<semaphore_mem>>) src(%dma_wait3A_207 : memref<80xi32, #tpu.memory_space<hbm>>) dst(%arg6 : memref<80xi32, #tpu.memory_space<vmem>>)
        %dma_wait3A_208 = tpu.memref_slice %arg4[%mul3A_4] : memref<163840xi32, #tpu.memory_space<hbm>> -> memref<80xi32, #tpu.memory_space<hbm>>
        %dma_wait3A_209 = tpu.memref_slice %arg4[%mul3A_4] : memref<163840xi32, #tpu.memory_space<hbm>> -> memref<80xi32, #tpu.memory_space<hbm>>
        tpu.wait_dma2 semaphore(%arg27 : memref<!tpu.dma_semaphore, #tpu.memory_space<semaphore_mem>>) src(%dma_wait3A_209 : memref<80xi32, #tpu.memory_space<hbm>>) dst(%arg10 : memref<80xi32, #tpu.memory_space<vmem>>)
        %dma_start3A_210 = arith.constant 0 : i32
        %dma_start3A_211 = arith.constant 0 : i32
        %dma_start3A_212 = tpu.memref_slice %arg2[%dma_start3A_210, %dma_start3A_211] : memref<20480x128xf32, #tpu.memory_space<hbm>> -> memref<20480x128xf32, #tpu.memory_space<hbm>>
        tpu.enqueue_indirect_dma source(%dma_start3A_212 : memref<20480x128xf32, #tpu.memory_space<hbm>>) target(%arg14 : memref<80x128xf32, #tpu.memory_space<vmem>>) offsets(%arg6 : memref<80xi32, #tpu.memory_space<vmem>>) semaphore(%arg19 : memref<!tpu.dma_semaphore, #tpu.memory_space<semaphore_mem>>)
      } else {
      }
      %add3A_174 = arith.constant 3 : i32
      %add3A_175 = arith.addi %add3A_160, %add3A_174 : i32
      %lt3A_176 = arith.constant 128 : i32
      %lt3A_177 = arith.cmpi slt, %add3A_175, %lt3A_176 : i32
      %convert_element_type3A_178 = arith.extui %lt3A_177 : i1 to i32
      %cond3A_179 = arith.constant 0 : i32
      %cond3A_180 = arith.cmpi ne, %convert_element_type3A_178, %cond3A_179 : i32
      scf.if %cond3A_180 {
        %ge3A = arith.constant 1 : i32
        %ge3A_206 = arith.cmpi sge, %add3A_160, %ge3A : i32
        %convert_element_type3A_207 = arith.extui %ge3A_206 : i1 to i32
        %cond3A_208 = arith.constant 0 : i32
        %cond3A_209 = arith.cmpi ne, %convert_element_type3A_207, %cond3A_208 : i32
        scf.if %cond3A_209 {
          %dma_wait3A_222 = arith.constant 0 : i32
          %dma_wait3A_223 = arith.constant 0 : i32
          %dma_wait3A_224 = tpu.memref_slice %arg18[%dma_wait3A_222, %dma_wait3A_223] : memref<10368x128xf32, #tpu.memory_space<vmem_shared>> -> memref<10368x128xf32, #tpu.memory_space<vmem_shared>>
          tpu.wait_indirect_dma semaphore(%arg24 : memref<!tpu.dma_semaphore, #tpu.memory_space<semaphore_mem>>) src(%arg15 : memref<80x128xf32, #tpu.memory_space<vmem>>) dst(%dma_wait3A_224 : memref<10368x128xf32, #tpu.memory_space<vmem_shared>>)
        } else {
        }
        %add3A_210 = arith.constant 3 : i32
        %add3A_211 = arith.addi %add3A_160, %add3A_210 : i32
        %mul3A_212 = arith.constant 80 : i32
        %mul3A_213 = arith.muli %add3A_211, %mul3A_212 : i32
        %add3A_214 = arith.addi %mul3A_2, %mul3A_213 : i32
        %dma_start3A_215 = tpu.memref_slice %arg3[%add3A_214] : memref<327680xi32, #tpu.memory_space<hbm>> -> memref<80xi32, #tpu.memory_space<hbm>>
        %dma_start3A_216 = tpu.memref_slice %arg3[%add3A_214] : memref<327680xi32, #tpu.memory_space<hbm>> -> memref<80xi32, #tpu.memory_space<hbm>>
        tpu.enqueue_dma source(%dma_start3A_216 : memref<80xi32, #tpu.memory_space<hbm>>) target(%arg7 : memref<80xi32, #tpu.memory_space<vmem>>) target_semaphore(%arg28 : memref<!tpu.dma_semaphore, #tpu.memory_space<semaphore_mem>>)
        %mul3A_217 = arith.constant 80 : i32
        %mul3A_218 = arith.muli %add3A_211, %mul3A_217 : i32
        %add3A_219 = arith.addi %mul3A_4, %mul3A_218 : i32
        %dma_start3A_220 = tpu.memref_slice %arg4[%add3A_219] : memref<163840xi32, #tpu.memory_space<hbm>> -> memref<80xi32, #tpu.memory_space<hbm>>
        %dma_start3A_221 = tpu.memref_slice %arg4[%add3A_219] : memref<163840xi32, #tpu.memory_space<hbm>> -> memref<80xi32, #tpu.memory_space<hbm>>
        tpu.enqueue_dma source(%dma_start3A_221 : memref<80xi32, #tpu.memory_space<hbm>>) target(%arg11 : memref<80xi32, #tpu.memory_space<vmem>>) target_semaphore(%arg28 : memref<!tpu.dma_semaphore, #tpu.memory_space<semaphore_mem>>)
      } else {
      }
      %mul3A_181 = arith.constant 4 : i32
      %mul3A_182 = arith.muli %mul3A_181, %scan3A_110 : i32
      %add3A_183 = arith.constant 3 : i32
      %add3A_184 = arith.addi %mul3A_182, %add3A_183 : i32
      %dma_wait3A_185 = arith.constant 0 : i32
      %dma_wait3A_186 = arith.constant 0 : i32
      %dma_wait3A_187 = tpu.memref_slice %arg2[%dma_wait3A_185, %dma_wait3A_186] : memref<20480x128xf32, #tpu.memory_space<hbm>> -> memref<20480x128xf32, #tpu.memory_space<hbm>>
      tpu.wait_indirect_dma semaphore(%arg22 : memref<!tpu.dma_semaphore, #tpu.memory_space<semaphore_mem>>) src(%dma_wait3A_187 : memref<20480x128xf32, #tpu.memory_space<hbm>>) dst(%arg17 : memref<80x128xf32, #tpu.memory_space<vmem>>)
      %dma_start3A_188 = arith.constant 0 : i32
      %dma_start3A_189 = arith.constant 0 : i32
      %dma_start3A_190 = tpu.memref_slice %arg18[%dma_start3A_188, %dma_start3A_189] : memref<10368x128xf32, #tpu.memory_space<vmem_shared>> -> memref<10368x128xf32, #tpu.memory_space<vmem_shared>>
      tpu.enqueue_indirect_dma source(%arg17 : memref<80x128xf32, #tpu.memory_space<vmem>>) target(%dma_start3A_190 : memref<10368x128xf32, #tpu.memory_space<vmem_shared>>) offsets(%arg13 : memref<80xi32, #tpu.memory_space<vmem>>) semaphore(%arg26 : memref<!tpu.dma_semaphore, #tpu.memory_space<semaphore_mem>>) {add = true}
      %add3A_191 = arith.constant 2 : i32
      %add3A_192 = arith.addi %add3A_184, %add3A_191 : i32
      %lt3A_193 = arith.constant 128 : i32
      %lt3A_194 = arith.cmpi slt, %add3A_192, %lt3A_193 : i32
      %convert_element_type3A_195 = arith.extui %lt3A_194 : i1 to i32
      %cond3A_196 = arith.constant 0 : i32
      %cond3A_197 = arith.cmpi ne, %convert_element_type3A_195, %cond3A_196 : i32
      scf.if %cond3A_197 {
        %dma_wait3A_206 = tpu.memref_slice %arg3[%mul3A_2] : memref<327680xi32, #tpu.memory_space<hbm>> -> memref<80xi32, #tpu.memory_space<hbm>>
        %dma_wait3A_207 = tpu.memref_slice %arg3[%mul3A_2] : memref<327680xi32, #tpu.memory_space<hbm>> -> memref<80xi32, #tpu.memory_space<hbm>>
        tpu.wait_dma2 semaphore(%arg28 : memref<!tpu.dma_semaphore, #tpu.memory_space<semaphore_mem>>) src(%dma_wait3A_207 : memref<80xi32, #tpu.memory_space<hbm>>) dst(%arg7 : memref<80xi32, #tpu.memory_space<vmem>>)
        %dma_wait3A_208 = tpu.memref_slice %arg4[%mul3A_4] : memref<163840xi32, #tpu.memory_space<hbm>> -> memref<80xi32, #tpu.memory_space<hbm>>
        %dma_wait3A_209 = tpu.memref_slice %arg4[%mul3A_4] : memref<163840xi32, #tpu.memory_space<hbm>> -> memref<80xi32, #tpu.memory_space<hbm>>
        tpu.wait_dma2 semaphore(%arg28 : memref<!tpu.dma_semaphore, #tpu.memory_space<semaphore_mem>>) src(%dma_wait3A_209 : memref<80xi32, #tpu.memory_space<hbm>>) dst(%arg11 : memref<80xi32, #tpu.memory_space<vmem>>)
        %dma_start3A_210 = arith.constant 0 : i32
        %dma_start3A_211 = arith.constant 0 : i32
        %dma_start3A_212 = tpu.memref_slice %arg2[%dma_start3A_210, %dma_start3A_211] : memref<20480x128xf32, #tpu.memory_space<hbm>> -> memref<20480x128xf32, #tpu.memory_space<hbm>>
        tpu.enqueue_indirect_dma source(%dma_start3A_212 : memref<20480x128xf32, #tpu.memory_space<hbm>>) target(%arg15 : memref<80x128xf32, #tpu.memory_space<vmem>>) offsets(%arg7 : memref<80xi32, #tpu.memory_space<vmem>>) semaphore(%arg20 : memref<!tpu.dma_semaphore, #tpu.memory_space<semaphore_mem>>)
      } else {
      }
      %add3A_198 = arith.constant 3 : i32
      %add3A_199 = arith.addi %add3A_184, %add3A_198 : i32
      %lt3A_200 = arith.constant 128 : i32
      %lt3A_201 = arith.cmpi slt, %add3A_199, %lt3A_200 : i32
      %convert_element_type3A_202 = arith.extui %lt3A_201 : i1 to i32
      %cond3A_203 = arith.constant 0 : i32
      %cond3A_204 = arith.cmpi ne, %convert_element_type3A_202, %cond3A_203 : i32
      scf.if %cond3A_204 {
        %ge3A = arith.constant 1 : i32
        %ge3A_206 = arith.cmpi sge, %add3A_184, %ge3A : i32
        %convert_element_type3A_207 = arith.extui %ge3A_206 : i1 to i32
        %cond3A_208 = arith.constant 0 : i32
        %cond3A_209 = arith.cmpi ne, %convert_element_type3A_207, %cond3A_208 : i32
        scf.if %cond3A_209 {
          %dma_wait3A_222 = arith.constant 0 : i32
          %dma_wait3A_223 = arith.constant 0 : i32
          %dma_wait3A_224 = tpu.memref_slice %arg18[%dma_wait3A_222, %dma_wait3A_223] : memref<10368x128xf32, #tpu.memory_space<vmem_shared>> -> memref<10368x128xf32, #tpu.memory_space<vmem_shared>>
          tpu.wait_indirect_dma semaphore(%arg25 : memref<!tpu.dma_semaphore, #tpu.memory_space<semaphore_mem>>) src(%arg16 : memref<80x128xf32, #tpu.memory_space<vmem>>) dst(%dma_wait3A_224 : memref<10368x128xf32, #tpu.memory_space<vmem_shared>>)
        } else {
        }
        %add3A_210 = arith.constant 3 : i32
        %add3A_211 = arith.addi %add3A_184, %add3A_210 : i32
        %mul3A_212 = arith.constant 80 : i32
        %mul3A_213 = arith.muli %add3A_211, %mul3A_212 : i32
        %add3A_214 = arith.addi %mul3A_2, %mul3A_213 : i32
        %dma_start3A_215 = tpu.memref_slice %arg3[%add3A_214] : memref<327680xi32, #tpu.memory_space<hbm>> -> memref<80xi32, #tpu.memory_space<hbm>>
        %dma_start3A_216 = tpu.memref_slice %arg3[%add3A_214] : memref<327680xi32, #tpu.memory_space<hbm>> -> memref<80xi32, #tpu.memory_space<hbm>>
        tpu.enqueue_dma source(%dma_start3A_216 : memref<80xi32, #tpu.memory_space<hbm>>) target(%arg8 : memref<80xi32, #tpu.memory_space<vmem>>) target_semaphore(%arg29 : memref<!tpu.dma_semaphore, #tpu.memory_space<semaphore_mem>>)
        %mul3A_217 = arith.constant 80 : i32
        %mul3A_218 = arith.muli %add3A_211, %mul3A_217 : i32
        %add3A_219 = arith.addi %mul3A_4, %mul3A_218 : i32
        %dma_start3A_220 = tpu.memref_slice %arg4[%add3A_219] : memref<163840xi32, #tpu.memory_space<hbm>> -> memref<80xi32, #tpu.memory_space<hbm>>
        %dma_start3A_221 = tpu.memref_slice %arg4[%add3A_219] : memref<163840xi32, #tpu.memory_space<hbm>> -> memref<80xi32, #tpu.memory_space<hbm>>
        tpu.enqueue_dma source(%dma_start3A_221 : memref<80xi32, #tpu.memory_space<hbm>>) target(%arg12 : memref<80xi32, #tpu.memory_space<vmem>>) target_semaphore(%arg29 : memref<!tpu.dma_semaphore, #tpu.memory_space<semaphore_mem>>)
      } else {
      }
      %scan3A_205 = arith.constant 0 : i32
      scf.yield %scan3A_205 : i32
    }
    %scan3A_89 = arith.constant 32 : i32
    %dma_wait3A_90 = arith.constant 0 : i32
    %dma_wait3A_91 = arith.constant 0 : i32
    %dma_wait3A_92 = tpu.memref_slice %arg18[%dma_wait3A_90, %dma_wait3A_91] : memref<10368x128xf32, #tpu.memory_space<vmem_shared>> -> memref<10368x128xf32, #tpu.memory_space<vmem_shared>>
    tpu.wait_indirect_dma semaphore(%arg23 : memref<!tpu.dma_semaphore, #tpu.memory_space<semaphore_mem>>) src(%arg14 : memref<80x128xf32, #tpu.memory_space<vmem>>) dst(%dma_wait3A_92 : memref<10368x128xf32, #tpu.memory_space<vmem_shared>>)
    %dma_wait3A_93 = arith.constant 0 : i32
    %dma_wait3A_94 = arith.constant 0 : i32
    %dma_wait3A_95 = tpu.memref_slice %arg18[%dma_wait3A_93, %dma_wait3A_94] : memref<10368x128xf32, #tpu.memory_space<vmem_shared>> -> memref<10368x128xf32, #tpu.memory_space<vmem_shared>>
    tpu.wait_indirect_dma semaphore(%arg24 : memref<!tpu.dma_semaphore, #tpu.memory_space<semaphore_mem>>) src(%arg15 : memref<80x128xf32, #tpu.memory_space<vmem>>) dst(%dma_wait3A_95 : memref<10368x128xf32, #tpu.memory_space<vmem_shared>>)
    %dma_wait3A_96 = arith.constant 0 : i32
    %dma_wait3A_97 = arith.constant 0 : i32
    %dma_wait3A_98 = tpu.memref_slice %arg18[%dma_wait3A_96, %dma_wait3A_97] : memref<10368x128xf32, #tpu.memory_space<vmem_shared>> -> memref<10368x128xf32, #tpu.memory_space<vmem_shared>>
    tpu.wait_indirect_dma semaphore(%arg25 : memref<!tpu.dma_semaphore, #tpu.memory_space<semaphore_mem>>) src(%arg16 : memref<80x128xf32, #tpu.memory_space<vmem>>) dst(%dma_wait3A_98 : memref<10368x128xf32, #tpu.memory_space<vmem_shared>>)
    %dma_wait3A_99 = arith.constant 0 : i32
    %dma_wait3A_100 = arith.constant 0 : i32
    %dma_wait3A_101 = tpu.memref_slice %arg18[%dma_wait3A_99, %dma_wait3A_100] : memref<10368x128xf32, #tpu.memory_space<vmem_shared>> -> memref<10368x128xf32, #tpu.memory_space<vmem_shared>>
    tpu.wait_indirect_dma semaphore(%arg26 : memref<!tpu.dma_semaphore, #tpu.memory_space<semaphore_mem>>) src(%arg17 : memref<80x128xf32, #tpu.memory_space<vmem>>) dst(%dma_wait3A_101 : memref<10368x128xf32, #tpu.memory_space<vmem_shared>>)
    %barrier3A_102 = arith.constant 0 : index
    tpu.barrier barrier_id(%barrier3A_102)
    %mul3A_103 = arith.constant 640 : i32
    %mul3A_104 = arith.muli %arg1, %mul3A_103 : i32
    %mul3A_105 = arith.constant 10240 : i32
    %mul3A_106 = arith.muli %arg0, %mul3A_105 : i32
    %mul3A_107 = arith.constant 640 : i32
    %mul3A_108 = arith.muli %arg1, %mul3A_107 : i32
    %add3A_109 = arith.addi %mul3A_106, %mul3A_108 : i32
    "tpu.region"() ({
      %run_scoped3A = tpu.sem_alloc : memref<!tpu.dma_semaphore, #tpu.memory_space<semaphore_mem>>
      %dma_start3A_110 = arith.constant 0 : i32
      %dma_start3A_111 = tpu.memref_slice %arg5[%add3A_109, %dma_start3A_110] : memref<20480x128xf32, #tpu.memory_space<hbm>> -> memref<640x128xf32, #tpu.memory_space<hbm>>
      %dma_start3A_112 = arith.constant 0 : i32
      %dma_start3A_113 = tpu.memref_slice %arg18[%mul3A_104, %dma_start3A_112] : memref<10368x128xf32, #tpu.memory_space<vmem_shared>> -> memref<640x128xf32, #tpu.memory_space<vmem_shared>>
      tpu.enqueue_dma source(%dma_start3A_113 : memref<640x128xf32, #tpu.memory_space<vmem_shared>>) target(%dma_start3A_111 : memref<640x128xf32, #tpu.memory_space<hbm>>) target_semaphore(%run_scoped3A : memref<!tpu.dma_semaphore, #tpu.memory_space<semaphore_mem>>)
      %dma_wait3A_114 = arith.constant 0 : i32
      %dma_wait3A_115 = tpu.memref_slice %arg5[%add3A_109, %dma_wait3A_114] : memref<20480x128xf32, #tpu.memory_space<hbm>> -> memref<640x128xf32, #tpu.memory_space<hbm>>
      %dma_wait3A_116 = arith.constant 0 : i32
      %dma_wait3A_117 = tpu.memref_slice %arg18[%mul3A_104, %dma_wait3A_116] : memref<10368x128xf32, #tpu.memory_space<vmem_shared>> -> memref<640x128xf32, #tpu.memory_space<vmem_shared>>
      tpu.wait_dma2 semaphore(%run_scoped3A : memref<!tpu.dma_semaphore, #tpu.memory_space<semaphore_mem>>) src(%dma_wait3A_117 : memref<640x128xf32, #tpu.memory_space<vmem_shared>>) dst(%dma_wait3A_115 : memref<640x128xf32, #tpu.memory_space<hbm>>)
      tpu.yield
    }) : () -> ()
    return
  }
}

module attributes {stable_mosaic.version = 14 : i64} {
  func.func @_k2_body(%arg0: i32, %arg1: i32, %arg2: memref<1024x128xf32, #tpu.memory_space<vmem>>, %arg3: memref<1024x128xf32, #tpu.memory_space<vmem>>, %arg4: memref<1024x128xf32, #tpu.memory_space<vmem>>, %arg5: memref<1024x128xf32, #tpu.memory_space<vmem>>, %arg6: memref<1x1024xf32, #tpu.memory_space<vmem>>, %arg7: memref<1x256xf32, #tpu.memory_space<vmem>>, %arg8: memref<256x128xf32, #tpu.memory_space<vmem>>, %arg9: memref<1024x128xf32, #tpu.memory_space<vmem>>) attributes {dimension_semantics = [#tpu.dimension_semantics<arbitrary>, #tpu.dimension_semantics<arbitrary>], iteration_bounds = array<i64: 10, 2>, scalar_prefetch = 0 : i64, scratch_operands = 0 : i64, tpu.core_type = #tpu.core_type<tc>, window_params = [{transform_indices = @transform_0, window_bounds = array<i64: 1024, 128>}, {transform_indices = @transform_1, window_bounds = array<i64: 1024, 128>}, {transform_indices = @transform_2, window_bounds = array<i64: 1024, 128>}, {transform_indices = @transform_3, window_bounds = array<i64: 1024, 128>}, {transform_indices = @transform_4, window_bounds = array<i64: 1, 1024>}, {pipeline_mode = #tpu.pipeline_mode<synchronous>, transform_indices = @transform_5, window_bounds = array<i64: 1, 256>}, {transform_indices = @transform_6, window_bounds = array<i64: 256, 128>}, {transform_indices = @transform_7, window_bounds = array<i64: 1024, 128>}]} {
    %get3A = arith.constant 0 : index
    %get3A_0 = arith.constant 0 : index
    %get3A_1 = vector.load %arg6[%get3A, %get3A_0] : memref<1x1024xf32, #tpu.memory_space<vmem>>, vector<1x1024xf32>
    %get3A_2 = vector.shape_cast %get3A_1 : vector<1x1024xf32> to vector<1024xf32>
    %broadcast_in_dim3A = vector.shape_cast %get3A_2 : vector<1024xf32> to vector<1024x1xf32>
    %get3A_3 = arith.constant 0 : index
    %get3A_4 = arith.constant 0 : index
    %get3A_5 = vector.load %arg2[%get3A_3, %get3A_4] : memref<1024x128xf32, #tpu.memory_space<vmem>>, vector<1024x128xf32>
    %get3A_6 = arith.constant 0 : index
    %get3A_7 = arith.constant 0 : index
    %get3A_8 = vector.load %arg4[%get3A_6, %get3A_7] : memref<1024x128xf32, #tpu.memory_space<vmem>>, vector<1024x128xf32>
    %add3A = arith.addf %get3A_5, %get3A_8 : vector<1024x128xf32>
    %mul3A = vector.broadcast %broadcast_in_dim3A : vector<1024x1xf32> to vector<1024x128xf32>
    %mul3A_9 = arith.mulf %mul3A, %add3A : vector<1024x128xf32>
    %get3A_10 = arith.constant 0 : index
    %get3A_11 = arith.constant 0 : index
    %get3A_12 = vector.load %arg7[%get3A_10, %get3A_11] : memref<1x256xf32, #tpu.memory_space<vmem>>, vector<1x128xf32>
    %get3A_13 = vector.shape_cast %get3A_12 : vector<1x128xf32> to vector<128xf32>
    %broadcast_in_dim3A_14 = vector.shape_cast %get3A_13 : vector<128xf32> to vector<1x128xf32>
    %add3A_15 = vector.broadcast %broadcast_in_dim3A_14 : vector<1x128xf32> to vector<1024x128xf32>
    %add3A_16 = arith.addf %mul3A_9, %add3A_15 : vector<1024x128xf32>
    %gt3A = arith.constant 0.000000e+00 : f32
    %gt3A_17 = vector.broadcast %gt3A : f32 to vector<1024x128xf32>
    %gt3A_18 = arith.cmpf ogt, %add3A_16, %gt3A_17 : vector<1024x128xf32>
    %min3A = arith.constant 0.000000e+00 : f32
    %min3A_19 = vector.broadcast %min3A : f32 to vector<1024x128xf32>
    %min3A_20 = arith.minimumf %add3A_16, %min3A_19 : vector<1024x128xf32>
    %exp3A = math.exp %min3A_20 : vector<1024x128xf32>
    %sub3A = arith.constant 1.000000e+00 : f32
    %sub3A_21 = vector.broadcast %sub3A : f32 to vector<1024x128xf32>
    %sub3A_22 = arith.subf %exp3A, %sub3A_21 : vector<1024x128xf32>
    %select_n3A = arith.select %gt3A_18, %add3A_16, %sub3A_22 : vector<1024x128xi1>, vector<1024x128xf32>
    %broadcast_in_dim3A_23 = vector.shape_cast %get3A_2 : vector<1024xf32> to vector<1024x1xf32>
    %get3A_24 = arith.constant 0 : index
    %get3A_25 = arith.constant 0 : index
    %get3A_26 = vector.load %arg3[%get3A_24, %get3A_25] : memref<1024x128xf32, #tpu.memory_space<vmem>>, vector<1024x128xf32>
    %get3A_27 = arith.constant 0 : index
    %get3A_28 = arith.constant 0 : index
    %get3A_29 = vector.load %arg5[%get3A_27, %get3A_28] : memref<1024x128xf32, #tpu.memory_space<vmem>>, vector<1024x128xf32>
    %add3A_30 = arith.addf %get3A_26, %get3A_29 : vector<1024x128xf32>
    %mul3A_31 = vector.broadcast %broadcast_in_dim3A_23 : vector<1024x1xf32> to vector<1024x128xf32>
    %mul3A_32 = arith.mulf %mul3A_31, %add3A_30 : vector<1024x128xf32>
    %get3A_33 = arith.constant 0 : index
    %get3A_34 = arith.constant 128 : index
    %get3A_35 = vector.load %arg7[%get3A_33, %get3A_34] : memref<1x256xf32, #tpu.memory_space<vmem>>, vector<1x128xf32>
    %get3A_36 = vector.shape_cast %get3A_35 : vector<1x128xf32> to vector<128xf32>
    %broadcast_in_dim3A_37 = vector.shape_cast %get3A_36 : vector<128xf32> to vector<1x128xf32>
    %add3A_38 = vector.broadcast %broadcast_in_dim3A_37 : vector<1x128xf32> to vector<1024x128xf32>
    %add3A_39 = arith.addf %mul3A_32, %add3A_38 : vector<1024x128xf32>
    %gt3A_40 = arith.constant 0.000000e+00 : f32
    %gt3A_41 = vector.broadcast %gt3A_40 : f32 to vector<1024x128xf32>
    %gt3A_42 = arith.cmpf ogt, %add3A_39, %gt3A_41 : vector<1024x128xf32>
    %min3A_43 = arith.constant 0.000000e+00 : f32
    %min3A_44 = vector.broadcast %min3A_43 : f32 to vector<1024x128xf32>
    %min3A_45 = arith.minimumf %add3A_39, %min3A_44 : vector<1024x128xf32>
    %exp3A_46 = math.exp %min3A_45 : vector<1024x128xf32>
    %sub3A_47 = arith.constant 1.000000e+00 : f32
    %sub3A_48 = vector.broadcast %sub3A_47 : f32 to vector<1024x128xf32>
    %sub3A_49 = arith.subf %exp3A_46, %sub3A_48 : vector<1024x128xf32>
    %select_n3A_50 = arith.select %gt3A_42, %add3A_39, %sub3A_49 : vector<1024x128xi1>, vector<1024x128xf32>
    %concatenate3A = tpu.concatenate %select_n3A, %select_n3A_50 in 1 : vector<1024x128xf32>, vector<1024x128xf32> -> vector<1024x256xf32>
    %get3A_51 = arith.constant 0 : index
    %get3A_52 = arith.constant 0 : index
    %get3A_53 = vector.load %arg8[%get3A_51, %get3A_52] : memref<256x128xf32, #tpu.memory_space<vmem>>, vector<256x128xf32>
    %dot_general3A = arith.constant dense<0.000000e+00> : vector<1024x128xf32>
    %dot_general3A_54 = tpu.matmul %concatenate3A, %get3A_53, %dot_general3A {dimension_numbers = #tpu.dot_dimension_numbers<[1], [0], [0], [1], [0, 0, 1, 1], [], []>, transpose_lhs_hint = false} : vector<1024x256xf32>, vector<256x128xf32>, vector<1024x128xf32> -> vector<1024x128xf32>
    %broadcast_in_dim3A_55 = vector.shape_cast %get3A_2 : vector<1024xf32> to vector<1024x1xf32>
    %mul3A_56 = vector.broadcast %broadcast_in_dim3A_55 : vector<1024x1xf32> to vector<1024x128xf32>
    %mul3A_57 = arith.mulf %dot_general3A_54, %mul3A_56 : vector<1024x128xf32>
    %swap3A = arith.constant 0 : index
    %swap3A_58 = arith.constant 0 : index
    %swap3A_59 = vector.load %arg9[%swap3A, %swap3A_58] : memref<1024x128xf32, #tpu.memory_space<vmem>>, vector<1024x128xf32>
    tpu.vector_store %arg9[%swap3A, %swap3A_58], %mul3A_57 {strides = array<i32>} : memref<1024x128xf32, #tpu.memory_space<vmem>>, vector<1024x128xf32>,
    return
  }
  func.func @transform_0(%arg0: i32, %arg1: i32) -> (i32, i32) {
    %c0_i32 = arith.constant 0 : i32
    %c0_i32_0 = arith.constant 0 : i32
    return %arg0, %c0_i32 : i32, i32
  }
  func.func @transform_1(%arg0: i32, %arg1: i32) -> (i32, i32) {
    %add3A = arith.constant 10 : i32
    %add3A_0 = arith.addi %add3A, %arg0 : i32
    %c0_i32 = arith.constant 0 : i32
    %c0_i32_1 = arith.constant 0 : i32
    return %add3A_0, %c0_i32 : i32, i32
  }
  func.func @transform_2(%arg0: i32, %arg1: i32) -> (i32, i32) {
    %c0_i32 = arith.constant 0 : i32
    %c0_i32_0 = arith.constant 0 : i32
    return %arg0, %c0_i32 : i32, i32
  }
  func.func @transform_3(%arg0: i32, %arg1: i32) -> (i32, i32) {
    %add3A = arith.constant 10 : i32
    %add3A_0 = arith.addi %add3A, %arg0 : i32
    %c0_i32 = arith.constant 0 : i32
    %c0_i32_1 = arith.constant 0 : i32
    return %add3A_0, %c0_i32 : i32, i32
  }
  func.func @transform_4(%arg0: i32, %arg1: i32) -> (i32, i32) {
    %c0_i32 = arith.constant 0 : i32
    %c0_i32_0 = arith.constant 0 : i32
    return %c0_i32, %arg0 : i32, i32
  }
  func.func @transform_5(%arg0: i32, %arg1: i32) -> (i32, i32) {
    %c0_i32 = arith.constant 0 : i32
    %c0_i32_0 = arith.constant 0 : i32
    %c0_i32_1 = arith.constant 0 : i32
    return %c0_i32, %c0_i32_0 : i32, i32
  }
  func.func @transform_6(%arg0: i32, %arg1: i32) -> (i32, i32) {
    %c0_i32 = arith.constant 0 : i32
    %c0_i32_0 = arith.constant 0 : i32
    return %c0_i32, %arg1 : i32, i32
  }
  func.func @transform_7(%arg0: i32, %arg1: i32) -> (i32, i32) {
    %mul3A = arith.constant 10 : i32
    %mul3A_0 = arith.muli %arg1, %mul3A : i32
    %add3A = arith.addi %mul3A_0, %arg0 : i32
    %c0_i32 = arith.constant 0 : i32
    %c0_i32_1 = arith.constant 0 : i32
    return %add3A, %c0_i32 : i32, i32
  }
}

module attributes {stable_mosaic.version = 14 : i64} {
  func.func @_k1_body(%arg0: i32, %arg1: i32, %arg2: memref<1024x256xf32, #tpu.memory_space<vmem>>, %arg3: memref<256x128xf32, #tpu.memory_space<vmem>>, %arg4: memref<2x1024xf32, #tpu.memory_space<vmem>>, %arg5: memref<1024x128xf32, #tpu.memory_space<vmem>>, %arg6: memref<1x1024xf32, #tpu.memory_space<vmem>>) attributes {dimension_semantics = [#tpu.dimension_semantics<arbitrary>, #tpu.dimension_semantics<arbitrary>], iteration_bounds = array<i64: 10, 2>, scalar_prefetch = 0 : i64, scratch_operands = 0 : i64, tpu.core_type = #tpu.core_type<tc>, window_params = [{transform_indices = @transform_0, window_bounds = array<i64: 1024, 256>}, {transform_indices = @transform_1, window_bounds = array<i64: 256, 128>}, {transform_indices = @transform_2, window_bounds = array<i64: 2, 1024>}, {transform_indices = @transform_3, window_bounds = array<i64: 1024, 128>}, {transform_indices = @transform_4, window_bounds = array<i64: 1, 1024>}]} {
    %get3A = arith.constant 0 : index
    %get3A_0 = arith.constant 0 : index
    %get3A_1 = vector.load %arg4[%get3A, %get3A_0] : memref<2x1024xf32, #tpu.memory_space<vmem>>, vector<1x1024xf32>
    %get3A_2 = vector.shape_cast %get3A_1 : vector<1x1024xf32> to vector<1024xf32>
    %get3A_3 = arith.constant 1 : index
    %get3A_4 = arith.constant 0 : index
    %get3A_5 = vector.load %arg4[%get3A_3, %get3A_4] : memref<2x1024xf32, #tpu.memory_space<vmem>>, vector<1x1024xf32>
    %get3A_6 = vector.shape_cast %get3A_5 : vector<1x1024xf32> to vector<1024xf32>
    %add3A = arith.addf %get3A_2, %get3A_6 : vector<1024xf32>
    %add3A_7 = arith.constant 1.000000e+00 : f32
    %add3A_8 = vector.broadcast %add3A_7 : f32 to vector<1024xf32>
    %add3A_9 = arith.addf %add3A, %add3A_8 : vector<1024xf32>
    %rsqrt3A = math.rsqrt %add3A_9 : vector<1024xf32>
    %get3A_10 = arith.constant 0 : index
    %get3A_11 = arith.constant 0 : index
    %get3A_12 = vector.load %arg2[%get3A_10, %get3A_11] : memref<1024x256xf32, #tpu.memory_space<vmem>>, vector<1024x256xf32>
    %get3A_13 = arith.constant 0 : index
    %get3A_14 = arith.constant 0 : index
    %get3A_15 = vector.load %arg3[%get3A_13, %get3A_14] : memref<256x128xf32, #tpu.memory_space<vmem>>, vector<256x128xf32>
    %dot_general3A = arith.constant dense<0.000000e+00> : vector<1024x128xf32>
    %dot_general3A_16 = tpu.matmul %get3A_12, %get3A_15, %dot_general3A {dimension_numbers = #tpu.dot_dimension_numbers<[1], [0], [0], [1], [0, 0, 1, 1], [], []>, transpose_lhs_hint = false} : vector<1024x256xf32>, vector<256x128xf32>, vector<1024x128xf32> -> vector<1024x128xf32>
    %broadcast_in_dim3A = vector.shape_cast %rsqrt3A : vector<1024xf32> to vector<1024x1xf32>
    %mul3A = vector.broadcast %broadcast_in_dim3A : vector<1024x1xf32> to vector<1024x128xf32>
    %mul3A_17 = arith.mulf %dot_general3A_16, %mul3A : vector<1024x128xf32>
    %swap3A = arith.constant 0 : index
    %swap3A_18 = arith.constant 0 : index
    %swap3A_19 = vector.load %arg5[%swap3A, %swap3A_18] : memref<1024x128xf32, #tpu.memory_space<vmem>>, vector<1024x128xf32>
    tpu.vector_store %arg5[%swap3A, %swap3A_18], %mul3A_17 {strides = array<i32>} : memref<1024x128xf32, #tpu.memory_space<vmem>>, vector<1024x128xf32>,
    %broadcast_in_dim3A_20 = vector.shape_cast %rsqrt3A : vector<1024xf32> to vector<1x1024xf32>
    %swap3A_21 = arith.constant 0 : index
    %swap3A_22 = arith.constant 0 : index
    %swap3A_23 = vector.load %arg6[%swap3A_21, %swap3A_22] : memref<1x1024xf32, #tpu.memory_space<vmem>>, vector<1x1024xf32>
    tpu.vector_store %arg6[%swap3A_21, %swap3A_22], %broadcast_in_dim3A_20 {strides = array<i32>} : memref<1x1024xf32, #tpu.memory_space<vmem>>, vector<1x1024xf32>,
    return
  }
  func.func @transform_0(%arg0: i32, %arg1: i32) -> (i32, i32) {
    %c0_i32 = arith.constant 0 : i32
    %c0_i32_0 = arith.constant 0 : i32
    return %arg0, %c0_i32 : i32, i32
  }
  func.func @transform_1(%arg0: i32, %arg1: i32) -> (i32, i32) {
    %c0_i32 = arith.constant 0 : i32
    %c0_i32_0 = arith.constant 0 : i32
    return %c0_i32, %arg1 : i32, i32
  }
  func.func @transform_2(%arg0: i32, %arg1: i32) -> (i32, i32) {
    %c0_i32 = arith.constant 0 : i32
    %c0_i32_0 = arith.constant 0 : i32
    return %c0_i32, %arg0 : i32, i32
  }
  func.func @transform_3(%arg0: i32, %arg1: i32) -> (i32, i32) {
    %mul3A = arith.constant 10 : i32
    %mul3A_0 = arith.muli %arg1, %mul3A : i32
    %add3A = arith.addi %mul3A_0, %arg0 : i32
    %c0_i32 = arith.constant 0 : i32
    %c0_i32_1 = arith.constant 0 : i32
    return %add3A, %c0_i32 : i32, i32
  }
  func.func @transform_4(%arg0: i32, %arg1: i32) -> (i32, i32) {
    %c0_i32 = arith.constant 0 : i32
    %c0_i32_0 = arith.constant 0 : i32
    return %c0_i32, %arg0 : i32, i32
  }
}

module attributes {stable_mosaic.version = 14 : i64} {
  func.func @_k3_body(%arg0: i32, %arg1: memref<1024x128xf32, #tpu.memory_space<vmem>>, %arg2: memref<1024x128xf32, #tpu.memory_space<vmem>>, %arg3: memref<1024x128xf32, #tpu.memory_space<vmem>>, %arg4: memref<1024x128xf32, #tpu.memory_space<vmem>>, %arg5: memref<1x1024xf32, #tpu.memory_space<vmem>>, %arg6: memref<1x256xf32, #tpu.memory_space<vmem>>, %arg7: memref<1024x256xf32, #tpu.memory_space<vmem>>) attributes {dimension_semantics = [#tpu.dimension_semantics<arbitrary>], iteration_bounds = array<i64: 10>, scalar_prefetch = 0 : i64, scratch_operands = 0 : i64, tpu.core_type = #tpu.core_type<tc>, window_params = [{transform_indices = @transform_0, window_bounds = array<i64: 1024, 128>}, {transform_indices = @transform_1, window_bounds = array<i64: 1024, 128>}, {transform_indices = @transform_2, window_bounds = array<i64: 1024, 128>}, {transform_indices = @transform_3, window_bounds = array<i64: 1024, 128>}, {transform_indices = @transform_4, window_bounds = array<i64: 1, 1024>}, {pipeline_mode = #tpu.pipeline_mode<synchronous>, transform_indices = @transform_5, window_bounds = array<i64: 1, 256>}, {transform_indices = @transform_6, window_bounds = array<i64: 1024, 256>}]} {
    %get3A = arith.constant 0 : index
    %get3A_0 = arith.constant 0 : index
    %get3A_1 = vector.load %arg5[%get3A, %get3A_0] : memref<1x1024xf32, #tpu.memory_space<vmem>>, vector<1x1024xf32>
    %get3A_2 = vector.shape_cast %get3A_1 : vector<1x1024xf32> to vector<1024xf32>
    %broadcast_in_dim3A = vector.shape_cast %get3A_2 : vector<1024xf32> to vector<1024x1xf32>
    %get3A_3 = arith.constant 0 : index
    %get3A_4 = arith.constant 0 : index
    %get3A_5 = vector.load %arg1[%get3A_3, %get3A_4] : memref<1024x128xf32, #tpu.memory_space<vmem>>, vector<1024x128xf32>
    %get3A_6 = arith.constant 0 : index
    %get3A_7 = arith.constant 0 : index
    %get3A_8 = vector.load %arg3[%get3A_6, %get3A_7] : memref<1024x128xf32, #tpu.memory_space<vmem>>, vector<1024x128xf32>
    %add3A = arith.addf %get3A_5, %get3A_8 : vector<1024x128xf32>
    %mul3A = vector.broadcast %broadcast_in_dim3A : vector<1024x1xf32> to vector<1024x128xf32>
    %mul3A_9 = arith.mulf %mul3A, %add3A : vector<1024x128xf32>
    %get3A_10 = arith.constant 0 : index
    %get3A_11 = arith.constant 0 : index
    %get3A_12 = vector.load %arg6[%get3A_10, %get3A_11] : memref<1x256xf32, #tpu.memory_space<vmem>>, vector<1x128xf32>
    %get3A_13 = vector.shape_cast %get3A_12 : vector<1x128xf32> to vector<128xf32>
    %broadcast_in_dim3A_14 = vector.shape_cast %get3A_13 : vector<128xf32> to vector<1x128xf32>
    %add3A_15 = vector.broadcast %broadcast_in_dim3A_14 : vector<1x128xf32> to vector<1024x128xf32>
    %add3A_16 = arith.addf %mul3A_9, %add3A_15 : vector<1024x128xf32>
    %gt3A = arith.constant 0.000000e+00 : f32
    %gt3A_17 = vector.broadcast %gt3A : f32 to vector<1024x128xf32>
    %gt3A_18 = arith.cmpf ogt, %add3A_16, %gt3A_17 : vector<1024x128xf32>
    %min3A = arith.constant 0.000000e+00 : f32
    %min3A_19 = vector.broadcast %min3A : f32 to vector<1024x128xf32>
    %min3A_20 = arith.minimumf %add3A_16, %min3A_19 : vector<1024x128xf32>
    %exp3A = math.exp %min3A_20 : vector<1024x128xf32>
    %sub3A = arith.constant 1.000000e+00 : f32
    %sub3A_21 = vector.broadcast %sub3A : f32 to vector<1024x128xf32>
    %sub3A_22 = arith.subf %exp3A, %sub3A_21 : vector<1024x128xf32>
    %select_n3A = arith.select %gt3A_18, %add3A_16, %sub3A_22 : vector<1024x128xi1>, vector<1024x128xf32>
    %broadcast_in_dim3A_23 = vector.shape_cast %get3A_2 : vector<1024xf32> to vector<1024x1xf32>
    %get3A_24 = arith.constant 0 : index
    %get3A_25 = arith.constant 0 : index
    %get3A_26 = vector.load %arg2[%get3A_24, %get3A_25] : memref<1024x128xf32, #tpu.memory_space<vmem>>, vector<1024x128xf32>
    %get3A_27 = arith.constant 0 : index
    %get3A_28 = arith.constant 0 : index
    %get3A_29 = vector.load %arg4[%get3A_27, %get3A_28] : memref<1024x128xf32, #tpu.memory_space<vmem>>, vector<1024x128xf32>
    %add3A_30 = arith.addf %get3A_26, %get3A_29 : vector<1024x128xf32>
    %mul3A_31 = vector.broadcast %broadcast_in_dim3A_23 : vector<1024x1xf32> to vector<1024x128xf32>
    %mul3A_32 = arith.mulf %mul3A_31, %add3A_30 : vector<1024x128xf32>
    %get3A_33 = arith.constant 0 : index
    %get3A_34 = arith.constant 128 : index
    %get3A_35 = vector.load %arg6[%get3A_33, %get3A_34] : memref<1x256xf32, #tpu.memory_space<vmem>>, vector<1x128xf32>
    %get3A_36 = vector.shape_cast %get3A_35 : vector<1x128xf32> to vector<128xf32>
    %broadcast_in_dim3A_37 = vector.shape_cast %get3A_36 : vector<128xf32> to vector<1x128xf32>
    %add3A_38 = vector.broadcast %broadcast_in_dim3A_37 : vector<1x128xf32> to vector<1024x128xf32>
    %add3A_39 = arith.addf %mul3A_32, %add3A_38 : vector<1024x128xf32>
    %gt3A_40 = arith.constant 0.000000e+00 : f32
    %gt3A_41 = vector.broadcast %gt3A_40 : f32 to vector<1024x128xf32>
    %gt3A_42 = arith.cmpf ogt, %add3A_39, %gt3A_41 : vector<1024x128xf32>
    %min3A_43 = arith.constant 0.000000e+00 : f32
    %min3A_44 = vector.broadcast %min3A_43 : f32 to vector<1024x128xf32>
    %min3A_45 = arith.minimumf %add3A_39, %min3A_44 : vector<1024x128xf32>
    %exp3A_46 = math.exp %min3A_45 : vector<1024x128xf32>
    %sub3A_47 = arith.constant 1.000000e+00 : f32
    %sub3A_48 = vector.broadcast %sub3A_47 : f32 to vector<1024x128xf32>
    %sub3A_49 = arith.subf %exp3A_46, %sub3A_48 : vector<1024x128xf32>
    %select_n3A_50 = arith.select %gt3A_42, %add3A_39, %sub3A_49 : vector<1024x128xi1>, vector<1024x128xf32>
    %concatenate3A = tpu.concatenate %select_n3A, %select_n3A_50 in 1 : vector<1024x128xf32>, vector<1024x128xf32> -> vector<1024x256xf32>
    %swap3A = arith.constant 0 : index
    %swap3A_51 = arith.constant 0 : index
    %swap3A_52 = vector.load %arg7[%swap3A, %swap3A_51] : memref<1024x256xf32, #tpu.memory_space<vmem>>, vector<1024x256xf32>
    tpu.vector_store %arg7[%swap3A, %swap3A_51], %concatenate3A {strides = array<i32>} : memref<1024x256xf32, #tpu.memory_space<vmem>>, vector<1024x256xf32>,
    return
  }
  func.func @transform_0(%arg0: i32) -> (i32, i32) {
    %c0_i32 = arith.constant 0 : i32
    %c0_i32_0 = arith.constant 0 : i32
    return %arg0, %c0_i32 : i32, i32
  }
  func.func @transform_1(%arg0: i32) -> (i32, i32) {
    %add3A = arith.constant 10 : i32
    %add3A_0 = arith.addi %add3A, %arg0 : i32
    %c0_i32 = arith.constant 0 : i32
    %c0_i32_1 = arith.constant 0 : i32
    return %add3A_0, %c0_i32 : i32, i32
  }
  func.func @transform_2(%arg0: i32) -> (i32, i32) {
    %c0_i32 = arith.constant 0 : i32
    %c0_i32_0 = arith.constant 0 : i32
    return %arg0, %c0_i32 : i32, i32
  }
  func.func @transform_3(%arg0: i32) -> (i32, i32) {
    %add3A = arith.constant 10 : i32
    %add3A_0 = arith.addi %add3A, %arg0 : i32
    %c0_i32 = arith.constant 0 : i32
    %c0_i32_1 = arith.constant 0 : i32
    return %add3A_0, %c0_i32 : i32, i32
  }
  func.func @transform_4(%arg0: i32) -> (i32, i32) {
    %c0_i32 = arith.constant 0 : i32
    %c0_i32_0 = arith.constant 0 : i32
    return %c0_i32, %arg0 : i32, i32
  }
  func.func @transform_5(%arg0: i32) -> (i32, i32) {
    %c0_i32 = arith.constant 0 : i32
    %c0_i32_0 = arith.constant 0 : i32
    %c0_i32_1 = arith.constant 0 : i32
    return %c0_i32, %c0_i32_0 : i32, i32
  }
  func.func @transform_6(%arg0: i32) -> (i32, i32) {
    %c0_i32 = arith.constant 0 : i32
    %c0_i32_0 = arith.constant 0 : i32
    return %arg0, %c0_i32 : i32, i32
  }
}

</mosaic_0001>

<sc_bundles>
// kernel: _run.11.cloned.1.call-start
scs
__scs_entry_jumppad:
0x0: {  	(pc) =	sbr.rel $0x88, $3  }
0x1: {  	(tag) =	ssettag $0x0;
	lr =	simm.s32 $0x1  }
0x2: {  	[smem:$0x3F9A] =	sst lr;
	_ =	strace $0xD0000000  }
0x3: {  	_ = 	snop  }
0x4: {  	_ = 	snop  }
0x5: {  	_ = 	snop  }
0x6: {  	_ = 	snop  }
0x7: {  	_ = 	snop  }
__scs_overlays_trampoline_lowered:
0x8: {  	[smem:$0x3FA9] =	sst s0  }
0x9: {  	[smem:$0x3FAA] =	sst s1  }
0xa: {  	[smem:$0x3FAB] =	sst s2  }
0xb: {  	[smem:$0x3FAC] =	sst s3  }
0xc: {  	[smem:$0x3FAD] =	sst s4  }
0xd: {  	[smem:$0x3FAE] =	sst s5  }
0xe: {  	[smem:$0x3FAF] =	sst s6  }
0xf: {  	[smem:$0x3FB0] =	sst s7  }
0x10: {  	[smem:$0x3FB1] =	sst s8  }
0x11: {  	[smem:$0x3FB2] =	sst s9;
	s0 =	simm.s32 @!p0 $0x0  }
0x12: {  	s1 =	sld [smem:$0x3F98];
	s0 =	simm.s32 @p0 $0x1  }
0x13: {  	[smem:$0x3FB3] =	sst s0;
	s0 =	simm.s32 @!p1 $0x0  }
0x14: {  	s2 =	sld [smem:$0x3F97];
	s0 =	simm.s32 @p1 $0x1  }
0x15: {  	[smem:$0x3FB4] =	sst s0;
	s0 =	simm.s32 @!p2 $0x0  }
0x16: {  	s3 =	sld [smem:$0x3FDB];
	s0 =	simm.s32 @p2 $0x1  }
0x17: {  	s4 =	simm.s32 $0x1BF5;
	[smem:$0x3FB6] =	sst s0  }
0x18: {  	s0 =	sld [smem:$0x3F99];
	_ =	swait.ge [sflag:s4], $0x0  }
0x19: {  	s7 =	sld [smem:$0x3F9A]  }
0x1a: {  	s8 =	sadd.s32 $0xFFFFE003, lr  }
0x1b: {  	s9 =	sadd.s32 $0xFFFFFEF7, lr;
	s5 =	simm.s32 $0xFFFFFFFF;
	p2 =	slt.u32 s8, $0xFFFFF086  }
0x1c: {  	p1 =	slt.u32 s9, $0xF7A;
	s5 =	simm.s32 @!p2 $0x0  }
0x1d: {  	s5 =	simm.s32 @p1 $0x1;
	p0 =	seq.s32 s7, s2  }
0x1e: {  	s7 =	smul.u32 @!p0 $0xF7A, s2;
	p2 =	seq.s32 @!p0 s5, $0x0  }
0x1f: {  	s9 =	smul.u32 $0xF7A, s1;
	s8 =	simm.s32 @!p0 $0x1BF5;
	p2 =	por !p2, p0  }
0x20: {  	[sflag:s8] =	ssyncset.s32 @!p0 $0xFFFFF086;
	s6 =	sadd.s32 @!p0 s3, s7;
	s7 =	simm.s32 @!p0 $0x108  }
0x21: {  	s3 =	sadd.s32 s3, s9;
	s6 =	sadd.s32 @!p0 $0x88, s6;
	s7 =	simm.s32 @p2 $0x1082  }
0x22: {  	[simem:s7], [sflag:s8] =	dma.local @!p0 [hbm:s6], $0xF7A  }
0x23: {  	s9 =	sor.u32 $0xD0000000, s2;
	s6 =	simm.s32 $0x108;
	_ =	swait.ge @!p0 [sflag:s8], $0x0  }
0x24: {  	s3 =	sadd.s32 $0x88, s3;
	s6 =	simm.s32 @!p1 $0x1082;
	[sflag:s4] =	ssyncset.s32 $0xFFFFF086  }
0x25: {  	[simem:s6], [sflag:s4] =	dma.local [hbm:s3], $0xF7A  }
0x26: {  	[smem:$0x3F9A] =	sst s1;
	(tag) =	ssettag s2;
	_ =	strace s9  }
0x27: {  	s1 =	sld [smem:$0x3FAA]  }
0x28: {  	s2 =	sld [smem:$0x3FAB]  }
0x29: {  	s4 =	sld [smem:$0x3FAD]  }
0x2a: {  	p0 =	seq.s32 s5, $0x0;
	s5 =	sld [smem:$0x3FAE]  }
0x2b: {  	s6 =	sld [smem:$0x3FAF]  }
0x2c: {  	s7 =	sld [smem:$0x3FB0]  }
0x2d: {  	s3 =	simm.s32 $0x108;
	s8 =	sld [smem:$0x3FB1]  }
0x2e: {  	s3 =	simm.s32 @!p0 $0x1082;
	s9 =	sld [smem:$0x3FB2]  }
0x2f: {  	lr =	sadd.s32 s0, s3;
	s0 =	sld [smem:$0x3FA9]  }
0x30: {  	s3 =	sld [smem:$0x3FAC]  }
0x31: {  	[smem:$0x3FB5] =	sst s10  }
0x32: {  	s10 =	sld [smem:$0x3FB3];
	_ =	sdelay $0x3  }
0x33: {  	p0 =	seq.s32 s10, $0x1;
	s10 =	sld [smem:$0x3FB5];
	_ =	sdelay $0x3  }
0x34: {  	[smem:$0x3FB5] =	sst s10  }
0x35: {  	s10 =	sld [smem:$0x3FB4];
	_ =	sdelay $0x3  }
0x36: {  	p1 =	seq.s32 s10, $0x1;
	s10 =	sld [smem:$0x3FB5];
	_ =	sdelay $0x3  }
0x37: {  	[smem:$0x3FB5] =	sst s10  }
0x38: {  	s10 =	sld [smem:$0x3FB6]  }
0x39: {  	_ = 	snop;
	(pc) =	sbr.ind lr, $3  }
0x3a: {  	_ = 	snop  }
0x3b: {  	_ = 	snop  }
0x3c: {  	p2 =	seq.s32 s10, $0x1;
	s10 =	sld [smem:$0x3FB5]  }
0x3d: {  	_ =	shalt  }
0x3e: {  	_ =	shalt  }
0x3f: {  	_ =	shalt  }
0x40: {  	_ =	shalt  }
0x41: {  	_ =	shalt  }
0x42: {  	_ =	shalt  }
0x43: {  	_ =	shalt  }
0x44: {  	_ =	shalt  }
0x45: {  	_ =	shalt  }
0x46: {  	_ =	shalt  }
0x47: {  	_ =	shalt  }
0x48: {  	_ =	shalt  }
0x49: {  	_ =	shalt  }
0x4a: {  	_ =	shalt  }
0x4b: {  	_ =	shalt  }
0x4c: {  	_ =	shalt  }
0x4d: {  	_ =	shalt  }
0x4e: {  	_ =	shalt  }
0x4f: {  	_ =	shalt  }
0x50: {  	_ =	shalt  }
0x51: {  	_ =	shalt  }
0x52: {  	_ =	shalt  }
0x53: {  	_ =	shalt  }
0x54: {  	_ =	shalt  }
0x55: {  	_ =	shalt  }
0x56: {  	_ =	shalt  }
0x57: {  	_ =	shalt  }
0x58: {  	_ =	shalt  }
0x59: {  	_ =	shalt  }
0x5a: {  	_ =	shalt  }
0x5b: {  	_ =	shalt  }
0x5c: {  	_ =	shalt  }
0x5d: {  	_ =	shalt  }
0x5e: {  	_ =	shalt  }
0x5f: {  	_ =	shalt  }
0x60: {  	_ =	shalt  }
0x61: {  	_ =	shalt  }
0x62: {  	_ =	shalt  }
0x63: {  	_ =	shalt  }
0x64: {  	_ =	shalt  }
0x65: {  	_ =	shalt  }
0x66: {  	_ =	shalt  }
0x67: {  	_ =	shalt  }
0x68: {  	_ =	shalt  }
0x69: {  	_ =	shalt  }
0x6a: {  	_ =	shalt  }
0x6b: {  	_ =	shalt  }
0x6c: {  	_ =	shalt  }
0x6d: {  	_ =	shalt  }
0x6e: {  	_ =	shalt  }
0x6f: {  	_ =	shalt  }
0x70: {  	_ =	shalt  }
0x71: {  	_ =	shalt  }
0x72: {  	_ =	shalt  }
0x73: {  	_ =	shalt  }
0x74: {  	_ =	shalt  }
0x75: {  	_ =	shalt  }
0x76: {  	_ =	shalt  }
0x77: {  	_ =	shalt  }
0x78: {  	_ =	shalt  }
0x79: {  	_ =	shalt  }
0x7a: {  	_ =	shalt  }
0x7b: {  	_ =	shalt  }
0x7c: {  	_ =	shalt  }
0x7d: {  	_ =	shalt  }
0x7e: {  	_ =	shalt  }
0x7f: {  	_ =	shalt  }
0x80: {  	_ =	shalt  }
0x81: {  	_ =	shalt  }
0x82: {  	_ =	shalt  }
0x83: {  	_ =	shalt  }
0x84: {  	_ =	shalt  }
0x85: {  	_ =	shalt  }
0x86: {  	_ =	shalt  }
0x87: {  	_ =	shalt  }
.Lfunc_end0:
.L_simem_size_0:
called_computation.1_lowered:
.L_overlay_start_0:
0x88: {  	s2 =	sld [smem:$0x3FD9]  }
0x89: {  	s3 =	sld [smem:$0x3FFE];
	_ =	sdelay $0x1  }
0x8a: {  	s1 =	srdreg.scid  }
0x8b: {  	s0 =	sand.u32 $0x1, s1  }
0x8c: {  	s17 =	sshll.u32 s0, $0xA;
	s2 =	sadd.s32 s3, s2  }
0x8d: {  	s2 =	sadd.s32 s2, s17  }
0x8e: {  	[smem:$0x3FC1] =	sst s2  }
0x8f: {  	_ = 	snop  }
0x90: {  	s2 =	sld [smem:$0x3FD0];
	(tm) =	ssettm $0x1  }
0x91: {  	s18 =	sld [smem:$0x3FFB];
	_ =	sdelay $0x3  }
0x92: {  	_ =	strace s18  }
0x93: {  	s3 =	sld [smem:$0x3FFC];
	_ =	sdelay $0x3  }
0x94: {  	_ =	strace s3  }
0x95: {  	s3 =	sld [smem:$0x3FFD];
	_ =	sdelay $0x3  }
0x96: {  	_ =	strace s3  }
0x97: {  	_ =	strace $0x8FFFFFFF  }
0x98: {  	s19 =	sld [smem:$0x3FDB];
	_ =	sdelay $0x1  }
0x99: {  	s4 =	simm.s32 $_scs_section_size  }
0x9a: {  	s5 =	simm.s32 $_size__tile_overlayer_lowered;
	s6 =	simm.s32 $_tile_overlayer_lowered  }
0x9b: {  	s22 =	simm.s32 $0x1BFF;
	s21 =	sshll.u32 s6, $0x1;
	s3 =	sadd.s32 s4, s19  }
0x9c: {  	s7 =	simm.s32 $0x0;
	s20 =	sshll.u32 s5, $0x1;
	s5 =	sadd.s32 s21, s3  }
0x9d: {  	[timem:s7], [sflag:s22] =	dma.local [hbm:s5], s20  }
0x9e: {  	_ =	swait.ge [sflag:s22], s20  }
0x9f: {  	s4 =	ssub.s32 $0x0, s20;
	[sflag:s22] =	ssyncset.done $0x0  }
0xa0: {  	[sflag:s22] =	ssyncadd.s32 s4;
	_ =	sdelay $0x1  }
0xa1: {  	s23 =	simm.s32 $0x1B8B  }
0xa2: {  	_ =	swait.ge [sflag:s23], $0x1  }
0xa3: {  	[sflag:s23] =	ssyncset.done $0x0  }
0xa4: {  	s25 =	simm.s32 $0x1B8E;
	s24 =	sld [smem:$0x3FFE];
	[sflag:s23] =	ssyncadd.s32 $0xFFFFFFFF  }
0xa5: {  	s26 =	simm.s32 $execute0_lowered;
	[smem:$0x3FD2] =	sst s25  }
0xa6: {  	s5 =	sshll.u32 s26, $0x1;
	_ =	strace $0x80000049;
	[dreg:$0x1] =	wrdreg $0xFFFFFFFF  }
0xa7: {  	s28 =	simm.s32 $_size_execute0_lowered;
	s3 =	sadd.s32 s3, s5;
	[dreg:$0x0] =	wrdreg $0x0  }
0xa8: {  	s5 =	sshll.u32 s28, $0x1;
	[dreg:$0x2] =	wrdreg s3  }
0xa9: {  	[dreg:$0x3] =	wrdreg s5  }
0xaa: {  	[dreg:$0x4] =	wrdreg $0xC0  }
0xab: {  	_ =	task [dreg:s7], $0x5FFFF  }
0xac: {  	[dreg:$0x1] =	wrdreg $0xFFFFFFFF  }
0xad: {  	[dreg:$0x0] =	wrdreg $0x60  }
0xae: {  	[dreg:$0x2] =	wrdreg s24  }
0xaf: {  	[dreg:$0x3] =	wrdreg s2  }
0xb0: {  	[dreg:$0x4] =	wrdreg $0xA4000  }
0xb1: {  	[dreg:$0x5] =	wrdreg $0x9  }
0xb2: {  	_ =	task.clear_ibuf [dreg:s7], $0x6FFFF;
	_ =	strace $0x90000049  }
0xb3: {  	s29 =	simm.s32 $0x9;
	_ =	strace $0x8000004B  }
0xb4: {  	_ =	swait.ge [sflag:s29], $0x1  }
0xb5: {  	[sflag:s29] =	ssyncadd.s32 $0xFFFFFFFF  }
0xb6: {  	_ =	strace $0x9000004B  }
0xb7: {  	_ =	sfence  }
0xb8: {  	s30 =	sld [smem:$0x0];
	_ =	sdelay $0x2  }
0xb9: {  	s31 =	sshll.u32 s1, $0xD;
	s1 =	sshrl.u32 s1, $0x2  }
0xba: {  	s3 =	sand.u32 $0x4000, s31;
	s1 =	sadd.s32 s1, s30  }
0xbb: {  	s0 =	sor.u32 s3, s0;
	s1 =	sshll.u32 s1, $0x11  }
0xbc: {  	s0 =	sor.u32 s1, s0  }
0xbd: {  	s0 =	sadd.s32 $0x8F2B, s0  }
0xbe: {  	[sflag:s0] =	ssyncadd.remote.s32 $0x1  }
0xbf: {  	_ =	sfence.sel $0xFFFF  }
0xc0: {  	[dreg:$0x0] =	wrdreg $0xFFFFFFFF;
	(pc) =	sbr.abs _section_cstart, $3  }
0xc1: {  	[dreg:$0x1] =	wrdreg $0xFFFFFFFF  }
0xc2: {  	_ =	task.clear_ibuf [dreg:s7], $0x2FFFF;
	_ =	strace $0x9FFFFFFF  }
0xc3: {  	(tm) =	ssettm $0x7FFFFFFF  }
tec
execute0_lowered:
.L_overlay_start_1:
0x0: {  	(tag) =	ssettag $0x1  }
0x1: {  	s0 =	rddreg [dreg:$0x0]  }
0x2: {  	s1 =	rddreg [dreg:$0x1]  }
0x3: {  	s2 =	rddreg [dreg:$0x2]  }
0x4: {  	s4 =	srdreg.scid;
	s12 =	stileid.u32  }
0x5: {  	s3 =	simm.s32 $0x0;
	s29 =	simm.s32 $0x400;
	s6 =	smul.u32 $0x2800, s12  }
0x6: {  	s31 =	simm.s32 $0x200;
	s28 =	simm.s32 $0x5;
	s8 =	smul.u32 $0x51000, s12  }
0x7: {  	s30 =	simm.s32 $0x7;
	s5 =	sand.u32 $0x1, s4;
	s23 =	smul.u32 $0x50000, s12  }
0x8: {  	[smem:$0x7FF] =	sst s3;
	s4 =	sadd.s32 $0x7000, s0;
	s25 =	smul.u32 $0x500, s12  }
0x9: {  	s9 =	sadd.s32 $0x2000, s0;
	s7 =	smul.u32 $0x28000, s5;
	_ =	strace $0x8000004A  }
0xa: {  	s10 =	ssub.s32 $0x2, s5;
	s5 =	sshll.u32 s5, $0x4;
	s8 =	sshrl.u32 s8, $0x2  }
0xb: {  	s11 =	sshrl.u32 s10, $0x1;
	s5 =	sor.u32 s12, s5;
	s8 =	sadd.s32 s8, s2  }
0xc: {  	s12 =	simm.s32 $0x1;
	s16 =	sadd.s32 $0x2800, s8;
	[dreg:$0x4] =	wrdreg s8  }
0xd: {  	s7 =	sadd.s32 s6, s7;
	s17 =	sadd.s32 $0x5000, s8;
	[dreg:$0x5] =	wrdreg s16  }
0xe: {  	s10 =	ssub.s32 s10, s11;
	s18 =	sadd.s32 $0x7800, s8;
	[dreg:$0x6] =	wrdreg s17  }
0xf: {  	s5 =	smul.u32 $0x2800, s5;
	s19 =	sadd.s32 $0xA000, s8;
	[dreg:$0x7] =	wrdreg s18  }
0x10: {  	s6 =	sshrl.u32 s6, $0x3;
	s20 =	sadd.s32 $0xC800, s8;
	[dreg:$0x8] =	wrdreg s19  }
0x11: {  	s11 =	simm.s32 $0x2C00;
	s21 =	sadd.s32 $0xF000, s8;
	[dreg:$0x9] =	wrdreg s20  }
0x12: {  	s0 =	sadd.s32 s7, s0;
	s22 =	sadd.s32 $0x11800, s8;
	[dreg:$0xa] =	wrdreg s21  }
0x13: {  	s8 =	sadd.s32 $0x14000, s8;
	s24 =	sor.u32 $0x140, s7;
	[dreg:$0xb] =	wrdreg s22  }
0x14: {  	s26 =	sadd.s32 s9, s6;
	s5 =	sshrl.u32 s5, $0x3;
	[dreg:$0xc] =	wrdreg s8  }
0x15: {  	s15 =	sshrl.u32 s24, $0x3;
	s18 =	sadd.s32 s25, s9;
	s16 =	sor.u32 $0x190, s7  }
0x16: {  	s17 =	sor.u32 $0x1E0, s7;
	s7 =	sor.u32 $0xF0, s7;
	s20 =	sadd.s32 $0xA, s26  }
0x17: {  	s0 =	sadd.s32 $0x57000, s0;
	[dreg:$0xe] =	wrdreg s26;
	s26 =	sadd.s32 $0x14, s26  }
0x18: {  	s9 =	simm.s32 $0x50;
	s13 =	sadd.s32 s1, s5;
	s5 =	sshrl.u32 s23, $0x2  }
0x19: {  	s6 =	sadd.s32 s15, s1;
	s8 =	sshrl.u32 s17, $0x3;
	[dreg:$0x13] =	wrdreg s20  }
0x1a: {  	s7 =	sshrl.u32 s7, $0x3;
	[dreg:$0x14] =	wrdreg s0;
	s23 =	smax.u32 s10, $0x1  }
0x1b: {  	[dreg:$0x18] =	wrdreg s26;
	s20 =	simm.s32 $0xD;
	s0 =	simm.s32 $0x80  }
0x1c: {  	s10 =	simm.s32 $0xA;
	s15 =	simm.s32 $0x2;
	s26 =	simm.s32 $0x4  }
0x1d: {  	s14 =	sadd.s32 $0xA, s13;
	[dreg:$0x10] =	wrdreg s6;
	s6 =	sshrl.u32 s16, $0x3  }
0x1e: {  	s19 =	sadd.s32 s8, s1;
	s21 =	sadd.s32 s7, s1;
	[dreg:$0x15] =	wrdreg s23  }
0x1f: {  	s22 =	sadd.s32 s5, s2;
	[dreg:$0xd] =	wrdreg s13;
	s25 =	sadd.s32 $0x14, s13  }
0x20: {  	s7 =	simm.s32 $0x300;
	s8 =	simm.s32 $0x9;
	s13 =	simm.s32 $0xB  }
0x21: {  	s16 =	simm.s32 $0x5400;
	s23 =	simm.s32 $0xC;
	[dreg:$0xf] =	wrdreg s14  }
.Ltmp0:
0x22: {  	s5 =	simm.s32 $0x6;
	[dreg:$0x12] =	wrdreg s19;
	(pc) =	sbr.rel .LBB2_1-.Ltmp0, $4  }
0x23: {  	s6 =	sadd.s32 s6, s1;
	s24 =	sshrl.u32 s22, $0x3;
	[dreg:$0x17] =	wrdreg s25  }
0x24: {  	s1 =	simm.s32 $0x280;
	s14 =	simm.s32 $0x180;
	s22 =	simm.s32 $0x380  }
0x25: {  	s25 =	simm.s32 $0x3;
	s19 =	simm.s32 $0x0;
	[dreg:$0x11] =	wrdreg s6  }
0x26: {  	v0 =	vimm.f32 $0.0e+00;
	[dreg:$0x16] =	wrdreg s24;
	s6 =	simm.s32 $0x100;
	s24 =	simm.s32 $0x7C00  }
.LBB2_6:
0x27: {  	_ =	swait.ge [sflag:s25], $0x2800  }
0x28: {  	[sflag:s25] =	ssyncset.done $0x0  }
0x29: {  	[sflag:s25] =	ssyncadd.s32 $0xFFFFD800  }
0x2a: {  	[spmem:s2] =	stream.indirect.scatter.add.f32 [tilespmem:s16], [sflag:$0x7], $0x80, s7, s9, $0xb8;
	[tilespmem:$0x1E800] =	vst v63  }
0x2b: {  	_ =	swait.ge [sflag:s26], $0x2800  }
0x2c: {  	[sflag:s26] =	ssyncset.done $0x0  }
0x2d: {  	[sflag:s26] =	ssyncadd.s32 $0xFFFFD800  }
0x2e: {  	[spmem:s2] =	stream.indirect.scatter.add.f32 [tilespmem:s24], [sflag:$0x8], $0x80, s22, s9, $0xb8;
	[tilespmem:$0x1E800] =	vst v63  }
0x2f: {  	_ =	swait.ge [sflag:s28], $0x2800  }
0x30: {  	[sflag:s28] =	ssyncset.done $0x0  }
0x31: {  	[sflag:s28] =	ssyncadd.s32 $0xFFFFD800  }
0x32: {  	_ =	swait.ge [sflag:s5], $0x2800  }
0x33: {  	[sflag:s5] =	ssyncset.done $0x0  }
0x34: {  	[sflag:s5] =	ssyncadd.s32 $0xFFFFD800  }
0x35: {  	_ =	swait.ge [sflag:s30], $0x2800  }
0x36: {  	[sflag:s30] =	ssyncset.done $0x0  }
0x37: {  	s17 =	simm.s32 $0x8;
	[sflag:s30] =	ssyncadd.s32 $0xFFFFD800  }
0x38: {  	_ =	swait.ge [sflag:s17], $0x2800  }
0x39: {  	[sflag:s17] =	ssyncset.done $0x0  }
0x3a: {  	[sflag:s17] =	ssyncadd.s32 $0xFFFFD800  }
0x3b: {  	s20 =	stileid.u32;
	[bflag:$0x0] =	sbarrier.arrive $0xFFFF  }
0x3c: {  	s17 =	sshll.u32 s20, $0x6;
	s19 =	rddreg [dreg:$0x14]  }
0x3d: {  	s17 =	sor.u32 $0x1C0D, s17;
	s20 =	rddreg [dreg:$0x16]  }
0x3e: {  	[hbm:s19], [sflag:s17] =	dma.local [spmem:s20], $0x2800  }
0x3f: {  	s20 =	simm.s32 $0xD  }
0x40: {  	_ =	swait.ge [sflag:s20], $0x2800  }
0x41: {  	s17 =	rddreg [dreg:$0x19]  }
0x42: {  	s19 =	sadd.s32 $0x1, s17;
	s17 =	rddreg [dreg:$0x15]  }
0x43: {  	p0 =	sne.s32 s19, s17  }
.Ltmp1:
0x44: {  	_ = 	snop;
	(pc) =	sbr.rel @!p0 .LBB2_7-.Ltmp1, $3  }
0x45: {  	_ =	sdelay $0x1  }
0x46: {  	[sflag:s20] =	ssyncset.done $0x0  }
0x47: {  	[sflag:s20] =	ssyncadd.s32 $0xFFFFD800  }
.LBB2_1:
0x48: {  	[dreg:$0x19] =	wrdreg s19;
	s17 =	simm.s32 $0x0;
	s19 =	simm.s32 $0x200  }
.LBB2_2:
0x49: {  	p0 =	sne.s32 s19, $0x9E00;
	[tilespmem:s17+$0x470] =	vst v0  }
0x4a: {  	[tilespmem:s17+$0x400] =	vst v0  }
0x4b: {  	[tilespmem:s17+$0x410] =	vst v0  }
.Ltmp2:
0x4c: {  	[tilespmem:s17+$0x420] =	vst v0;
	(pc) =	sbr.rel @p0 .LBB2_2-.Ltmp2, $4  }
0x4d: {  	[tilespmem:s17+$0x430] =	vst v0  }
0x4e: {  	[tilespmem:s17+$0x440] =	vst v0  }
0x4f: {  	[tilespmem:s17+$0x450] =	vst v0  }
0x50: {  	[tilespmem:s17+$0x460] =	vst v0;
	s17 =	sshra.s32 s19, $0x2;
	s19 =	sadd.s32 $0x200, s19  }
0x51: {  	[tilespmem:s17+$0x470] =	vst v0  }
0x52: {  	[tilespmem:s17+$0x400] =	vst v0  }
0x53: {  	[tilespmem:s17+$0x410] =	vst v0  }
0x54: {  	[tilespmem:s17+$0x420] =	vst v0  }
0x55: {  	[tilespmem:s17+$0x430] =	vst v0  }
0x56: {  	[tilespmem:s17+$0x440] =	vst v0  }
0x57: {  	[tilespmem:s17+$0x450] =	vst v0  }
0x58: {  	[tilespmem:s17+$0x460] =	vst v0;
	s19 =	rddreg [dreg:$0x4]  }
0x59: {  	[spmem:s19] =	stream.linear.scatter [tilespmem:s29], [sflag:$0xD], $0x2800, $0x38;
	[tilespmem:$0x1E800] =	vst v63  }
0x5a: {  	_ =	swait.ge [sflag:s20], $0x2800  }
0x5b: {  	[sflag:s20] =	ssyncset.done $0x0  }
0x5c: {  	s19 =	rddreg [dreg:$0x5];
	[sflag:s20] =	ssyncadd.s32 $0xFFFFD800  }
0x5d: {  	[spmem:s19] =	stream.linear.scatter [tilespmem:s29], [sflag:$0xD], $0x2800, $0x38;
	[tilespmem:$0x1E800] =	vst v63  }
0x5e: {  	_ =	swait.ge [sflag:s20], $0x2800  }
0x5f: {  	[sflag:s20] =	ssyncset.done $0x0  }
0x60: {  	s19 =	rddreg [dreg:$0x6];
	[sflag:s20] =	ssyncadd.s32 $0xFFFFD800  }
0x61: {  	[spmem:s19] =	stream.linear.scatter [tilespmem:s29], [sflag:$0xD], $0x2800, $0x38;
	[tilespmem:$0x1E800] =	vst v63  }
0x62: {  	_ =	swait.ge [sflag:s20], $0x2800  }
0x63: {  	[sflag:s20] =	ssyncset.done $0x0  }
0x64: {  	s19 =	rddreg [dreg:$0x7];
	[sflag:s20] =	ssyncadd.s32 $0xFFFFD800  }
0x65: {  	[spmem:s19] =	stream.linear.scatter [tilespmem:s29], [sflag:$0xD], $0x2800, $0x38;
	[tilespmem:$0x1E800] =	vst v63  }
0x66: {  	_ =	swait.ge [sflag:s20], $0x2800  }
0x67: {  	[sflag:s20] =	ssyncset.done $0x0  }
0x68: {  	s19 =	rddreg [dreg:$0x8];
	[sflag:s20] =	ssyncadd.s32 $0xFFFFD800  }
0x69: {  	[spmem:s19] =	stream.linear.scatter [tilespmem:s29], [sflag:$0xD], $0x2800, $0x38;
	[tilespmem:$0x1E800] =	vst v63  }
0x6a: {  	_ =	swait.ge [sflag:s20], $0x2800  }
0x6b: {  	[sflag:s20] =	ssyncset.done $0x0  }
0x6c: {  	s19 =	rddreg [dreg:$0x9];
	[sflag:s20] =	ssyncadd.s32 $0xFFFFD800  }
0x6d: {  	[spmem:s19] =	stream.linear.scatter [tilespmem:s29], [sflag:$0xD], $0x2800, $0x38;
	[tilespmem:$0x1E800] =	vst v63  }
0x6e: {  	_ =	swait.ge [sflag:s20], $0x2800  }
0x6f: {  	[sflag:s20] =	ssyncset.done $0x0  }
0x70: {  	s19 =	rddreg [dreg:$0xa];
	[sflag:s20] =	ssyncadd.s32 $0xFFFFD800  }
0x71: {  	[spmem:s19] =	stream.linear.scatter [tilespmem:s29], [sflag:$0xD], $0x2800, $0x38;
	[tilespmem:$0x1E800] =	vst v63  }
0x72: {  	_ =	swait.ge [sflag:s20], $0x2800  }
0x73: {  	[sflag:s20] =	ssyncset.done $0x0  }
0x74: {  	s19 =	rddreg [dreg:$0xb];
	[sflag:s20] =	ssyncadd.s32 $0xFFFFD800  }
0x75: {  	[spmem:s19] =	stream.linear.scatter [tilespmem:s29], [sflag:$0xD], $0x2800, $0x38;
	[tilespmem:$0x1E800] =	vst v63  }
0x76: {  	_ =	swait.ge [sflag:s20], $0x2800  }
0x77: {  	[sflag:s20] =	ssyncset.done $0x0  }
0x78: {  	s19 =	rddreg [dreg:$0xc];
	[sflag:s20] =	ssyncadd.s32 $0xFFFFD800  }
0x79: {  	[spmem:s19] =	stream.linear.scatter [tilespmem:s29], [sflag:$0xD], $0x400, $0x38;
	[tilespmem:$0x1E800] =	vst v63  }
0x7a: {  	_ =	swait.ge [sflag:s20], $0x400  }
0x7b: {  	[sflag:s20] =	ssyncset.done $0x0  }
0x7c: {  	[sflag:s20] =	ssyncadd.s32 $0xFFFFFC00  }
0x7d: {  	[bflag:$0x0] =	sbarrier.arrive $0xFFFF  }
0x7e: {  	s17 =	simm.s32 $0x0;
	s19 =	rddreg [dreg:$0xd]  }
0x7f: {  	[tilespmem:s17], [sflag:$0x9] =	stream.linear.gather [hbm4b:s19+s17], $0x50, $0x38;
	[tilespmem:$0x1E800] =	vst v63  }
0x80: {  	s20 =	rddreg [dreg:$0xe]  }
0x81: {  	[tilespmem:s31], [sflag:$0x9] =	stream.linear.gather [hbm4b:s20+s17], $0x50, $0x38;
	[tilespmem:$0x1E800] =	vst v63  }
0x82: {  	s20 =	rddreg [dreg:$0xf]  }
0x83: {  	[tilespmem:s0], [sflag:$0xA] =	stream.linear.gather [hbm4b:s20+s17], $0x50, $0x38;
	[tilespmem:$0x1E800] =	vst v63  }
0x84: {  	s20 =	rddreg [dreg:$0x13]  }
0x85: {  	[tilespmem:s1], [sflag:$0xA] =	stream.linear.gather [hbm4b:s20+s17], $0x50, $0x38;
	[tilespmem:$0x1E800] =	vst v63  }
0x86: {  	s20 =	rddreg [dreg:$0x17]  }
0x87: {  	[tilespmem:s6], [sflag:$0xB] =	stream.linear.gather [hbm4b:s20+s17], $0x50, $0x38;
	[tilespmem:$0x1E800] =	vst v63  }
0x88: {  	s20 =	rddreg [dreg:$0x18]  }
0x89: {  	[tilespmem:s7], [sflag:$0xB] =	stream.linear.gather [hbm4b:s20+s17], $0x50, $0x38;
	[tilespmem:$0x1E800] =	vst v63  }
0x8a: {  	_ =	swait.ge [sflag:s8], $0x50  }
0x8b: {  	[sflag:s8] =	ssyncset.done $0x0  }
0x8c: {  	[sflag:s8] =	ssyncadd.s32 $0xFFFFFFB0  }
0x8d: {  	_ =	swait.ge [sflag:s8], $0x50  }
0x8e: {  	[sflag:s8] =	ssyncset.done $0x0  }
0x8f: {  	[sflag:s8] =	ssyncadd.s32 $0xFFFFFFB0  }
0x90: {  	[tilespmem:s29], [sflag:$0x1] =	stream.indirect.gather [hbm4b:s4+s9], $0x80, s17, s9, $0xb8;
	[tilespmem:$0x1E800] =	vst v63  }
0x91: {  	_ =	swait.ge [sflag:s10], $0x50  }
0x92: {  	[sflag:s10] =	ssyncset.done $0x0  }
0x93: {  	[sflag:s10] =	ssyncadd.s32 $0xFFFFFFB0  }
0x94: {  	_ =	swait.ge [sflag:s10], $0x50  }
0x95: {  	[sflag:s10] =	ssyncset.done $0x0  }
0x96: {  	[sflag:s10] =	ssyncadd.s32 $0xFFFFFFB0  }
0x97: {  	[tilespmem:s11], [sflag:$0x2] =	stream.indirect.gather [hbm4b:s4+s9], $0x80, s0, s9, $0xb8;
	[tilespmem:$0x1E800] =	vst v63  }
.LBB2_4:
0x98: {  	_ =	swait.ge [sflag:s12], $0x2800  }
0x99: {  	[sflag:s12] =	ssyncset.done $0x0  }
0x9a: {  	[sflag:s12] =	ssyncadd.s32 $0xFFFFD800  }
0x9b: {  	[spmem:s2] =	stream.indirect.scatter.add.f32 [tilespmem:s29], [sflag:$0x5], $0x80, s31, s9, $0xb8;
	[tilespmem:$0x1E800] =	vst v63  }
0x9c: {  	_ =	swait.ge [sflag:s13], $0x50  }
0x9d: {  	[sflag:s13] =	ssyncset.done $0x0  }
0x9e: {  	[sflag:s13] =	ssyncadd.s32 $0xFFFFFFB0  }
0x9f: {  	_ =	swait.ge [sflag:s13], $0x50  }
0xa0: {  	p0 =	seq.s32 s17, $0x0;
	[sflag:s13] =	ssyncset.done $0x0  }
0xa1: {  	s19 =	simm.s32 @!p0 $0x8;
	[sflag:s13] =	ssyncadd.s32 $0xFFFFFFB0  }
0xa2: {  	[tilespmem:s16], [sflag:$0x3] =	stream.indirect.gather [hbm4b:s4+s9], $0x80, s6, s9, $0xb8;
	[tilespmem:$0x1E800] =	vst v63  }
0xa3: {  	_ =	swait.ge @!p0 [sflag:s19], $0x2800  }
0xa4: {  	[sflag:s19] =	ssyncset.done @!p0 $0x0  }
0xa5: {  	s20 =	sadd.s32 s17, s21;
	[sflag:s19] =	ssyncadd.s32 @!p0 $0xFFFFD800;
	s19 =	sadd.s32 s17, s18  }
0xa6: {  	[tilespmem:s14], [sflag:$0xC] =	stream.linear.gather [hbm4b:s20+s3], $0x50, $0x38;
	[tilespmem:$0x1E800] =	vst v63  }
0xa7: {  	s20 =	sadd.s32 $0x1E, s19  }
0xa8: {  	[tilespmem:s22], [sflag:$0xC] =	stream.linear.gather [hbm4b:s20+s3], $0x50, $0x38;
	[tilespmem:$0x1E800] =	vst v63  }
0xa9: {  	_ =	swait.ge [sflag:s15], $0x2800  }
0xaa: {  	[sflag:s15] =	ssyncset.done $0x0  }
0xab: {  	[sflag:s15] =	ssyncadd.s32 $0xFFFFD800  }
0xac: {  	[spmem:s2] =	stream.indirect.scatter.add.f32 [tilespmem:s11], [sflag:$0x6], $0x80, s1, s9, $0xb8;
	[tilespmem:$0x1E800] =	vst v63  }
0xad: {  	_ =	swait.ge [sflag:s23], $0x50  }
0xae: {  	p0 =	seq.s32 s17, $0x4D8;
	[sflag:s23] =	ssyncset.done $0x0  }
.Ltmp3:
0xaf: {  	[sflag:s23] =	ssyncadd.s32 $0xFFFFFFB0;
	(pc) =	sbr.rel @p0 .LBB2_6-.Ltmp3, $4  }
0xb0: {  	_ =	swait.ge [sflag:s23], $0x50  }
0xb1: {  	[sflag:s23] =	ssyncset.done $0x0  }
0xb2: {  	[sflag:s23] =	ssyncadd.s32 $0xFFFFFFB0  }
0xb3: {  	[tilespmem:s24], [sflag:$0x4] =	stream.indirect.gather [hbm4b:s4+s9], $0x80, s14, s9, $0xb8;
	[tilespmem:$0x1E800] =	vst v63  }
0xb4: {  	_ =	swait.ge [sflag:s28], $0x2800  }
0xb5: {  	[sflag:s28] =	ssyncset.done $0x0;
	s20 =	rddreg [dreg:$0x10]  }
0xb6: {  	[sflag:s28] =	ssyncadd.s32 $0xFFFFD800;
	s20 =	sadd.s32 s17, s20  }
0xb7: {  	[tilespmem:s3], [sflag:$0x9] =	stream.linear.gather [hbm4b:s20+s3], $0x50, $0x38;
	[tilespmem:$0x1E800] =	vst v63  }
0xb8: {  	s20 =	sadd.s32 $0x28, s19  }
0xb9: {  	[tilespmem:s31], [sflag:$0x9] =	stream.linear.gather [hbm4b:s20+s3], $0x50, $0x38;
	[tilespmem:$0x1E800] =	vst v63  }
0xba: {  	_ =	swait.ge [sflag:s25], $0x2800  }
0xbb: {  	[sflag:s25] =	ssyncset.done $0x0  }
0xbc: {  	[sflag:s25] =	ssyncadd.s32 $0xFFFFD800  }
0xbd: {  	[spmem:s2] =	stream.indirect.scatter.add.f32 [tilespmem:s16], [sflag:$0x7], $0x80, s7, s9, $0xb8;
	[tilespmem:$0x1E800] =	vst v63  }
0xbe: {  	_ =	swait.ge [sflag:s8], $0x50  }
0xbf: {  	[sflag:s8] =	ssyncset.done $0x0  }
0xc0: {  	[sflag:s8] =	ssyncadd.s32 $0xFFFFFFB0  }
0xc1: {  	_ =	swait.ge [sflag:s8], $0x50  }
0xc2: {  	[sflag:s8] =	ssyncset.done $0x0  }
0xc3: {  	[sflag:s8] =	ssyncadd.s32 $0xFFFFFFB0  }
0xc4: {  	[tilespmem:s29], [sflag:$0x1] =	stream.indirect.gather [hbm4b:s4+s9], $0x80, s3, s9, $0xb8;
	[tilespmem:$0x1E800] =	vst v63  }
0xc5: {  	_ =	swait.ge [sflag:s5], $0x2800  }
0xc6: {  	[sflag:s5] =	ssyncset.done $0x0;
	s20 =	rddreg [dreg:$0x11]  }
0xc7: {  	[sflag:s5] =	ssyncadd.s32 $0xFFFFD800;
	s20 =	sadd.s32 s17, s20  }
0xc8: {  	[tilespmem:s0], [sflag:$0xA] =	stream.linear.gather [hbm4b:s20+s3], $0x50, $0x38;
	[tilespmem:$0x1E800] =	vst v63  }
0xc9: {  	s20 =	sadd.s32 $0x32, s19  }
0xca: {  	[tilespmem:s1], [sflag:$0xA] =	stream.linear.gather [hbm4b:s20+s3], $0x50, $0x38;
	[tilespmem:$0x1E800] =	vst v63  }
0xcb: {  	_ =	swait.ge [sflag:s26], $0x2800  }
0xcc: {  	[sflag:s26] =	ssyncset.done $0x0  }
0xcd: {  	[sflag:s26] =	ssyncadd.s32 $0xFFFFD800  }
0xce: {  	[spmem:s2] =	stream.indirect.scatter.add.f32 [tilespmem:s24], [sflag:$0x8], $0x80, s22, s9, $0xb8;
	[tilespmem:$0x1E800] =	vst v63  }
0xcf: {  	_ =	swait.ge [sflag:s10], $0x50  }
0xd0: {  	[sflag:s10] =	ssyncset.done $0x0  }
0xd1: {  	[sflag:s10] =	ssyncadd.s32 $0xFFFFFFB0  }
0xd2: {  	_ =	swait.ge [sflag:s10], $0x50  }
0xd3: {  	[sflag:s10] =	ssyncset.done $0x0  }
0xd4: {  	[sflag:s10] =	ssyncadd.s32 $0xFFFFFFB0  }
0xd5: {  	[tilespmem:s11], [sflag:$0x2] =	stream.indirect.gather [hbm4b:s4+s9], $0x80, s0, s9, $0xb8;
	[tilespmem:$0x1E800] =	vst v63  }
0xd6: {  	_ =	swait.ge [sflag:s30], $0x2800  }
.Ltmp4:
0xd7: {  	[sflag:s30] =	ssyncset.done $0x0;
	s20 =	rddreg [dreg:$0x12];
	(pc) =	sbr.rel .LBB2_4-.Ltmp4, $4  }
0xd8: {  	[sflag:s30] =	ssyncadd.s32 $0xFFFFD800;
	s20 =	sadd.s32 s17, s20  }
0xd9: {  	[tilespmem:s6], [sflag:$0xB] =	stream.linear.gather [hbm4b:s20+s3], $0x50, $0x38;
	[tilespmem:$0x1E800] =	vst v63  }
0xda: {  	s17 =	sadd.s32 $0x28, s17;
	s20 =	sadd.s32 $0x3C, s19  }
0xdb: {  	[tilespmem:s7], [sflag:$0xB] =	stream.linear.gather [hbm4b:s20+s3], $0x50, $0x38;
	[tilespmem:$0x1E800] =	vst v63  }
.LBB2_7:
0xdc: {  	_ =	sfence.sel $0x180000  }
0xdd: {  	[bflag:$0x0] =	sbarrier.arrive $0xFFFF  }
0xde: {  	_ =	strace $0x9000004A  }
0xdf: {  	s0 =	stileid.u32;
	[bflag:$0x2] =	sbarrier.arrive $0xFFFF  }
0xe0: {  	p0 =	sne.s32 s0, $0x0;
	s0 =	rddreg [dreg:$0x3]  }
0xe1: {  	s0 =	sadd.s32 @!p0 $0x100000, s0  }
0xe2: {  	[sflag:s0] =	ssyncadd.tile.s32 @!p0 $0x1;
	_ =	shalt  }
.Lfunc_end2:
_tile_overlayer_lowered:
.L_overlay_start_2:
0xe3: {  	(tag) =	ssettag $0x2  }
0xe4: {  	s0 =	rddreg [dreg:$0x0];
	s2 =	stileid.u32  }
0xe5: {  	s1 =	rddreg [dreg:$0x1];
	p0 =	sne.s32 s2, $0x0  }
0xe6: {  	s3 =	rddreg [dreg:$0x2];
	[bflag:$0x3] =	sbarrier.arrive $0xFFFF;
	s2 =	simm.s32 @!p0 $0x1C0D  }
0xe7: {  	[timem:s3], [sflag:s2] =	dma.local @!p0 [hbm:s0], s1  }
0xe8: {  	s0 =	simm.s32 @!p0 $0xD  }
0xe9: {  	_ =	swait.ge @!p0 [sflag:s0], s1  }
0xea: {  	s1 =	ssub.s32 @!p0 $0x0, s1;
	[sflag:s0] =	ssyncset.done @!p0 $0x0  }
0xeb: {  	[sflag:s0] =	ssyncadd.s32 @!p0 s1  }
0xec: {  	[bflag:$0x3] =	sbarrier.arrive $0xFFFF  }
0xed: {  	_ =	shalt  }

// kernel: _run.14.cloned.1.call-start
scs
__scs_entry_jumppad:
0x0: {  	(pc) =	sbr.rel $0x88, $3  }
0x1: {  	(tag) =	ssettag $0x0;
	lr =	simm.s32 $0x1  }
0x2: {  	[smem:$0x3F9A] =	sst lr;
	_ =	strace $0xD0000000  }
0x3: {  	_ = 	snop  }
0x4: {  	_ = 	snop  }
0x5: {  	_ = 	snop  }
0x6: {  	_ = 	snop  }
0x7: {  	_ = 	snop  }
__scs_overlays_trampoline_lowered:
0x8: {  	[smem:$0x3FA9] =	sst s0  }
0x9: {  	[smem:$0x3FAA] =	sst s1  }
0xa: {  	[smem:$0x3FAB] =	sst s2  }
0xb: {  	[smem:$0x3FAC] =	sst s3  }
0xc: {  	[smem:$0x3FAD] =	sst s4  }
0xd: {  	[smem:$0x3FAE] =	sst s5  }
0xe: {  	[smem:$0x3FAF] =	sst s6  }
0xf: {  	[smem:$0x3FB0] =	sst s7  }
0x10: {  	[smem:$0x3FB1] =	sst s8  }
0x11: {  	[smem:$0x3FB2] =	sst s9;
	s0 =	simm.s32 @!p0 $0x0  }
0x12: {  	s1 =	sld [smem:$0x3F98];
	s0 =	simm.s32 @p0 $0x1  }
0x13: {  	[smem:$0x3FB3] =	sst s0;
	s0 =	simm.s32 @!p1 $0x0  }
0x14: {  	s2 =	sld [smem:$0x3F97];
	s0 =	simm.s32 @p1 $0x1  }
0x15: {  	[smem:$0x3FB4] =	sst s0;
	s0 =	simm.s32 @!p2 $0x0  }
0x16: {  	s3 =	sld [smem:$0x3FDB];
	s0 =	simm.s32 @p2 $0x1  }
0x17: {  	s4 =	simm.s32 $0x1BF5;
	[smem:$0x3FB6] =	sst s0  }
0x18: {  	s0 =	sld [smem:$0x3F99];
	_ =	swait.ge [sflag:s4], $0x0  }
0x19: {  	s7 =	sld [smem:$0x3F9A]  }
0x1a: {  	s8 =	sadd.s32 $0xFFFFE003, lr  }
0x1b: {  	s9 =	sadd.s32 $0xFFFFFEF7, lr;
	s5 =	simm.s32 $0xFFFFFFFF;
	p2 =	slt.u32 s8, $0xFFFFF086  }
0x1c: {  	p1 =	slt.u32 s9, $0xF7A;
	s5 =	simm.s32 @!p2 $0x0  }
0x1d: {  	s5 =	simm.s32 @p1 $0x1;
	p0 =	seq.s32 s7, s2  }
0x1e: {  	s7 =	smul.u32 @!p0 $0xF7A, s2;
	p2 =	seq.s32 @!p0 s5, $0x0  }
0x1f: {  	s9 =	smul.u32 $0xF7A, s1;
	s8 =	simm.s32 @!p0 $0x1BF5;
	p2 =	por !p2, p0  }
0x20: {  	[sflag:s8] =	ssyncset.s32 @!p0 $0xFFFFF086;
	s6 =	sadd.s32 @!p0 s3, s7;
	s7 =	simm.s32 @!p0 $0x108  }
0x21: {  	s3 =	sadd.s32 s3, s9;
	s6 =	sadd.s32 @!p0 $0x88, s6;
	s7 =	simm.s32 @p2 $0x1082  }
0x22: {  	[simem:s7], [sflag:s8] =	dma.local @!p0 [hbm:s6], $0xF7A  }
0x23: {  	s9 =	sor.u32 $0xD0000000, s2;
	s6 =	simm.s32 $0x108;
	_ =	swait.ge @!p0 [sflag:s8], $0x0  }
0x24: {  	s3 =	sadd.s32 $0x88, s3;
	s6 =	simm.s32 @!p1 $0x1082;
	[sflag:s4] =	ssyncset.s32 $0xFFFFF086  }
0x25: {  	[simem:s6], [sflag:s4] =	dma.local [hbm:s3], $0xF7A  }
0x26: {  	[smem:$0x3F9A] =	sst s1;
	(tag) =	ssettag s2;
	_ =	strace s9  }
0x27: {  	s1 =	sld [smem:$0x3FAA]  }
0x28: {  	s2 =	sld [smem:$0x3FAB]  }
0x29: {  	s4 =	sld [smem:$0x3FAD]  }
0x2a: {  	p0 =	seq.s32 s5, $0x0;
	s5 =	sld [smem:$0x3FAE]  }
0x2b: {  	s6 =	sld [smem:$0x3FAF]  }
0x2c: {  	s7 =	sld [smem:$0x3FB0]  }
0x2d: {  	s3 =	simm.s32 $0x108;
	s8 =	sld [smem:$0x3FB1]  }
0x2e: {  	s3 =	simm.s32 @!p0 $0x1082;
	s9 =	sld [smem:$0x3FB2]  }
0x2f: {  	lr =	sadd.s32 s0, s3;
	s0 =	sld [smem:$0x3FA9]  }
0x30: {  	s3 =	sld [smem:$0x3FAC]  }
0x31: {  	[smem:$0x3FB5] =	sst s10  }
0x32: {  	s10 =	sld [smem:$0x3FB3];
	_ =	sdelay $0x3  }
0x33: {  	p0 =	seq.s32 s10, $0x1;
	s10 =	sld [smem:$0x3FB5];
	_ =	sdelay $0x3  }
0x34: {  	[smem:$0x3FB5] =	sst s10  }
0x35: {  	s10 =	sld [smem:$0x3FB4];
	_ =	sdelay $0x3  }
0x36: {  	p1 =	seq.s32 s10, $0x1;
	s10 =	sld [smem:$0x3FB5];
	_ =	sdelay $0x3  }
0x37: {  	[smem:$0x3FB5] =	sst s10  }
0x38: {  	s10 =	sld [smem:$0x3FB6]  }
0x39: {  	_ = 	snop;
	(pc) =	sbr.ind lr, $3  }
0x3a: {  	_ = 	snop  }
0x3b: {  	_ = 	snop  }
0x3c: {  	p2 =	seq.s32 s10, $0x1;
	s10 =	sld [smem:$0x3FB5]  }
0x3d: {  	_ =	shalt  }
0x3e: {  	_ =	shalt  }
0x3f: {  	_ =	shalt  }
0x40: {  	_ =	shalt  }
0x41: {  	_ =	shalt  }
0x42: {  	_ =	shalt  }
0x43: {  	_ =	shalt  }
0x44: {  	_ =	shalt  }
0x45: {  	_ =	shalt  }
0x46: {  	_ =	shalt  }
0x47: {  	_ =	shalt  }
0x48: {  	_ =	shalt  }
0x49: {  	_ =	shalt  }
0x4a: {  	_ =	shalt  }
0x4b: {  	_ =	shalt  }
0x4c: {  	_ =	shalt  }
0x4d: {  	_ =	shalt  }
0x4e: {  	_ =	shalt  }
0x4f: {  	_ =	shalt  }
0x50: {  	_ =	shalt  }
0x51: {  	_ =	shalt  }
0x52: {  	_ =	shalt  }
0x53: {  	_ =	shalt  }
0x54: {  	_ =	shalt  }
0x55: {  	_ =	shalt  }
0x56: {  	_ =	shalt  }
0x57: {  	_ =	shalt  }
0x58: {  	_ =	shalt  }
0x59: {  	_ =	shalt  }
0x5a: {  	_ =	shalt  }
0x5b: {  	_ =	shalt  }
0x5c: {  	_ =	shalt  }
0x5d: {  	_ =	shalt  }
0x5e: {  	_ =	shalt  }
0x5f: {  	_ =	shalt  }
0x60: {  	_ =	shalt  }
0x61: {  	_ =	shalt  }
0x62: {  	_ =	shalt  }
0x63: {  	_ =	shalt  }
0x64: {  	_ =	shalt  }
0x65: {  	_ =	shalt  }
0x66: {  	_ =	shalt  }
0x67: {  	_ =	shalt  }
0x68: {  	_ =	shalt  }
0x69: {  	_ =	shalt  }
0x6a: {  	_ =	shalt  }
0x6b: {  	_ =	shalt  }
0x6c: {  	_ =	shalt  }
0x6d: {  	_ =	shalt  }
0x6e: {  	_ =	shalt  }
0x6f: {  	_ =	shalt  }
0x70: {  	_ =	shalt  }
0x71: {  	_ =	shalt  }
0x72: {  	_ =	shalt  }
0x73: {  	_ =	shalt  }
0x74: {  	_ =	shalt  }
0x75: {  	_ =	shalt  }
0x76: {  	_ =	shalt  }
0x77: {  	_ =	shalt  }
0x78: {  	_ =	shalt  }
0x79: {  	_ =	shalt  }
0x7a: {  	_ =	shalt  }
0x7b: {  	_ =	shalt  }
0x7c: {  	_ =	shalt  }
0x7d: {  	_ =	shalt  }
0x7e: {  	_ =	shalt  }
0x7f: {  	_ =	shalt  }
0x80: {  	_ =	shalt  }
0x81: {  	_ =	shalt  }
0x82: {  	_ =	shalt  }
0x83: {  	_ =	shalt  }
0x84: {  	_ =	shalt  }
0x85: {  	_ =	shalt  }
0x86: {  	_ =	shalt  }
0x87: {  	_ =	shalt  }
.Lfunc_end0:
.L_simem_size_0:
called_computation.2_lowered:
.L_overlay_start_0:
0x88: {  	s2 =	sld [smem:$0x3FD9]  }
0x89: {  	s3 =	sld [smem:$0x3FFE];
	_ =	sdelay $0x1  }
0x8a: {  	s1 =	srdreg.scid  }
0x8b: {  	s0 =	sand.u32 $0x1, s1  }
0x8c: {  	s17 =	sshll.u32 s0, $0xA;
	s2 =	sadd.s32 s3, s2  }
0x8d: {  	s2 =	sadd.s32 s2, s17  }
0x8e: {  	[smem:$0x3FC1] =	sst s2  }
0x8f: {  	_ = 	snop  }
0x90: {  	s2 =	sld [smem:$0x3FD0];
	(tm) =	ssettm $0x1  }
0x91: {  	s18 =	sld [smem:$0x3FFB];
	_ =	sdelay $0x3  }
0x92: {  	_ =	strace s18  }
0x93: {  	s3 =	sld [smem:$0x3FFC];
	_ =	sdelay $0x3  }
0x94: {  	_ =	strace s3  }
0x95: {  	s3 =	sld [smem:$0x3FFD];
	_ =	sdelay $0x3  }
0x96: {  	_ =	strace s3  }
0x97: {  	_ =	strace $0x8FFFFFFF  }
0x98: {  	s19 =	sld [smem:$0x3FDB];
	_ =	sdelay $0x1  }
0x99: {  	s4 =	simm.s32 $_scs_section_size  }
0x9a: {  	s5 =	simm.s32 $_size__tile_overlayer_lowered;
	s6 =	simm.s32 $_tile_overlayer_lowered  }
0x9b: {  	s22 =	simm.s32 $0x1BFF;
	s21 =	sshll.u32 s6, $0x1;
	s3 =	sadd.s32 s4, s19  }
0x9c: {  	s7 =	simm.s32 $0x0;
	s20 =	sshll.u32 s5, $0x1;
	s5 =	sadd.s32 s21, s3  }
0x9d: {  	[timem:s7], [sflag:s22] =	dma.local [hbm:s5], s20  }
0x9e: {  	_ =	swait.ge [sflag:s22], s20  }
0x9f: {  	s4 =	ssub.s32 $0x0, s20;
	[sflag:s22] =	ssyncset.done $0x0  }
0xa0: {  	[sflag:s22] =	ssyncadd.s32 s4;
	_ =	sdelay $0x1  }
0xa1: {  	s23 =	simm.s32 $0x1B8B  }
0xa2: {  	_ =	swait.ge [sflag:s23], $0x1  }
0xa3: {  	[sflag:s23] =	ssyncset.done $0x0  }
0xa4: {  	s25 =	simm.s32 $0x1B8E;
	s24 =	sld [smem:$0x3FFE];
	[sflag:s23] =	ssyncadd.s32 $0xFFFFFFFF  }
0xa5: {  	s26 =	simm.s32 $execute0_lowered;
	[smem:$0x3FD2] =	sst s25  }
0xa6: {  	s5 =	sshll.u32 s26, $0x1;
	_ =	strace $0x8000004C;
	[dreg:$0x1] =	wrdreg $0xFFFFFFFF  }
0xa7: {  	s28 =	simm.s32 $_size_execute0_lowered;
	s3 =	sadd.s32 s3, s5;
	[dreg:$0x0] =	wrdreg $0x0  }
0xa8: {  	s5 =	sshll.u32 s28, $0x1;
	[dreg:$0x2] =	wrdreg s3  }
0xa9: {  	[dreg:$0x3] =	wrdreg s5  }
0xaa: {  	[dreg:$0x4] =	wrdreg $0xC0  }
0xab: {  	_ =	task [dreg:s7], $0x5FFFF  }
0xac: {  	[dreg:$0x1] =	wrdreg $0xFFFFFFFF  }
0xad: {  	[dreg:$0x0] =	wrdreg $0x60  }
0xae: {  	[dreg:$0x2] =	wrdreg s24  }
0xaf: {  	[dreg:$0x3] =	wrdreg s2  }
0xb0: {  	[dreg:$0x4] =	wrdreg $0xA4000  }
0xb1: {  	[dreg:$0x5] =	wrdreg $0x9  }
0xb2: {  	_ =	task.clear_ibuf [dreg:s7], $0x6FFFF;
	_ =	strace $0x9000004C  }
0xb3: {  	s29 =	simm.s32 $0x9;
	_ =	strace $0x8000004E  }
0xb4: {  	_ =	swait.ge [sflag:s29], $0x1  }
0xb5: {  	[sflag:s29] =	ssyncadd.s32 $0xFFFFFFFF  }
0xb6: {  	_ =	strace $0x9000004E  }
0xb7: {  	_ =	sfence  }
0xb8: {  	s30 =	sld [smem:$0x0];
	_ =	sdelay $0x2  }
0xb9: {  	s31 =	sshll.u32 s1, $0xD;
	s1 =	sshrl.u32 s1, $0x2  }
0xba: {  	s3 =	sand.u32 $0x4000, s31;
	s1 =	sadd.s32 s1, s30  }
0xbb: {  	s0 =	sor.u32 s3, s0;
	s1 =	sshll.u32 s1, $0x11  }
0xbc: {  	s0 =	sor.u32 s1, s0  }
0xbd: {  	s0 =	sadd.s32 $0x8F2B, s0  }
0xbe: {  	[sflag:s0] =	ssyncadd.remote.s32 $0x1  }
0xbf: {  	_ =	sfence.sel $0xFFFF  }
0xc0: {  	[dreg:$0x0] =	wrdreg $0xFFFFFFFF;
	(pc) =	sbr.abs _section_cstart, $3  }
0xc1: {  	[dreg:$0x1] =	wrdreg $0xFFFFFFFF  }
0xc2: {  	_ =	task.clear_ibuf [dreg:s7], $0x2FFFF;
	_ =	strace $0x9FFFFFFF  }
0xc3: {  	(tm) =	ssettm $0x7FFFFFFF  }
tec
execute0_lowered:
.L_overlay_start_1:
0x0: {  	(tag) =	ssettag $0x1  }
0x1: {  	s0 =	rddreg [dreg:$0x0]  }
0x2: {  	s1 =	rddreg [dreg:$0x1]  }
0x3: {  	s2 =	rddreg [dreg:$0x2]  }
0x4: {  	s4 =	srdreg.scid;
	s12 =	stileid.u32  }
0x5: {  	s3 =	simm.s32 $0x0;
	s29 =	simm.s32 $0x400;
	s6 =	smul.u32 $0x2800, s12  }
0x6: {  	s31 =	simm.s32 $0x200;
	s28 =	simm.s32 $0x5;
	s8 =	smul.u32 $0x51000, s12  }
0x7: {  	s30 =	simm.s32 $0x7;
	s5 =	sand.u32 $0x1, s4;
	s23 =	smul.u32 $0x50000, s12  }
0x8: {  	[smem:$0x7FF] =	sst s3;
	s4 =	sadd.s32 $0x7000, s0;
	s25 =	smul.u32 $0x500, s12  }
0x9: {  	s9 =	sadd.s32 $0x2000, s0;
	s7 =	smul.u32 $0x28000, s5;
	_ =	strace $0x8000004D  }
0xa: {  	s10 =	ssub.s32 $0x2, s5;
	s5 =	sshll.u32 s5, $0x4;
	s8 =	sshrl.u32 s8, $0x2  }
0xb: {  	s11 =	sshrl.u32 s10, $0x1;
	s5 =	sor.u32 s12, s5;
	s8 =	sadd.s32 s8, s2  }
0xc: {  	s12 =	simm.s32 $0x1;
	s16 =	sadd.s32 $0x2800, s8;
	[dreg:$0x4] =	wrdreg s8  }
0xd: {  	s7 =	sadd.s32 s6, s7;
	s17 =	sadd.s32 $0x5000, s8;
	[dreg:$0x5] =	wrdreg s16  }
0xe: {  	s10 =	ssub.s32 s10, s11;
	s18 =	sadd.s32 $0x7800, s8;
	[dreg:$0x6] =	wrdreg s17  }
0xf: {  	s5 =	smul.u32 $0x2800, s5;
	s19 =	sadd.s32 $0xA000, s8;
	[dreg:$0x7] =	wrdreg s18  }
0x10: {  	s6 =	sshrl.u32 s6, $0x3;
	s20 =	sadd.s32 $0xC800, s8;
	[dreg:$0x8] =	wrdreg s19  }
0x11: {  	s11 =	simm.s32 $0x2C00;
	s21 =	sadd.s32 $0xF000, s8;
	[dreg:$0x9] =	wrdreg s20  }
0x12: {  	s0 =	sadd.s32 s7, s0;
	s22 =	sadd.s32 $0x11800, s8;
	[dreg:$0xa] =	wrdreg s21  }
0x13: {  	s8 =	sadd.s32 $0x14000, s8;
	s24 =	sor.u32 $0x140, s7;
	[dreg:$0xb] =	wrdreg s22  }
0x14: {  	s26 =	sadd.s32 s9, s6;
	s5 =	sshrl.u32 s5, $0x3;
	[dreg:$0xc] =	wrdreg s8  }
0x15: {  	s15 =	sshrl.u32 s24, $0x3;
	s18 =	sadd.s32 s25, s9;
	s16 =	sor.u32 $0x190, s7  }
0x16: {  	s17 =	sor.u32 $0x1E0, s7;
	s7 =	sor.u32 $0xF0, s7;
	s20 =	sadd.s32 $0xA, s26  }
0x17: {  	s0 =	sadd.s32 $0x57000, s0;
	[dreg:$0xe] =	wrdreg s26;
	s26 =	sadd.s32 $0x14, s26  }
0x18: {  	s9 =	simm.s32 $0x50;
	s13 =	sadd.s32 s1, s5;
	s5 =	sshrl.u32 s23, $0x2  }
0x19: {  	s6 =	sadd.s32 s15, s1;
	s8 =	sshrl.u32 s17, $0x3;
	[dreg:$0x13] =	wrdreg s20  }
0x1a: {  	s7 =	sshrl.u32 s7, $0x3;
	[dreg:$0x14] =	wrdreg s0;
	s23 =	smax.u32 s10, $0x1  }
0x1b: {  	[dreg:$0x18] =	wrdreg s26;
	s20 =	simm.s32 $0xD;
	s0 =	simm.s32 $0x80  }
0x1c: {  	s10 =	simm.s32 $0xA;
	s15 =	simm.s32 $0x2;
	s26 =	simm.s32 $0x4  }
0x1d: {  	s14 =	sadd.s32 $0xA, s13;
	[dreg:$0x10] =	wrdreg s6;
	s6 =	sshrl.u32 s16, $0x3  }
0x1e: {  	s19 =	sadd.s32 s8, s1;
	s21 =	sadd.s32 s7, s1;
	[dreg:$0x15] =	wrdreg s23  }
0x1f: {  	s22 =	sadd.s32 s5, s2;
	[dreg:$0xd] =	wrdreg s13;
	s25 =	sadd.s32 $0x14, s13  }
0x20: {  	s7 =	simm.s32 $0x300;
	s8 =	simm.s32 $0x9;
	s13 =	simm.s32 $0xB  }
0x21: {  	s16 =	simm.s32 $0x5400;
	s23 =	simm.s32 $0xC;
	[dreg:$0xf] =	wrdreg s14  }
.Ltmp0:
0x22: {  	s5 =	simm.s32 $0x6;
	[dreg:$0x12] =	wrdreg s19;
	(pc) =	sbr.rel .LBB2_1-.Ltmp0, $4  }
0x23: {  	s6 =	sadd.s32 s6, s1;
	s24 =	sshrl.u32 s22, $0x3;
	[dreg:$0x17] =	wrdreg s25  }
0x24: {  	s1 =	simm.s32 $0x280;
	s14 =	simm.s32 $0x180;
	s22 =	simm.s32 $0x380  }
0x25: {  	s25 =	simm.s32 $0x3;
	s19 =	simm.s32 $0x0;
	[dreg:$0x11] =	wrdreg s6  }
0x26: {  	v0 =	vimm.f32 $0.0e+00;
	[dreg:$0x16] =	wrdreg s24;
	s6 =	simm.s32 $0x100;
	s24 =	simm.s32 $0x7C00  }
.LBB2_6:
0x27: {  	_ =	swait.ge [sflag:s25], $0x2800  }
0x28: {  	[sflag:s25] =	ssyncset.done $0x0  }
0x29: {  	[sflag:s25] =	ssyncadd.s32 $0xFFFFD800  }
0x2a: {  	[spmem:s2] =	stream.indirect.scatter.add.f32 [tilespmem:s16], [sflag:$0x7], $0x80, s7, s9, $0xb8;
	[tilespmem:$0x1E800] =	vst v63  }
0x2b: {  	_ =	swait.ge [sflag:s26], $0x2800  }
0x2c: {  	[sflag:s26] =	ssyncset.done $0x0  }
0x2d: {  	[sflag:s26] =	ssyncadd.s32 $0xFFFFD800  }
0x2e: {  	[spmem:s2] =	stream.indirect.scatter.add.f32 [tilespmem:s24], [sflag:$0x8], $0x80, s22, s9, $0xb8;
	[tilespmem:$0x1E800] =	vst v63  }
0x2f: {  	_ =	swait.ge [sflag:s28], $0x2800  }
0x30: {  	[sflag:s28] =	ssyncset.done $0x0  }
0x31: {  	[sflag:s28] =	ssyncadd.s32 $0xFFFFD800  }
0x32: {  	_ =	swait.ge [sflag:s5], $0x2800  }
0x33: {  	[sflag:s5] =	ssyncset.done $0x0  }
0x34: {  	[sflag:s5] =	ssyncadd.s32 $0xFFFFD800  }
0x35: {  	_ =	swait.ge [sflag:s30], $0x2800  }
0x36: {  	[sflag:s30] =	ssyncset.done $0x0  }
0x37: {  	s17 =	simm.s32 $0x8;
	[sflag:s30] =	ssyncadd.s32 $0xFFFFD800  }
0x38: {  	_ =	swait.ge [sflag:s17], $0x2800  }
0x39: {  	[sflag:s17] =	ssyncset.done $0x0  }
0x3a: {  	[sflag:s17] =	ssyncadd.s32 $0xFFFFD800  }
0x3b: {  	s20 =	stileid.u32;
	[bflag:$0x0] =	sbarrier.arrive $0xFFFF  }
0x3c: {  	s17 =	sshll.u32 s20, $0x6;
	s19 =	rddreg [dreg:$0x14]  }
0x3d: {  	s17 =	sor.u32 $0x1C0D, s17;
	s20 =	rddreg [dreg:$0x16]  }
0x3e: {  	[hbm:s19], [sflag:s17] =	dma.local [spmem:s20], $0x2800  }
0x3f: {  	s20 =	simm.s32 $0xD  }
0x40: {  	_ =	swait.ge [sflag:s20], $0x2800  }
0x41: {  	s17 =	rddreg [dreg:$0x19]  }
0x42: {  	s19 =	sadd.s32 $0x1, s17;
	s17 =	rddreg [dreg:$0x15]  }
0x43: {  	p0 =	sne.s32 s19, s17  }
.Ltmp1:
0x44: {  	_ = 	snop;
	(pc) =	sbr.rel @!p0 .LBB2_7-.Ltmp1, $3  }
0x45: {  	_ =	sdelay $0x1  }
0x46: {  	[sflag:s20] =	ssyncset.done $0x0  }
0x47: {  	[sflag:s20] =	ssyncadd.s32 $0xFFFFD800  }
.LBB2_1:
0x48: {  	[dreg:$0x19] =	wrdreg s19;
	s17 =	simm.s32 $0x0;
	s19 =	simm.s32 $0x200  }
.LBB2_2:
0x49: {  	p0 =	sne.s32 s19, $0x9E00;
	[tilespmem:s17+$0x470] =	vst v0  }
0x4a: {  	[tilespmem:s17+$0x400] =	vst v0  }
0x4b: {  	[tilespmem:s17+$0x410] =	vst v0  }
.Ltmp2:
0x4c: {  	[tilespmem:s17+$0x420] =	vst v0;
	(pc) =	sbr.rel @p0 .LBB2_2-.Ltmp2, $4  }
0x4d: {  	[tilespmem:s17+$0x430] =	vst v0  }
0x4e: {  	[tilespmem:s17+$0x440] =	vst v0  }
0x4f: {  	[tilespmem:s17+$0x450] =	vst v0  }
0x50: {  	[tilespmem:s17+$0x460] =	vst v0;
	s17 =	sshra.s32 s19, $0x2;
	s19 =	sadd.s32 $0x200, s19  }
0x51: {  	[tilespmem:s17+$0x470] =	vst v0  }
0x52: {  	[tilespmem:s17+$0x400] =	vst v0  }
0x53: {  	[tilespmem:s17+$0x410] =	vst v0  }
0x54: {  	[tilespmem:s17+$0x420] =	vst v0  }
0x55: {  	[tilespmem:s17+$0x430] =	vst v0  }
0x56: {  	[tilespmem:s17+$0x440] =	vst v0  }
0x57: {  	[tilespmem:s17+$0x450] =	vst v0  }
0x58: {  	[tilespmem:s17+$0x460] =	vst v0;
	s19 =	rddreg [dreg:$0x4]  }
0x59: {  	[spmem:s19] =	stream.linear.scatter [tilespmem:s29], [sflag:$0xD], $0x2800, $0x38;
	[tilespmem:$0x1E800] =	vst v63  }
0x5a: {  	_ =	swait.ge [sflag:s20], $0x2800  }
0x5b: {  	[sflag:s20] =	ssyncset.done $0x0  }
0x5c: {  	s19 =	rddreg [dreg:$0x5];
	[sflag:s20] =	ssyncadd.s32 $0xFFFFD800  }
0x5d: {  	[spmem:s19] =	stream.linear.scatter [tilespmem:s29], [sflag:$0xD], $0x2800, $0x38;
	[tilespmem:$0x1E800] =	vst v63  }
0x5e: {  	_ =	swait.ge [sflag:s20], $0x2800  }
0x5f: {  	[sflag:s20] =	ssyncset.done $0x0  }
0x60: {  	s19 =	rddreg [dreg:$0x6];
	[sflag:s20] =	ssyncadd.s32 $0xFFFFD800  }
0x61: {  	[spmem:s19] =	stream.linear.scatter [tilespmem:s29], [sflag:$0xD], $0x2800, $0x38;
	[tilespmem:$0x1E800] =	vst v63  }
0x62: {  	_ =	swait.ge [sflag:s20], $0x2800  }
0x63: {  	[sflag:s20] =	ssyncset.done $0x0  }
0x64: {  	s19 =	rddreg [dreg:$0x7];
	[sflag:s20] =	ssyncadd.s32 $0xFFFFD800  }
0x65: {  	[spmem:s19] =	stream.linear.scatter [tilespmem:s29], [sflag:$0xD], $0x2800, $0x38;
	[tilespmem:$0x1E800] =	vst v63  }
0x66: {  	_ =	swait.ge [sflag:s20], $0x2800  }
0x67: {  	[sflag:s20] =	ssyncset.done $0x0  }
0x68: {  	s19 =	rddreg [dreg:$0x8];
	[sflag:s20] =	ssyncadd.s32 $0xFFFFD800  }
0x69: {  	[spmem:s19] =	stream.linear.scatter [tilespmem:s29], [sflag:$0xD], $0x2800, $0x38;
	[tilespmem:$0x1E800] =	vst v63  }
0x6a: {  	_ =	swait.ge [sflag:s20], $0x2800  }
0x6b: {  	[sflag:s20] =	ssyncset.done $0x0  }
0x6c: {  	s19 =	rddreg [dreg:$0x9];
	[sflag:s20] =	ssyncadd.s32 $0xFFFFD800  }
0x6d: {  	[spmem:s19] =	stream.linear.scatter [tilespmem:s29], [sflag:$0xD], $0x2800, $0x38;
	[tilespmem:$0x1E800] =	vst v63  }
0x6e: {  	_ =	swait.ge [sflag:s20], $0x2800  }
0x6f: {  	[sflag:s20] =	ssyncset.done $0x0  }
0x70: {  	s19 =	rddreg [dreg:$0xa];
	[sflag:s20] =	ssyncadd.s32 $0xFFFFD800  }
0x71: {  	[spmem:s19] =	stream.linear.scatter [tilespmem:s29], [sflag:$0xD], $0x2800, $0x38;
	[tilespmem:$0x1E800] =	vst v63  }
0x72: {  	_ =	swait.ge [sflag:s20], $0x2800  }
0x73: {  	[sflag:s20] =	ssyncset.done $0x0  }
0x74: {  	s19 =	rddreg [dreg:$0xb];
	[sflag:s20] =	ssyncadd.s32 $0xFFFFD800  }
0x75: {  	[spmem:s19] =	stream.linear.scatter [tilespmem:s29], [sflag:$0xD], $0x2800, $0x38;
	[tilespmem:$0x1E800] =	vst v63  }
0x76: {  	_ =	swait.ge [sflag:s20], $0x2800  }
0x77: {  	[sflag:s20] =	ssyncset.done $0x0  }
0x78: {  	s19 =	rddreg [dreg:$0xc];
	[sflag:s20] =	ssyncadd.s32 $0xFFFFD800  }
0x79: {  	[spmem:s19] =	stream.linear.scatter [tilespmem:s29], [sflag:$0xD], $0x400, $0x38;
	[tilespmem:$0x1E800] =	vst v63  }
0x7a: {  	_ =	swait.ge [sflag:s20], $0x400  }
0x7b: {  	[sflag:s20] =	ssyncset.done $0x0  }
0x7c: {  	[sflag:s20] =	ssyncadd.s32 $0xFFFFFC00  }
0x7d: {  	[bflag:$0x0] =	sbarrier.arrive $0xFFFF  }
0x7e: {  	s17 =	simm.s32 $0x0;
	s19 =	rddreg [dreg:$0xd]  }
0x7f: {  	[tilespmem:s17], [sflag:$0x9] =	stream.linear.gather [hbm4b:s19+s17], $0x50, $0x38;
	[tilespmem:$0x1E800] =	vst v63  }
0x80: {  	s20 =	rddreg [dreg:$0xe]  }
0x81: {  	[tilespmem:s31], [sflag:$0x9] =	stream.linear.gather [hbm4b:s20+s17], $0x50, $0x38;
	[tilespmem:$0x1E800] =	vst v63  }
0x82: {  	s20 =	rddreg [dreg:$0xf]  }
0x83: {  	[tilespmem:s0], [sflag:$0xA] =	stream.linear.gather [hbm4b:s20+s17], $0x50, $0x38;
	[tilespmem:$0x1E800] =	vst v63  }
0x84: {  	s20 =	rddreg [dreg:$0x13]  }
0x85: {  	[tilespmem:s1], [sflag:$0xA] =	stream.linear.gather [hbm4b:s20+s17], $0x50, $0x38;
	[tilespmem:$0x1E800] =	vst v63  }
0x86: {  	s20 =	rddreg [dreg:$0x17]  }
0x87: {  	[tilespmem:s6], [sflag:$0xB] =	stream.linear.gather [hbm4b:s20+s17], $0x50, $0x38;
	[tilespmem:$0x1E800] =	vst v63  }
0x88: {  	s20 =	rddreg [dreg:$0x18]  }
0x89: {  	[tilespmem:s7], [sflag:$0xB] =	stream.linear.gather [hbm4b:s20+s17], $0x50, $0x38;
	[tilespmem:$0x1E800] =	vst v63  }
0x8a: {  	_ =	swait.ge [sflag:s8], $0x50  }
0x8b: {  	[sflag:s8] =	ssyncset.done $0x0  }
0x8c: {  	[sflag:s8] =	ssyncadd.s32 $0xFFFFFFB0  }
0x8d: {  	_ =	swait.ge [sflag:s8], $0x50  }
0x8e: {  	[sflag:s8] =	ssyncset.done $0x0  }
0x8f: {  	[sflag:s8] =	ssyncadd.s32 $0xFFFFFFB0  }
0x90: {  	[tilespmem:s29], [sflag:$0x1] =	stream.indirect.gather [hbm4b:s4+s9], $0x80, s17, s9, $0xb8;
	[tilespmem:$0x1E800] =	vst v63  }
0x91: {  	_ =	swait.ge [sflag:s10], $0x50  }
0x92: {  	[sflag:s10] =	ssyncset.done $0x0  }
0x93: {  	[sflag:s10] =	ssyncadd.s32 $0xFFFFFFB0  }
0x94: {  	_ =	swait.ge [sflag:s10], $0x50  }
0x95: {  	[sflag:s10] =	ssyncset.done $0x0  }
0x96: {  	[sflag:s10] =	ssyncadd.s32 $0xFFFFFFB0  }
0x97: {  	[tilespmem:s11], [sflag:$0x2] =	stream.indirect.gather [hbm4b:s4+s9], $0x80, s0, s9, $0xb8;
	[tilespmem:$0x1E800] =	vst v63  }
.LBB2_4:
0x98: {  	_ =	swait.ge [sflag:s12], $0x2800  }
0x99: {  	[sflag:s12] =	ssyncset.done $0x0  }
0x9a: {  	[sflag:s12] =	ssyncadd.s32 $0xFFFFD800  }
0x9b: {  	[spmem:s2] =	stream.indirect.scatter.add.f32 [tilespmem:s29], [sflag:$0x5], $0x80, s31, s9, $0xb8;
	[tilespmem:$0x1E800] =	vst v63  }
0x9c: {  	_ =	swait.ge [sflag:s13], $0x50  }
0x9d: {  	[sflag:s13] =	ssyncset.done $0x0  }
0x9e: {  	[sflag:s13] =	ssyncadd.s32 $0xFFFFFFB0  }
0x9f: {  	_ =	swait.ge [sflag:s13], $0x50  }
0xa0: {  	p0 =	seq.s32 s17, $0x0;
	[sflag:s13] =	ssyncset.done $0x0  }
0xa1: {  	s19 =	simm.s32 @!p0 $0x8;
	[sflag:s13] =	ssyncadd.s32 $0xFFFFFFB0  }
0xa2: {  	[tilespmem:s16], [sflag:$0x3] =	stream.indirect.gather [hbm4b:s4+s9], $0x80, s6, s9, $0xb8;
	[tilespmem:$0x1E800] =	vst v63  }
0xa3: {  	_ =	swait.ge @!p0 [sflag:s19], $0x2800  }
0xa4: {  	[sflag:s19] =	ssyncset.done @!p0 $0x0  }
0xa5: {  	s20 =	sadd.s32 s17, s21;
	[sflag:s19] =	ssyncadd.s32 @!p0 $0xFFFFD800;
	s19 =	sadd.s32 s17, s18  }
0xa6: {  	[tilespmem:s14], [sflag:$0xC] =	stream.linear.gather [hbm4b:s20+s3], $0x50, $0x38;
	[tilespmem:$0x1E800] =	vst v63  }
0xa7: {  	s20 =	sadd.s32 $0x1E, s19  }
0xa8: {  	[tilespmem:s22], [sflag:$0xC] =	stream.linear.gather [hbm4b:s20+s3], $0x50, $0x38;
	[tilespmem:$0x1E800] =	vst v63  }
0xa9: {  	_ =	swait.ge [sflag:s15], $0x2800  }
0xaa: {  	[sflag:s15] =	ssyncset.done $0x0  }
0xab: {  	[sflag:s15] =	ssyncadd.s32 $0xFFFFD800  }
0xac: {  	[spmem:s2] =	stream.indirect.scatter.add.f32 [tilespmem:s11], [sflag:$0x6], $0x80, s1, s9, $0xb8;
	[tilespmem:$0x1E800] =	vst v63  }
0xad: {  	_ =	swait.ge [sflag:s23], $0x50  }
0xae: {  	p0 =	seq.s32 s17, $0x4D8;
	[sflag:s23] =	ssyncset.done $0x0  }
.Ltmp3:
0xaf: {  	[sflag:s23] =	ssyncadd.s32 $0xFFFFFFB0;
	(pc) =	sbr.rel @p0 .LBB2_6-.Ltmp3, $4  }
0xb0: {  	_ =	swait.ge [sflag:s23], $0x50  }
0xb1: {  	[sflag:s23] =	ssyncset.done $0x0  }
0xb2: {  	[sflag:s23] =	ssyncadd.s32 $0xFFFFFFB0  }
0xb3: {  	[tilespmem:s24], [sflag:$0x4] =	stream.indirect.gather [hbm4b:s4+s9], $0x80, s14, s9, $0xb8;
	[tilespmem:$0x1E800] =	vst v63  }
0xb4: {  	_ =	swait.ge [sflag:s28], $0x2800  }
0xb5: {  	[sflag:s28] =	ssyncset.done $0x0;
	s20 =	rddreg [dreg:$0x10]  }
0xb6: {  	[sflag:s28] =	ssyncadd.s32 $0xFFFFD800;
	s20 =	sadd.s32 s17, s20  }
0xb7: {  	[tilespmem:s3], [sflag:$0x9] =	stream.linear.gather [hbm4b:s20+s3], $0x50, $0x38;
	[tilespmem:$0x1E800] =	vst v63  }
0xb8: {  	s20 =	sadd.s32 $0x28, s19  }
0xb9: {  	[tilespmem:s31], [sflag:$0x9] =	stream.linear.gather [hbm4b:s20+s3], $0x50, $0x38;
	[tilespmem:$0x1E800] =	vst v63  }
0xba: {  	_ =	swait.ge [sflag:s25], $0x2800  }
0xbb: {  	[sflag:s25] =	ssyncset.done $0x0  }
0xbc: {  	[sflag:s25] =	ssyncadd.s32 $0xFFFFD800  }
0xbd: {  	[spmem:s2] =	stream.indirect.scatter.add.f32 [tilespmem:s16], [sflag:$0x7], $0x80, s7, s9, $0xb8;
	[tilespmem:$0x1E800] =	vst v63  }
0xbe: {  	_ =	swait.ge [sflag:s8], $0x50  }
0xbf: {  	[sflag:s8] =	ssyncset.done $0x0  }
0xc0: {  	[sflag:s8] =	ssyncadd.s32 $0xFFFFFFB0  }
0xc1: {  	_ =	swait.ge [sflag:s8], $0x50  }
0xc2: {  	[sflag:s8] =	ssyncset.done $0x0  }
0xc3: {  	[sflag:s8] =	ssyncadd.s32 $0xFFFFFFB0  }
0xc4: {  	[tilespmem:s29], [sflag:$0x1] =	stream.indirect.gather [hbm4b:s4+s9], $0x80, s3, s9, $0xb8;
	[tilespmem:$0x1E800] =	vst v63  }
0xc5: {  	_ =	swait.ge [sflag:s5], $0x2800  }
0xc6: {  	[sflag:s5] =	ssyncset.done $0x0;
	s20 =	rddreg [dreg:$0x11]  }
0xc7: {  	[sflag:s5] =	ssyncadd.s32 $0xFFFFD800;
	s20 =	sadd.s32 s17, s20  }
0xc8: {  	[tilespmem:s0], [sflag:$0xA] =	stream.linear.gather [hbm4b:s20+s3], $0x50, $0x38;
	[tilespmem:$0x1E800] =	vst v63  }
0xc9: {  	s20 =	sadd.s32 $0x32, s19  }
0xca: {  	[tilespmem:s1], [sflag:$0xA] =	stream.linear.gather [hbm4b:s20+s3], $0x50, $0x38;
	[tilespmem:$0x1E800] =	vst v63  }
0xcb: {  	_ =	swait.ge [sflag:s26], $0x2800  }
0xcc: {  	[sflag:s26] =	ssyncset.done $0x0  }
0xcd: {  	[sflag:s26] =	ssyncadd.s32 $0xFFFFD800  }
0xce: {  	[spmem:s2] =	stream.indirect.scatter.add.f32 [tilespmem:s24], [sflag:$0x8], $0x80, s22, s9, $0xb8;
	[tilespmem:$0x1E800] =	vst v63  }
0xcf: {  	_ =	swait.ge [sflag:s10], $0x50  }
0xd0: {  	[sflag:s10] =	ssyncset.done $0x0  }
0xd1: {  	[sflag:s10] =	ssyncadd.s32 $0xFFFFFFB0  }
0xd2: {  	_ =	swait.ge [sflag:s10], $0x50  }
0xd3: {  	[sflag:s10] =	ssyncset.done $0x0  }
0xd4: {  	[sflag:s10] =	ssyncadd.s32 $0xFFFFFFB0  }
0xd5: {  	[tilespmem:s11], [sflag:$0x2] =	stream.indirect.gather [hbm4b:s4+s9], $0x80, s0, s9, $0xb8;
	[tilespmem:$0x1E800] =	vst v63  }
0xd6: {  	_ =	swait.ge [sflag:s30], $0x2800  }
.Ltmp4:
0xd7: {  	[sflag:s30] =	ssyncset.done $0x0;
	s20 =	rddreg [dreg:$0x12];
	(pc) =	sbr.rel .LBB2_4-.Ltmp4, $4  }
0xd8: {  	[sflag:s30] =	ssyncadd.s32 $0xFFFFD800;
	s20 =	sadd.s32 s17, s20  }
0xd9: {  	[tilespmem:s6], [sflag:$0xB] =	stream.linear.gather [hbm4b:s20+s3], $0x50, $0x38;
	[tilespmem:$0x1E800] =	vst v63  }
0xda: {  	s17 =	sadd.s32 $0x28, s17;
	s20 =	sadd.s32 $0x3C, s19  }
0xdb: {  	[tilespmem:s7], [sflag:$0xB] =	stream.linear.gather [hbm4b:s20+s3], $0x50, $0x38;
	[tilespmem:$0x1E800] =	vst v63  }
.LBB2_7:
0xdc: {  	_ =	sfence.sel $0x180000  }
0xdd: {  	[bflag:$0x0] =	sbarrier.arrive $0xFFFF  }
0xde: {  	_ =	strace $0x9000004D  }
0xdf: {  	s0 =	stileid.u32;
	[bflag:$0x2] =	sbarrier.arrive $0xFFFF  }
0xe0: {  	p0 =	sne.s32 s0, $0x0;
	s0 =	rddreg [dreg:$0x3]  }
0xe1: {  	s0 =	sadd.s32 @!p0 $0x100000, s0  }
0xe2: {  	[sflag:s0] =	ssyncadd.tile.s32 @!p0 $0x1;
	_ =	shalt  }
.Lfunc_end2:
_tile_overlayer_lowered:
.L_overlay_start_2:
0xe3: {  	(tag) =	ssettag $0x2  }
0xe4: {  	s0 =	rddreg [dreg:$0x0];
	s2 =	stileid.u32  }
0xe5: {  	s1 =	rddreg [dreg:$0x1];
	p0 =	sne.s32 s2, $0x0  }
0xe6: {  	s3 =	rddreg [dreg:$0x2];
	[bflag:$0x3] =	sbarrier.arrive $0xFFFF;
	s2 =	simm.s32 @!p0 $0x1C0D  }
0xe7: {  	[timem:s3], [sflag:s2] =	dma.local @!p0 [hbm:s0], s1  }
0xe8: {  	s0 =	simm.s32 @!p0 $0xD  }
0xe9: {  	_ =	swait.ge @!p0 [sflag:s0], s1  }
0xea: {  	s1 =	ssub.s32 @!p0 $0x0, s1;
	[sflag:s0] =	ssyncset.done @!p0 $0x0  }
0xeb: {  	[sflag:s0] =	ssyncadd.s32 @!p0 s1  }
0xec: {  	[bflag:$0x3] =	sbarrier.arrive $0xFFFF  }
0xed: {  	_ =	shalt  }

// kernel: _run.8.cloned.1.call-start
scs
__scs_entry_jumppad:
0x0: {  	(pc) =	sbr.rel $0x88, $3  }
0x1: {  	(tag) =	ssettag $0x0;
	lr =	simm.s32 $0x1  }
0x2: {  	[smem:$0x3F9A] =	sst lr;
	_ =	strace $0xD0000000  }
0x3: {  	_ = 	snop  }
0x4: {  	_ = 	snop  }
0x5: {  	_ = 	snop  }
0x6: {  	_ = 	snop  }
0x7: {  	_ = 	snop  }
__scs_overlays_trampoline_lowered:
0x8: {  	[smem:$0x3FA9] =	sst s0  }
0x9: {  	[smem:$0x3FAA] =	sst s1  }
0xa: {  	[smem:$0x3FAB] =	sst s2  }
0xb: {  	[smem:$0x3FAC] =	sst s3  }
0xc: {  	[smem:$0x3FAD] =	sst s4  }
0xd: {  	[smem:$0x3FAE] =	sst s5  }
0xe: {  	[smem:$0x3FAF] =	sst s6  }
0xf: {  	[smem:$0x3FB0] =	sst s7  }
0x10: {  	[smem:$0x3FB1] =	sst s8  }
0x11: {  	[smem:$0x3FB2] =	sst s9;
	s0 =	simm.s32 @!p0 $0x0  }
0x12: {  	s1 =	sld [smem:$0x3F98];
	s0 =	simm.s32 @p0 $0x1  }
0x13: {  	[smem:$0x3FB3] =	sst s0;
	s0 =	simm.s32 @!p1 $0x0  }
0x14: {  	s2 =	sld [smem:$0x3F97];
	s0 =	simm.s32 @p1 $0x1  }
0x15: {  	[smem:$0x3FB4] =	sst s0;
	s0 =	simm.s32 @!p2 $0x0  }
0x16: {  	s3 =	sld [smem:$0x3FDB];
	s0 =	simm.s32 @p2 $0x1  }
0x17: {  	s4 =	simm.s32 $0x1BF5;
	[smem:$0x3FB6] =	sst s0  }
0x18: {  	s0 =	sld [smem:$0x3F99];
	_ =	swait.ge [sflag:s4], $0x0  }
0x19: {  	s7 =	sld [smem:$0x3F9A]  }
0x1a: {  	s8 =	sadd.s32 $0xFFFFE003, lr  }
0x1b: {  	s9 =	sadd.s32 $0xFFFFFEF7, lr;
	s5 =	simm.s32 $0xFFFFFFFF;
	p2 =	slt.u32 s8, $0xFFFFF086  }
0x1c: {  	p1 =	slt.u32 s9, $0xF7A;
	s5 =	simm.s32 @!p2 $0x0  }
0x1d: {  	s5 =	simm.s32 @p1 $0x1;
	p0 =	seq.s32 s7, s2  }
0x1e: {  	s7 =	smul.u32 @!p0 $0xF7A, s2;
	p2 =	seq.s32 @!p0 s5, $0x0  }
0x1f: {  	s9 =	smul.u32 $0xF7A, s1;
	s8 =	simm.s32 @!p0 $0x1BF5;
	p2 =	por !p2, p0  }
0x20: {  	[sflag:s8] =	ssyncset.s32 @!p0 $0xFFFFF086;
	s6 =	sadd.s32 @!p0 s3, s7;
	s7 =	simm.s32 @!p0 $0x108  }
0x21: {  	s3 =	sadd.s32 s3, s9;
	s6 =	sadd.s32 @!p0 $0x88, s6;
	s7 =	simm.s32 @p2 $0x1082  }
0x22: {  	[simem:s7], [sflag:s8] =	dma.local @!p0 [hbm:s6], $0xF7A  }
0x23: {  	s9 =	sor.u32 $0xD0000000, s2;
	s6 =	simm.s32 $0x108;
	_ =	swait.ge @!p0 [sflag:s8], $0x0  }
0x24: {  	s3 =	sadd.s32 $0x88, s3;
	s6 =	simm.s32 @!p1 $0x1082;
	[sflag:s4] =	ssyncset.s32 $0xFFFFF086  }
0x25: {  	[simem:s6], [sflag:s4] =	dma.local [hbm:s3], $0xF7A  }
0x26: {  	[smem:$0x3F9A] =	sst s1;
	(tag) =	ssettag s2;
	_ =	strace s9  }
0x27: {  	s1 =	sld [smem:$0x3FAA]  }
0x28: {  	s2 =	sld [smem:$0x3FAB]  }
0x29: {  	s4 =	sld [smem:$0x3FAD]  }
0x2a: {  	p0 =	seq.s32 s5, $0x0;
	s5 =	sld [smem:$0x3FAE]  }
0x2b: {  	s6 =	sld [smem:$0x3FAF]  }
0x2c: {  	s7 =	sld [smem:$0x3FB0]  }
0x2d: {  	s3 =	simm.s32 $0x108;
	s8 =	sld [smem:$0x3FB1]  }
0x2e: {  	s3 =	simm.s32 @!p0 $0x1082;
	s9 =	sld [smem:$0x3FB2]  }
0x2f: {  	lr =	sadd.s32 s0, s3;
	s0 =	sld [smem:$0x3FA9]  }
0x30: {  	s3 =	sld [smem:$0x3FAC]  }
0x31: {  	[smem:$0x3FB5] =	sst s10  }
0x32: {  	s10 =	sld [smem:$0x3FB3];
	_ =	sdelay $0x3  }
0x33: {  	p0 =	seq.s32 s10, $0x1;
	s10 =	sld [smem:$0x3FB5];
	_ =	sdelay $0x3  }
0x34: {  	[smem:$0x3FB5] =	sst s10  }
0x35: {  	s10 =	sld [smem:$0x3FB4];
	_ =	sdelay $0x3  }
0x36: {  	p1 =	seq.s32 s10, $0x1;
	s10 =	sld [smem:$0x3FB5];
	_ =	sdelay $0x3  }
0x37: {  	[smem:$0x3FB5] =	sst s10  }
0x38: {  	s10 =	sld [smem:$0x3FB6]  }
0x39: {  	_ = 	snop;
	(pc) =	sbr.ind lr, $3  }
0x3a: {  	_ = 	snop  }
0x3b: {  	_ = 	snop  }
0x3c: {  	p2 =	seq.s32 s10, $0x1;
	s10 =	sld [smem:$0x3FB5]  }
0x3d: {  	_ =	shalt  }
0x3e: {  	_ =	shalt  }
0x3f: {  	_ =	shalt  }
0x40: {  	_ =	shalt  }
0x41: {  	_ =	shalt  }
0x42: {  	_ =	shalt  }
0x43: {  	_ =	shalt  }
0x44: {  	_ =	shalt  }
0x45: {  	_ =	shalt  }
0x46: {  	_ =	shalt  }
0x47: {  	_ =	shalt  }
0x48: {  	_ =	shalt  }
0x49: {  	_ =	shalt  }
0x4a: {  	_ =	shalt  }
0x4b: {  	_ =	shalt  }
0x4c: {  	_ =	shalt  }
0x4d: {  	_ =	shalt  }
0x4e: {  	_ =	shalt  }
0x4f: {  	_ =	shalt  }
0x50: {  	_ =	shalt  }
0x51: {  	_ =	shalt  }
0x52: {  	_ =	shalt  }
0x53: {  	_ =	shalt  }
0x54: {  	_ =	shalt  }
0x55: {  	_ =	shalt  }
0x56: {  	_ =	shalt  }
0x57: {  	_ =	shalt  }
0x58: {  	_ =	shalt  }
0x59: {  	_ =	shalt  }
0x5a: {  	_ =	shalt  }
0x5b: {  	_ =	shalt  }
0x5c: {  	_ =	shalt  }
0x5d: {  	_ =	shalt  }
0x5e: {  	_ =	shalt  }
0x5f: {  	_ =	shalt  }
0x60: {  	_ =	shalt  }
0x61: {  	_ =	shalt  }
0x62: {  	_ =	shalt  }
0x63: {  	_ =	shalt  }
0x64: {  	_ =	shalt  }
0x65: {  	_ =	shalt  }
0x66: {  	_ =	shalt  }
0x67: {  	_ =	shalt  }
0x68: {  	_ =	shalt  }
0x69: {  	_ =	shalt  }
0x6a: {  	_ =	shalt  }
0x6b: {  	_ =	shalt  }
0x6c: {  	_ =	shalt  }
0x6d: {  	_ =	shalt  }
0x6e: {  	_ =	shalt  }
0x6f: {  	_ =	shalt  }
0x70: {  	_ =	shalt  }
0x71: {  	_ =	shalt  }
0x72: {  	_ =	shalt  }
0x73: {  	_ =	shalt  }
0x74: {  	_ =	shalt  }
0x75: {  	_ =	shalt  }
0x76: {  	_ =	shalt  }
0x77: {  	_ =	shalt  }
0x78: {  	_ =	shalt  }
0x79: {  	_ =	shalt  }
0x7a: {  	_ =	shalt  }
0x7b: {  	_ =	shalt  }
0x7c: {  	_ =	shalt  }
0x7d: {  	_ =	shalt  }
0x7e: {  	_ =	shalt  }
0x7f: {  	_ =	shalt  }
0x80: {  	_ =	shalt  }
0x81: {  	_ =	shalt  }
0x82: {  	_ =	shalt  }
0x83: {  	_ =	shalt  }
0x84: {  	_ =	shalt  }
0x85: {  	_ =	shalt  }
0x86: {  	_ =	shalt  }
0x87: {  	_ =	shalt  }
.Lfunc_end0:
.L_simem_size_0:
called_computation_lowered:
.L_overlay_start_0:
0x88: {  	s2 =	sld [smem:$0x3FD9]  }
0x89: {  	s3 =	sld [smem:$0x3FFE];
	_ =	sdelay $0x1  }
0x8a: {  	s1 =	srdreg.scid  }
0x8b: {  	s0 =	sand.u32 $0x1, s1  }
0x8c: {  	s16 =	sshll.u32 s0, $0xA;
	s2 =	sadd.s32 s3, s2  }
0x8d: {  	s2 =	sadd.s32 s2, s16  }
0x8e: {  	[smem:$0x3FC1] =	sst s2  }
0x8f: {  	_ = 	snop  }
0x90: {  	(tm) =	ssettm $0x1  }
0x91: {  	s17 =	sld [smem:$0x3FFB];
	_ =	sdelay $0x3  }
0x92: {  	_ =	strace s17  }
0x93: {  	s2 =	sld [smem:$0x3FFC];
	_ =	sdelay $0x3  }
0x94: {  	_ =	strace s2  }
0x95: {  	s2 =	sld [smem:$0x3FFD];
	_ =	sdelay $0x3  }
0x96: {  	_ =	strace s2  }
0x97: {  	_ =	strace $0x8FFFFFFF  }
0x98: {  	s18 =	sld [smem:$0x3FDB];
	_ =	sdelay $0x1  }
0x99: {  	s19 =	simm.s32 $_scs_section_size  }
0x9a: {  	s4 =	simm.s32 $_size__tile_overlayer_lowered;
	s5 =	simm.s32 $_tile_overlayer_lowered  }
0x9b: {  	s22 =	simm.s32 $0x1BFF;
	s21 =	sshll.u32 s5, $0x1;
	s2 =	sadd.s32 s19, s18  }
0x9c: {  	s6 =	simm.s32 $0x0;
	s20 =	sshll.u32 s4, $0x1;
	s4 =	sadd.s32 s21, s2  }
0x9d: {  	[timem:s6], [sflag:s22] =	dma.local [hbm:s4], s20  }
0x9e: {  	_ =	swait.ge [sflag:s22], s20  }
0x9f: {  	s3 =	ssub.s32 $0x0, s20;
	[sflag:s22] =	ssyncset.done $0x0  }
0xa0: {  	[sflag:s22] =	ssyncadd.s32 s3;
	_ =	sdelay $0x1  }
0xa1: {  	s23 =	simm.s32 $0x1B8B  }
0xa2: {  	_ =	swait.ge [sflag:s23], $0x1  }
0xa3: {  	[sflag:s23] =	ssyncset.done $0x0  }
0xa4: {  	s25 =	simm.s32 $0x1B8E;
	s24 =	sld [smem:$0x3FFE];
	[sflag:s23] =	ssyncadd.s32 $0xFFFFFFFF  }
0xa5: {  	s26 =	simm.s32 $execute0_lowered;
	[smem:$0x3FD2] =	sst s25  }
0xa6: {  	s4 =	sshll.u32 s26, $0x1;
	_ =	strace $0x80000046;
	[dreg:$0x1] =	wrdreg $0xFFFFFFFF  }
0xa7: {  	s28 =	simm.s32 $_size_execute0_lowered;
	s2 =	sadd.s32 s2, s4;
	[dreg:$0x0] =	wrdreg $0x0  }
0xa8: {  	s4 =	sshll.u32 s28, $0x1;
	[dreg:$0x2] =	wrdreg s2  }
0xa9: {  	[dreg:$0x3] =	wrdreg s4  }
0xaa: {  	[dreg:$0x4] =	wrdreg $0xC0  }
0xab: {  	_ =	task [dreg:s6], $0x5FFFF  }
0xac: {  	[dreg:$0x1] =	wrdreg $0xFFFFFFFF  }
0xad: {  	[dreg:$0x0] =	wrdreg $0x60  }
0xae: {  	[dreg:$0x2] =	wrdreg s24  }
0xaf: {  	[dreg:$0x3] =	wrdreg $0x4000  }
0xb0: {  	[dreg:$0x4] =	wrdreg $0x9  }
0xb1: {  	_ =	task.clear_ibuf [dreg:s6], $0x5FFFF;
	_ =	strace $0x90000046  }
0xb2: {  	s29 =	simm.s32 $0x9;
	_ =	strace $0x80000048  }
0xb3: {  	_ =	swait.ge [sflag:s29], $0x1  }
0xb4: {  	[sflag:s29] =	ssyncadd.s32 $0xFFFFFFFF  }
0xb5: {  	_ =	strace $0x90000048  }
0xb6: {  	_ =	sfence  }
0xb7: {  	s30 =	sld [smem:$0x0];
	_ =	sdelay $0x2  }
0xb8: {  	s31 =	sshll.u32 s1, $0xD;
	s1 =	sshrl.u32 s1, $0x2  }
0xb9: {  	s3 =	sand.u32 $0x4000, s31;
	s1 =	sadd.s32 s1, s30  }
0xba: {  	s0 =	sor.u32 s3, s0;
	s1 =	sshll.u32 s1, $0x11  }
0xbb: {  	s0 =	sor.u32 s1, s0  }
0xbc: {  	s0 =	sadd.s32 $0x8F2B, s0  }
0xbd: {  	[sflag:s0] =	ssyncadd.remote.s32 $0x1  }
0xbe: {  	_ =	sfence.sel $0xFFFF  }
0xbf: {  	[dreg:$0x0] =	wrdreg $0xFFFFFFFF;
	(pc) =	sbr.abs _section_cstart, $3  }
0xc0: {  	[dreg:$0x1] =	wrdreg $0xFFFFFFFF  }
0xc1: {  	_ =	task.clear_ibuf [dreg:s6], $0x2FFFF;
	_ =	strace $0x9FFFFFFF  }
0xc2: {  	(tm) =	ssettm $0x7FFFFFFF  }
0xc3: {  	_ =	shalt  }
tec
execute0_lowered:
.L_overlay_start_1:
0x0: {  	(tag) =	ssettag $0x1  }
0x1: {  	s0 =	srdreg.scid  }
0x2: {  	s4 =	rddreg [dreg:$0x0];
	s5 =	sand.u32 $0x1, s0  }
0x3: {  	s0 =	stileid.u32;
	s6 =	smul.u32 $0x14000, s5  }
0x4: {  	s2 =	rddreg [dreg:$0x1];
	s7 =	smul.u32 $0x1400, s0  }
0x5: {  	s1 =	rddreg [dreg:$0x2];
	s3 =	simm.s32 $0x0;
	s8 =	smul.u32 $0x290, s0  }
0x6: {  	s11 =	simm.s32 $0x80;
	[smem:$0x7FF] =	sst s3;
	s9 =	smul.u32 $0x2900, s5  }
0x7: {  	s12 =	simm.s32 $0x0;
	_ =	strace $0x80000047;
	s5 =	ssub.s32 $0x2, s5  }
0x8: {  	s29 =	sshrl.u32 s5, $0x1;
	s6 =	sadd.s32 s7, s6;
	s28 =	sadd.s32 s8, s9  }
0x9: {  	s31 =	ssub.s32 s5, s29;
	s6 =	sshrl.u32 s6, $0x3;
	s7 =	sshrl.u32 s28, $0x3  }
0xa: {  	s9 =	simm.s32 $0x1;
	s10 =	sadd.s32 s6, s4;
	s30 =	sadd.s32 s7, s4  }
0xb: {  	s4 =	sadd.s32 s8, s2;
	s6 =	smax.u32 s31, $0x1;
	s8 =	simm.s32 $0x100  }
0xc: {  	v0 =	vimm.f32 $0.0e+00;
	v1 =	vimm.f32 $1.000000000e+00;
	s5 =	sadd.s32 $0x7000, s30;
	s7 =	sadd.s32 $0x2000, s10;
	s10 =	simm.s32 $0x50  }
.LBB2_1:
0xd: {  	[tilespmem:$0x100] =	vst v0  }
0xe: {  	[tilespmem:$0x110] =	vst v0  }
0xf: {  	[tilespmem:$0x120] =	vst v0  }
0x10: {  	[tilespmem:$0x130] =	vst v0  }
0x11: {  	[tilespmem:$0x140] =	vst v0  }
0x12: {  	[tilespmem:$0x150] =	vst v0  }
0x13: {  	[tilespmem:$0x160] =	vst v0  }
0x14: {  	[tilespmem:$0x170] =	vst v0  }
0x15: {  	[tilespmem:$0x180] =	vst v0  }
0x16: {  	[tilespmem:$0x190] =	vst v0  }
0x17: {  	[tilespmem:$0x1A0] =	vst v0  }
0x18: {  	[tilespmem:$0x1B0] =	vst v0  }
0x19: {  	[tilespmem:$0x1C0] =	vst v0  }
0x1a: {  	[tilespmem:$0x1D0] =	vst v0  }
0x1b: {  	[tilespmem:$0x1E0] =	vst v0  }
0x1c: {  	[tilespmem:$0x1F0] =	vst v0  }
0x1d: {  	[tilespmem:$0x200] =	vst v0  }
0x1e: {  	[tilespmem:$0x210] =	vst v0  }
0x1f: {  	[tilespmem:$0x220] =	vst v0  }
0x20: {  	[tilespmem:$0x230] =	vst v0  }
0x21: {  	[tilespmem:$0x240] =	vst v0  }
0x22: {  	[tilespmem:$0x250] =	vst v0  }
0x23: {  	[tilespmem:$0x260] =	vst v0  }
0x24: {  	[tilespmem:$0x270] =	vst v0  }
0x25: {  	[tilespmem:$0x280] =	vst v0  }
0x26: {  	[tilespmem:$0x290] =	vst v0  }
0x27: {  	[tilespmem:$0x2A0] =	vst v0  }
0x28: {  	[tilespmem:$0x2B0] =	vst v0  }
0x29: {  	[tilespmem:$0x2C0] =	vst v0  }
0x2a: {  	[tilespmem:$0x2D0] =	vst v0  }
0x2b: {  	[tilespmem:$0x2E0] =	vst v0  }
0x2c: {  	[tilespmem:$0x2F0] =	vst v0  }
0x2d: {  	[tilespmem:$0x300] =	vst v0  }
0x2e: {  	[tilespmem:$0x310] =	vst v0  }
0x2f: {  	[tilespmem:$0x320] =	vst v0  }
0x30: {  	[tilespmem:$0x330] =	vst v0  }
0x31: {  	[tilespmem:$0x340] =	vst v0  }
0x32: {  	[tilespmem:$0x350] =	vst v0  }
0x33: {  	[tilespmem:$0x360] =	vst v0  }
0x34: {  	[tilespmem:$0x370] =	vst v0  }
0x35: {  	[tilespmem:$0x380] =	vst v0  }
0x36: {  	[tilespmem:$0x80] =	vst v1  }
0x37: {  	[tilespmem:$0x90] =	vst v1  }
0x38: {  	[tilespmem:$0xA0] =	vst v1  }
0x39: {  	[tilespmem:$0xB0] =	vst v1  }
0x3a: {  	[tilespmem:$0xC0] =	vst v1  }
0x3b: {  	[spmem:s4] =	stream.linear.scatter [tilespmem:s8], [sflag:$0x1], $0x290, $0x38;
	[tilespmem:$0x690] =	vst v63  }
0x3c: {  	_ =	swait.ge [sflag:s9], $0x290  }
0x3d: {  	[sflag:s9] =	ssyncset.done $0x0  }
0x3e: {  	[sflag:s9] =	ssyncadd.s32 $0xFFFFFD70  }
0x3f: {  	s13 =	sadd.s32 $0x0, s7;
	[bflag:$0x0] =	sbarrier.arrive $0xFFFF  }
0x40: {  	[tilespmem:s3], [sflag:$0x1] =	stream.linear.gather [hbm4b:s13+s3], $0x50, $0x38;
	[tilespmem:$0x690] =	vst v63  }
0x41: {  	_ =	swait.ge [sflag:s9], $0x50  }
0x42: {  	[sflag:s9] =	ssyncset.done $0x0  }
0x43: {  	[sflag:s9] =	ssyncadd.s32 $0xFFFFFFB0  }
0x44: {  	[spmem:s2] =	stream.indirect.scatter.add.f32 [tilespmem:s11], [sflag:$0x1], $0x1, s3, s10, $0xb8;
	[tilespmem:$0x690] =	vst v63  }
0x45: {  	_ =	swait.ge [sflag:s9], $0x50  }
0x46: {  	s14 =	simm.s32 $0x14;
	s13 =	simm.s32 $0xA;
	[sflag:s9] =	ssyncset.done $0x0  }
.LBB2_2:
0x47: {  	s15 =	sadd.s32 s13, s7  }
0x48: {  	[sflag:s9] =	ssyncadd.s32 $0xFFFFFFB0;
	s13 =	smov.u32 s14;
	s16 =	sadd.s32 $0xA, s14  }
0x49: {  	[tilespmem:s3], [sflag:$0x1] =	stream.linear.gather [hbm4b:s15+s3], $0x50, $0x38;
	[tilespmem:$0x690] =	vst v63  }
0x4a: {  	p0 =	sne.s32 s14, $0x276;
	_ =	swait.ge [sflag:s9], $0x50  }
.Ltmp0:
0x4b: {  	[sflag:s9] =	ssyncset.done $0x0;
	(pc) =	sbr.rel @p0 .LBB2_2-.Ltmp0, $4  }
0x4c: {  	[sflag:s9] =	ssyncadd.s32 $0xFFFFFFB0  }
0x4d: {  	[spmem:s2] =	stream.indirect.scatter.add.f32 [tilespmem:s11], [sflag:$0x1], $0x1, s3, s10, $0xb8;
	[tilespmem:$0x690] =	vst v63  }
0x4e: {  	_ =	swait.ge [sflag:s9], $0x50  }
0x4f: {  	s14 =	smov.u32 s16;
	[sflag:s9] =	ssyncset.done $0x0  }
0x50: {  	s13 =	sadd.s32 s13, s7;
	[sflag:s9] =	ssyncadd.s32 $0xFFFFFFB0  }
0x51: {  	[tilespmem:s3], [sflag:$0x1] =	stream.linear.gather [hbm4b:s13+s3], $0x50, $0x38;
	[tilespmem:$0x690] =	vst v63  }
0x52: {  	_ =	swait.ge [sflag:s9], $0x50  }
0x53: {  	[sflag:s9] =	ssyncset.done $0x0  }
0x54: {  	[sflag:s9] =	ssyncadd.s32 $0xFFFFFFB0  }
0x55: {  	[spmem:s2] =	stream.indirect.scatter.add.f32 [tilespmem:s11], [sflag:$0x1], $0x1, s3, s10, $0xb8;
	[tilespmem:$0x690] =	vst v63  }
0x56: {  	_ =	swait.ge [sflag:s9], $0x50  }
0x57: {  	[sflag:s9] =	ssyncset.done $0x0  }
0x58: {  	[sflag:s9] =	ssyncadd.s32 $0xFFFFFFB0  }
0x59: {  	[bflag:$0x0] =	sbarrier.arrive $0xFFFF  }
0x5a: {  	[tilespmem:s8], [sflag:$0x1] =	stream.linear.gather [spmem:s4], $0x290, $0x38;
	[tilespmem:$0x690] =	vst v63  }
0x5b: {  	s12 =	sadd.s32 $0x1, s12;
	_ =	swait.ge [sflag:s9], $0x290  }
0x5c: {  	p0 =	sne.s32 s12, s6;
	[sflag:s9] =	ssyncset.done $0x0  }
.Ltmp1:
0x5d: {  	[sflag:s9] =	ssyncadd.s32 $0xFFFFFD70;
	(pc) =	sbr.rel @p0 .LBB2_1-.Ltmp1, $4  }
0x5e: {  	[hbm4b:s5+s3] =	stream.linear.scatter [tilespmem:s8], [sflag:$0x1], $0x290, $0x38;
	[tilespmem:$0x690] =	vst v63  }
0x5f: {  	_ =	swait.ge [sflag:s9], $0x290  }
0x60: {  	[sflag:s9] =	ssyncset.done $0x0  }
0x61: {  	[sflag:s9] =	ssyncadd.s32 $0xFFFFFD70  }
0x62: {  	_ =	sfence.sel $0x180000  }
0x63: {  	[bflag:$0x0] =	sbarrier.arrive $0xFFFF  }
0x64: {  	p0 =	sne.s32 s0, $0x0;
	_ =	strace $0x90000047  }
0x65: {  	s0 =	sadd.s32 @!p0 $0x100000, s1;
	[bflag:$0x2] =	sbarrier.arrive $0xFFFF  }
0x66: {  	[sflag:s0] =	ssyncadd.tile.s32 @!p0 $0x1;
	_ =	shalt  }
.Lfunc_end2:
_tile_overlayer_lowered:
.L_overlay_start_2:
0x67: {  	(tag) =	ssettag $0x2  }
0x68: {  	s0 =	rddreg [dreg:$0x0];
	s2 =	stileid.u32  }
0x69: {  	s1 =	rddreg [dreg:$0x1];
	p0 =	sne.s32 s2, $0x0  }
0x6a: {  	s3 =	rddreg [dreg:$0x2];
	[bflag:$0x3] =	sbarrier.arrive $0xFFFF;
	s2 =	simm.s32 @!p0 $0x1C01  }
0x6b: {  	[timem:s3], [sflag:s2] =	dma.local @!p0 [hbm:s0], s1  }
0x6c: {  	s0 =	simm.s32 @!p0 $0x1  }
0x6d: {  	_ =	swait.ge @!p0 [sflag:s0], s1  }
0x6e: {  	s1 =	ssub.s32 @!p0 $0x0, s1;
	[sflag:s0] =	ssyncset.done @!p0 $0x0  }
0x6f: {  	[sflag:s0] =	ssyncadd.s32 @!p0 s1  }
0x70: {  	[bflag:$0x3] =	sbarrier.arrive $0xFFFF  }
0x71: {  	_ =	shalt  }

</sc_bundles>
